<compile_context>
chip_gen: v7x
topology: tpu7x:2x2x1
jax: 0.10.2.dev20260603
libtpu: 0.0.44.dev20260713+nightly
codegen_flags: <defaults>
</compile_context>

<pallas_src>
import functools

import jax
import jax.numpy as jnp
from jax import lax
from jax.experimental import pallas as pl
from jax.experimental.pallas import tpu as pltpu
from jax.experimental.pallas import tpu_sc as plsc

N_TOKENS = 16384
HIDDEN = 2048
N_EXP = 16
LANE = 16

N_SC = 1024
N_TC = N_TOKENS - N_SC
BLK = 1024
NW = 32
TW = N_SC // NW
CH = 16
NCH = TW // CH


def _tc_gate_kernel(h_ref, w_ref, b_ref, w1_ref, w2_ref, i1_ref, i2_ref):
    h_blk = h_ref[...]
    w = w_ref[...]
    logits = lax.dot_general(
        w, h_blk, (((1,), (1,)), ((), ())),
        preferred_element_type=jnp.float32)
    logits = logits + b_ref[...]

    m1 = logits[0]
    i1 = jnp.zeros((BLK,), jnp.int32)
    m2 = jnp.full((BLK,), -jnp.inf)
    i2 = jnp.zeros((BLK,), jnp.int32)
    for e in range(1, N_EXP):
        x = logits[e]
        new_top = x > m1
        new_sec = jnp.logical_and(jnp.logical_not(new_top), x > m2)
        m2 = jnp.where(new_top, m1, jnp.where(new_sec, x, m2))
        i2 = jnp.where(new_top, i1, jnp.where(new_sec, e, i2))
        m1 = jnp.where(new_top, x, m1)
        i1 = jnp.where(new_top, e, i1)

    e2 = jnp.exp(m2 - m1)
    inv = 1.0 / (1.0 + e2)
    w1_ref[...] = inv
    w2_ref[...] = e2 * inv
    i1_ref[...] = i1
    i2_ref[...] = i2


_BITREV = (0, 8, 4, 12, 2, 10, 6, 14, 1, 9, 5, 13, 3, 11, 7, 15)
_GDN = lax.GatherDimensionNumbers(
    offset_dims=(), collapsed_slice_dims=(0,), start_index_map=(0,))


def _permute(x, idx):
    return lax.gather(x, idx[:, None], _GDN, (1,),
                      mode=lax.GatherScatterMode.PROMISE_IN_BOUNDS)


def _round_bf16(x):
    c = x * 65537.0
    return c - (c - x)


def _allmax(x, lanes):
    for s in (8, 4, 2, 1):
        x = jnp.maximum(x, _permute(x, lanes ^ s))
    return x


def _argeq(x, m, lanes):
    cand = jnp.where(x == m, lanes, LANE)
    for s in (8, 4, 2, 1):
        cand = jnp.minimum(cand, _permute(cand, lanes ^ s))
    return cand


def _sc_gate_kernel(h_hbm, w_hbm, b_hbm, w1_hbm, w2_hbm, i1_hbm, i2_hbm,
                    w_vmem, h_buf, ow1, ow2, oi1, oi2, b_vmem):
    wid = lax.axis_index("s") * 2 + lax.axis_index("c")
    base = N_TC + wid * TW

    pltpu.sync_copy(w_hbm, w_vmem)
    pltpu.sync_copy(b_hbm, b_vmem)
    bias = b_vmem[...]
    lanes = lax.iota(jnp.int32, LANE)
    zeros = jnp.zeros((LANE,), jnp.float32)
    izeros = jnp.zeros((LANE,), jnp.int32)

    def w_round_body(c, _):
        cc = c * LANE
        for e in range(N_EXP):
            w_vmem[e, pl.ds(cc, LANE)] = _round_bf16(w_vmem[e, pl.ds(cc, LANE)])
        return 0
    lax.fori_loop(0, HIDDEN // LANE, w_round_body, 0)

    def pair_body(p, accs4):
        w1a, w2a, i1a, i2a = accs4
        t0 = 2 * p

        def c_body(c, accs):
            cc = c * LANE
            a0, a1 = accs
            h0 = _round_bf16(h_buf[t0, pl.ds(cc, LANE)])
            h1 = _round_bf16(h_buf[t0 + 1, pl.ds(cc, LANE)])
            na0 = []
            na1 = []
            for e in range(N_EXP):
                wv = w_vmem[e, pl.ds(cc, LANE)]
                na0.append(a0[e] + h0 * wv)
                na1.append(a1[e] + h1 * wv)
            return (tuple(na0), tuple(na1))

        init = (tuple(zeros for _ in range(N_EXP)),
                tuple(zeros for _ in range(N_EXP)))
        accs = lax.fori_loop(0, HIDDEN // LANE, c_body, init)

        for tok in range(2):
            acc = accs[tok]
            vecs = [acc[_BITREV[i]] for i in range(N_EXP)]
            for s in (8, 4, 2, 1):
                sel = (lanes & s) == 0
                vecs = [jnp.where(sel,
                                  vecs[2 * i] + _permute(vecs[2 * i],
                                                         lanes ^ s),
                                  vecs[2 * i + 1] + _permute(vecs[2 * i + 1],
                                                             lanes ^ s))
                        for i in range(len(vecs) // 2)]
            lv = vecs[0] + bias
            m1 = _allmax(lv, lanes)
            i1 = _argeq(lv, m1, lanes)
            masked = jnp.where(lanes == i1, -jnp.inf, lv)
            m2 = _allmax(masked, lanes)
            i2 = _argeq(masked, m2, lanes)
            ev = jnp.exp(m2 - m1)
            w1v = 1.0 / (1.0 + ev)
            t = t0 + tok
            hit = lanes == t
            w1a = jnp.where(hit, w1v, w1a)
            w2a = jnp.where(hit, ev * w1v, w2a)
            i1a = jnp.where(hit, i1, i1a)
            i2a = jnp.where(hit, i2, i2a)
        return (w1a, w2a, i1a, i2a)

    for ch in range(NCH):
        pltpu.sync_copy(h_hbm.at[pl.ds(base + ch * CH, CH)], h_buf)
        w1a, w2a, i1a, i2a = lax.fori_loop(
            0, CH // 2, pair_body, (zeros, zeros, izeros, izeros))
        ow1[pl.ds(ch * CH, LANE)] = w1a
        ow2[pl.ds(ch * CH, LANE)] = w2a
        oi1[pl.ds(ch * CH, LANE)] = i1a
        oi2[pl.ds(ch * CH, LANE)] = i2a

    pltpu.sync_copy(ow1, w1_hbm.at[pl.ds(wid * TW, TW)])
    pltpu.sync_copy(ow2, w2_hbm.at[pl.ds(wid * TW, TW)])
    pltpu.sync_copy(oi1, i1_hbm.at[pl.ds(wid * TW, TW)])
    pltpu.sync_copy(oi2, i2_hbm.at[pl.ds(wid * TW, TW)])


_sc_gate = functools.partial(
    pl.kernel,
    out_type=[
        jax.ShapeDtypeStruct((N_SC,), jnp.float32),
        jax.ShapeDtypeStruct((N_SC,), jnp.float32),
        jax.ShapeDtypeStruct((N_SC,), jnp.int32),
        jax.ShapeDtypeStruct((N_SC,), jnp.int32),
    ],
    mesh=plsc.VectorSubcoreMesh(core_axis_name="c", subcore_axis_name="s",
                                num_cores=2, num_subcores=16),
    scratch_types=[
        pltpu.VMEM((N_EXP, HIDDEN), jnp.float32),
        pltpu.VMEM((CH, HIDDEN), jnp.float32),
        pltpu.VMEM((TW,), jnp.float32),
        pltpu.VMEM((TW,), jnp.float32),
        pltpu.VMEM((TW,), jnp.int32),
        pltpu.VMEM((TW,), jnp.int32),
        pltpu.VMEM((LANE,), jnp.float32),
    ],
)(_sc_gate_kernel)


@jax.jit
def kernel(h, weight, bias):
    sw1, sw2, si1, si2 = _sc_gate(h, weight, bias)

    tw1, tw2, ti1, ti2 = pl.pallas_call(
        _tc_gate_kernel,
        grid=(N_TC // BLK,),
        in_specs=[
            pl.BlockSpec((BLK, HIDDEN), lambda i: (i, 0)),
            pl.BlockSpec((N_EXP, HIDDEN), lambda i: (0, 0)),
            pl.BlockSpec((N_EXP, 1), lambda i: (0, 0)),
        ],
        out_specs=[
            pl.BlockSpec((BLK,), lambda i: (i,)),
            pl.BlockSpec((BLK,), lambda i: (i,)),
            pl.BlockSpec((BLK,), lambda i: (i,)),
            pl.BlockSpec((BLK,), lambda i: (i,)),
        ],
        out_shape=[
            jax.ShapeDtypeStruct((N_TC,), jnp.float32),
            jax.ShapeDtypeStruct((N_TC,), jnp.float32),
            jax.ShapeDtypeStruct((N_TC,), jnp.int32),
            jax.ShapeDtypeStruct((N_TC,), jnp.int32),
        ],
    )(h, weight, bias.reshape(N_EXP, 1))

    w1 = jnp.concatenate([tw1, sw1])
    w2 = jnp.concatenate([tw2, sw2])
    i1 = jnp.concatenate([ti1, si1])
    i2 = jnp.concatenate([ti2, si2])
    tw = jnp.stack([w1, w2], axis=-1)
    ti = jnp.stack([i1, i2], axis=-1)
    return (tw, ti)

# --- scband reference (transcript-rebuilt; emitter-appended) ---
"""Pipeline reference for scband-mo-megate-58583353917581 (READ-ONLY COPY).

The authoritative reference and input builder live on the scoring server;
editing this copy changes nothing except your own understanding.
"""

import jax, jax.numpy as jnp
import numpy as np

HIDDEN_DIM = 2048
NUM_SHARDS = 16
TOP_K = 2
N_TOKENS = 16384


def setup_inputs(seed: int = 0) -> dict:
    key = jax.random.key(seed)
    k1, k2 = jax.random.split(key, 2)
    h = jax.random.normal(k1, (N_TOKENS, HIDDEN_DIM), dtype=jnp.float32)
    weight = jax.random.normal(k2, (NUM_SHARDS, HIDDEN_DIM), dtype=jnp.float32) * 0.02
    bias = jnp.zeros((NUM_SHARDS,), dtype=jnp.float32)
    return {"h": h, "weight": weight, "bias": bias}


def reference(h, weight, bias):
    # logits = h @ W_g^T + b_g
    logits = h @ weight.T + bias
    probs = jax.nn.softmax(logits, axis=-1)
    k = min(TOP_K, weight.shape[0])
    topk_vals, topk_idx = jax.lax.top_k(probs, k)
    denom = jnp.clip(jnp.sum(topk_vals, axis=-1, keepdims=True), 1e-12, None)
    topk_w = topk_vals / denom
    return (topk_w, topk_idx)

if __name__ == "__main__":
    import jax
    _d = setup_inputs()
    print(jax.jit(kernel)(*tuple(_d.values())))

</pallas_src>

<mosaic_0001>
#map = affine_map<(d0, d1) -> (0, 0)>
#map1 = affine_map<(d0, d1) -> (0)>
module attributes {stable_mosaic.version = 14 : i64} {
  func.func @_sc_gate_kernel(%arg0: i32, %arg1: i32, %arg2: memref<16384x2048xf32, #tpu.memory_space<hbm>>, %arg3: memref<16x2048xf32, #tpu.memory_space<hbm>>, %arg4: memref<16xf32, #tpu.memory_space<hbm>>, %arg5: memref<1024xf32, #tpu.memory_space<hbm>>, %arg6: memref<1024xf32, #tpu.memory_space<hbm>>, %arg7: memref<1024xi32, #tpu.memory_space<hbm>>, %arg8: memref<1024xi32, #tpu.memory_space<hbm>>, %arg9: memref<16x2048xf32, #tpu.memory_space<vmem>>, %arg10: memref<16x2048xf32, #tpu.memory_space<vmem>>, %arg11: memref<32xf32, #tpu.memory_space<vmem>>, %arg12: memref<32xf32, #tpu.memory_space<vmem>>, %arg13: memref<32xi32, #tpu.memory_space<vmem>>, %arg14: memref<32xi32, #tpu.memory_space<vmem>>, %arg15: memref<16xf32, #tpu.memory_space<vmem>>) attributes {dimension_semantics = [#tpu.dimension_semantics<core_parallel>, #tpu.dimension_semantics<subcore_parallel>], iteration_bounds = array<i64: 2, 16>, scalar_prefetch = 0 : i64, scratch_operands = 7 : i64, tpu.core_type = #tpu.core_type<sc_vector_subcore>, window_params = [{transform_indices = #map}, {transform_indices = #map}, {transform_indices = #map1}, {transform_indices = #map1}, {transform_indices = #map1}, {transform_indices = #map1}, {transform_indices = #map1}]} {
    %mul3A = arith.constant 2 : i32
    %mul3A_0 = arith.muli %arg1, %mul3A : i32
    %add3A = arith.addi %mul3A_0, %arg0 : i32
    %mul3A_1 = arith.constant 32 : i32
    %mul3A_2 = arith.muli %add3A, %mul3A_1 : i32
    %add3A_3 = arith.constant 15360 : i32
    %add3A_4 = arith.addi %add3A_3, %mul3A_2 : i32
    "tpu.region"() ({
      %run_scoped3A = tpu.sem_alloc : memref<!tpu.dma_semaphore, #tpu.memory_space<semaphore_mem>>
      tpu.enqueue_dma source(%arg3 : memref<16x2048xf32, #tpu.memory_space<hbm>>) target(%arg9 : memref<16x2048xf32, #tpu.memory_space<vmem>>) target_semaphore(%run_scoped3A : memref<!tpu.dma_semaphore, #tpu.memory_space<semaphore_mem>>)
      tpu.wait_dma2 semaphore(%run_scoped3A : memref<!tpu.dma_semaphore, #tpu.memory_space<semaphore_mem>>) src(%arg3 : memref<16x2048xf32, #tpu.memory_space<hbm>>) dst(%arg9 : memref<16x2048xf32, #tpu.memory_space<vmem>>)
      tpu.yield
    }) : () -> ()
    "tpu.region"() ({
      %run_scoped3A = tpu.sem_alloc : memref<!tpu.dma_semaphore, #tpu.memory_space<semaphore_mem>>
      tpu.enqueue_dma source(%arg4 : memref<16xf32, #tpu.memory_space<hbm>>) target(%arg15 : memref<16xf32, #tpu.memory_space<vmem>>) target_semaphore(%run_scoped3A : memref<!tpu.dma_semaphore, #tpu.memory_space<semaphore_mem>>)
      tpu.wait_dma2 semaphore(%run_scoped3A : memref<!tpu.dma_semaphore, #tpu.memory_space<semaphore_mem>>) src(%arg4 : memref<16xf32, #tpu.memory_space<hbm>>) dst(%arg15 : memref<16xf32, #tpu.memory_space<vmem>>)
      tpu.yield
    }) : () -> ()
    %get3A = arith.constant 0 : index
    %get3A_5 = tpu.vector_load %arg15[%get3A] {strides = array<i32>} : memref<16xf32, #tpu.memory_space<vmem>>, vector<16xf32>,
    %get3A_6 = vector.shape_cast %get3A_5 : vector<16xf32> to vector<16xf32>
    %iota3A = tpu.iota {dimensions = array<i32: 0>} : vector<16xi32>
    %broadcast_in_dim3A = arith.constant 0.000000e+00 : f32
    %broadcast_in_dim3A_7 = vector.broadcast %broadcast_in_dim3A : f32 to vector<16xf32>
    %broadcast_in_dim3A_8 = arith.constant 0 : i32
    %broadcast_in_dim3A_9 = vector.broadcast %broadcast_in_dim3A_8 : i32 to vector<16xi32>
    %scan3A = arith.constant 0 : i32
    %scan3A_10 = arith.constant 0 : i32
    %scan3A_11 = arith.constant 128 : i32
    %scan3A_12 = arith.addi %scan3A_10, %scan3A_11 : i32
    %scan3A_13 = arith.constant 1 : i32
    %scan3A_14 = scf.for %scan3A_71 = %scan3A_10 to %scan3A_12 step %scan3A_13 iter_args(%scan3A_72 = %scan3A) -> (i32)  : i32 {
      %mul3A_73 = arith.constant 16 : i32
      %mul3A_74 = arith.muli %scan3A_71, %mul3A_73 : i32
      %get3A_75 = arith.constant 0 : i32
      %get3A_76 = arith.index_cast %get3A_75 : i32 to index
      %get3A_77 = arith.index_cast %mul3A_74 : i32 to index
      %get3A_78 = tpu.vector_load %arg9[%get3A_76, %get3A_77] {strides = array<i32>} : memref<16x2048xf32, #tpu.memory_space<vmem>>, vector<1x16xf32>,
      %get3A_79 = vector.shape_cast %get3A_78 : vector<1x16xf32> to vector<16xf32>
      %mul3A_80 = arith.constant 6.553700e+04 : f32
      %mul3A_81 = vector.broadcast %mul3A_80 : f32 to vector<16xf32>
      %mul3A_82 = arith.mulf %get3A_79, %mul3A_81 : vector<16xf32>
      %sub3A = arith.subf %mul3A_82, %get3A_79 : vector<16xf32>
      %sub3A_83 = arith.subf %mul3A_82, %sub3A : vector<16xf32>
      %swap3A_84 = arith.constant 0 : i32
      %swap3A_85 = arith.index_cast %swap3A_84 : i32 to index
      %swap3A_86 = arith.index_cast %mul3A_74 : i32 to index
      %swap3A_87 = tpu.vector_load %arg9[%swap3A_85, %swap3A_86] {strides = array<i32>} : memref<16x2048xf32, #tpu.memory_space<vmem>>, vector<1x16xf32>,
      %swap3A_88 = vector.shape_cast %swap3A_87 : vector<1x16xf32> to vector<16xf32>
      %swap3A_89 = vector.shape_cast %sub3A_83 : vector<16xf32> to vector<1x16xf32>
      tpu.vector_store %arg9[%swap3A_85, %swap3A_86], %swap3A_89 {strides = array<i32>} : memref<16x2048xf32, #tpu.memory_space<vmem>>, vector<1x16xf32>,
      %get3A_90 = arith.constant 1 : i32
      %get3A_91 = arith.index_cast %get3A_90 : i32 to index
      %get3A_92 = arith.index_cast %mul3A_74 : i32 to index
      %get3A_93 = tpu.vector_load %arg9[%get3A_91, %get3A_92] {strides = array<i32>} : memref<16x2048xf32, #tpu.memory_space<vmem>>, vector<1x16xf32>,
      %get3A_94 = vector.shape_cast %get3A_93 : vector<1x16xf32> to vector<16xf32>
      %mul3A_95 = arith.constant 6.553700e+04 : f32
      %mul3A_96 = vector.broadcast %mul3A_95 : f32 to vector<16xf32>
      %mul3A_97 = arith.mulf %get3A_94, %mul3A_96 : vector<16xf32>
      %sub3A_98 = arith.subf %mul3A_97, %get3A_94 : vector<16xf32>
      %sub3A_99 = arith.subf %mul3A_97, %sub3A_98 : vector<16xf32>
      %swap3A_100 = arith.constant 1 : i32
      %swap3A_101 = arith.index_cast %swap3A_100 : i32 to index
      %swap3A_102 = arith.index_cast %mul3A_74 : i32 to index
      %swap3A_103 = tpu.vector_load %arg9[%swap3A_101, %swap3A_102] {strides = array<i32>} : memref<16x2048xf32, #tpu.memory_space<vmem>>, vector<1x16xf32>,
      %swap3A_104 = vector.shape_cast %swap3A_103 : vector<1x16xf32> to vector<16xf32>
      %swap3A_105 = vector.shape_cast %sub3A_99 : vector<16xf32> to vector<1x16xf32>
      tpu.vector_store %arg9[%swap3A_101, %swap3A_102], %swap3A_105 {strides = array<i32>} : memref<16x2048xf32, #tpu.memory_space<vmem>>, vector<1x16xf32>,
      %get3A_106 = arith.constant 2 : i32
      %get3A_107 = arith.index_cast %get3A_106 : i32 to index
      %get3A_108 = arith.index_cast %mul3A_74 : i32 to index
      %get3A_109 = tpu.vector_load %arg9[%get3A_107, %get3A_108] {strides = array<i32>} : memref<16x2048xf32, #tpu.memory_space<vmem>>, vector<1x16xf32>,
      %get3A_110 = vector.shape_cast %get3A_109 : vector<1x16xf32> to vector<16xf32>
      %mul3A_111 = arith.constant 6.553700e+04 : f32
      %mul3A_112 = vector.broadcast %mul3A_111 : f32 to vector<16xf32>
      %mul3A_113 = arith.mulf %get3A_110, %mul3A_112 : vector<16xf32>
      %sub3A_114 = arith.subf %mul3A_113, %get3A_110 : vector<16xf32>
      %sub3A_115 = arith.subf %mul3A_113, %sub3A_114 : vector<16xf32>
      %swap3A_116 = arith.constant 2 : i32
      %swap3A_117 = arith.index_cast %swap3A_116 : i32 to index
      %swap3A_118 = arith.index_cast %mul3A_74 : i32 to index
      %swap3A_119 = tpu.vector_load %arg9[%swap3A_117, %swap3A_118] {strides = array<i32>} : memref<16x2048xf32, #tpu.memory_space<vmem>>, vector<1x16xf32>,
      %swap3A_120 = vector.shape_cast %swap3A_119 : vector<1x16xf32> to vector<16xf32>
      %swap3A_121 = vector.shape_cast %sub3A_115 : vector<16xf32> to vector<1x16xf32>
      tpu.vector_store %arg9[%swap3A_117, %swap3A_118], %swap3A_121 {strides = array<i32>} : memref<16x2048xf32, #tpu.memory_space<vmem>>, vector<1x16xf32>,
      %get3A_122 = arith.constant 3 : i32
      %get3A_123 = arith.index_cast %get3A_122 : i32 to index
      %get3A_124 = arith.index_cast %mul3A_74 : i32 to index
      %get3A_125 = tpu.vector_load %arg9[%get3A_123, %get3A_124] {strides = array<i32>} : memref<16x2048xf32, #tpu.memory_space<vmem>>, vector<1x16xf32>,
      %get3A_126 = vector.shape_cast %get3A_125 : vector<1x16xf32> to vector<16xf32>
      %mul3A_127 = arith.constant 6.553700e+04 : f32
      %mul3A_128 = vector.broadcast %mul3A_127 : f32 to vector<16xf32>
      %mul3A_129 = arith.mulf %get3A_126, %mul3A_128 : vector<16xf32>
      %sub3A_130 = arith.subf %mul3A_129, %get3A_126 : vector<16xf32>
      %sub3A_131 = arith.subf %mul3A_129, %sub3A_130 : vector<16xf32>
      %swap3A_132 = arith.constant 3 : i32
      %swap3A_133 = arith.index_cast %swap3A_132 : i32 to index
      %swap3A_134 = arith.index_cast %mul3A_74 : i32 to index
      %swap3A_135 = tpu.vector_load %arg9[%swap3A_133, %swap3A_134] {strides = array<i32>} : memref<16x2048xf32, #tpu.memory_space<vmem>>, vector<1x16xf32>,
      %swap3A_136 = vector.shape_cast %swap3A_135 : vector<1x16xf32> to vector<16xf32>
      %swap3A_137 = vector.shape_cast %sub3A_131 : vector<16xf32> to vector<1x16xf32>
      tpu.vector_store %arg9[%swap3A_133, %swap3A_134], %swap3A_137 {strides = array<i32>} : memref<16x2048xf32, #tpu.memory_space<vmem>>, vector<1x16xf32>,
      %get3A_138 = arith.constant 4 : i32
      %get3A_139 = arith.index_cast %get3A_138 : i32 to index
      %get3A_140 = arith.index_cast %mul3A_74 : i32 to index
      %get3A_141 = tpu.vector_load %arg9[%get3A_139, %get3A_140] {strides = array<i32>} : memref<16x2048xf32, #tpu.memory_space<vmem>>, vector<1x16xf32>,
      %get3A_142 = vector.shape_cast %get3A_141 : vector<1x16xf32> to vector<16xf32>
      %mul3A_143 = arith.constant 6.553700e+04 : f32
      %mul3A_144 = vector.broadcast %mul3A_143 : f32 to vector<16xf32>
      %mul3A_145 = arith.mulf %get3A_142, %mul3A_144 : vector<16xf32>
      %sub3A_146 = arith.subf %mul3A_145, %get3A_142 : vector<16xf32>
      %sub3A_147 = arith.subf %mul3A_145, %sub3A_146 : vector<16xf32>
      %swap3A_148 = arith.constant 4 : i32
      %swap3A_149 = arith.index_cast %swap3A_148 : i32 to index
      %swap3A_150 = arith.index_cast %mul3A_74 : i32 to index
      %swap3A_151 = tpu.vector_load %arg9[%swap3A_149, %swap3A_150] {strides = array<i32>} : memref<16x2048xf32, #tpu.memory_space<vmem>>, vector<1x16xf32>,
      %swap3A_152 = vector.shape_cast %swap3A_151 : vector<1x16xf32> to vector<16xf32>
      %swap3A_153 = vector.shape_cast %sub3A_147 : vector<16xf32> to vector<1x16xf32>
      tpu.vector_store %arg9[%swap3A_149, %swap3A_150], %swap3A_153 {strides = array<i32>} : memref<16x2048xf32, #tpu.memory_space<vmem>>, vector<1x16xf32>,
      %get3A_154 = arith.constant 5 : i32
      %get3A_155 = arith.index_cast %get3A_154 : i32 to index
      %get3A_156 = arith.index_cast %mul3A_74 : i32 to index
      %get3A_157 = tpu.vector_load %arg9[%get3A_155, %get3A_156] {strides = array<i32>} : memref<16x2048xf32, #tpu.memory_space<vmem>>, vector<1x16xf32>,
      %get3A_158 = vector.shape_cast %get3A_157 : vector<1x16xf32> to vector<16xf32>
      %mul3A_159 = arith.constant 6.553700e+04 : f32
      %mul3A_160 = vector.broadcast %mul3A_159 : f32 to vector<16xf32>
      %mul3A_161 = arith.mulf %get3A_158, %mul3A_160 : vector<16xf32>
      %sub3A_162 = arith.subf %mul3A_161, %get3A_158 : vector<16xf32>
      %sub3A_163 = arith.subf %mul3A_161, %sub3A_162 : vector<16xf32>
      %swap3A_164 = arith.constant 5 : i32
      %swap3A_165 = arith.index_cast %swap3A_164 : i32 to index
      %swap3A_166 = arith.index_cast %mul3A_74 : i32 to index
      %swap3A_167 = tpu.vector_load %arg9[%swap3A_165, %swap3A_166] {strides = array<i32>} : memref<16x2048xf32, #tpu.memory_space<vmem>>, vector<1x16xf32>,
      %swap3A_168 = vector.shape_cast %swap3A_167 : vector<1x16xf32> to vector<16xf32>
      %swap3A_169 = vector.shape_cast %sub3A_163 : vector<16xf32> to vector<1x16xf32>
      tpu.vector_store %arg9[%swap3A_165, %swap3A_166], %swap3A_169 {strides = array<i32>} : memref<16x2048xf32, #tpu.memory_space<vmem>>, vector<1x16xf32>,
      %get3A_170 = arith.constant 6 : i32
      %get3A_171 = arith.index_cast %get3A_170 : i32 to index
      %get3A_172 = arith.index_cast %mul3A_74 : i32 to index
      %get3A_173 = tpu.vector_load %arg9[%get3A_171, %get3A_172] {strides = array<i32>} : memref<16x2048xf32, #tpu.memory_space<vmem>>, vector<1x16xf32>,
      %get3A_174 = vector.shape_cast %get3A_173 : vector<1x16xf32> to vector<16xf32>
      %mul3A_175 = arith.constant 6.553700e+04 : f32
      %mul3A_176 = vector.broadcast %mul3A_175 : f32 to vector<16xf32>
      %mul3A_177 = arith.mulf %get3A_174, %mul3A_176 : vector<16xf32>
      %sub3A_178 = arith.subf %mul3A_177, %get3A_174 : vector<16xf32>
      %sub3A_179 = arith.subf %mul3A_177, %sub3A_178 : vector<16xf32>
      %swap3A_180 = arith.constant 6 : i32
      %swap3A_181 = arith.index_cast %swap3A_180 : i32 to index
      %swap3A_182 = arith.index_cast %mul3A_74 : i32 to index
      %swap3A_183 = tpu.vector_load %arg9[%swap3A_181, %swap3A_182] {strides = array<i32>} : memref<16x2048xf32, #tpu.memory_space<vmem>>, vector<1x16xf32>,
      %swap3A_184 = vector.shape_cast %swap3A_183 : vector<1x16xf32> to vector<16xf32>
      %swap3A_185 = vector.shape_cast %sub3A_179 : vector<16xf32> to vector<1x16xf32>
      tpu.vector_store %arg9[%swap3A_181, %swap3A_182], %swap3A_185 {strides = array<i32>} : memref<16x2048xf32, #tpu.memory_space<vmem>>, vector<1x16xf32>,
      %get3A_186 = arith.constant 7 : i32
      %get3A_187 = arith.index_cast %get3A_186 : i32 to index
      %get3A_188 = arith.index_cast %mul3A_74 : i32 to index
      %get3A_189 = tpu.vector_load %arg9[%get3A_187, %get3A_188] {strides = array<i32>} : memref<16x2048xf32, #tpu.memory_space<vmem>>, vector<1x16xf32>,
      %get3A_190 = vector.shape_cast %get3A_189 : vector<1x16xf32> to vector<16xf32>
      %mul3A_191 = arith.constant 6.553700e+04 : f32
      %mul3A_192 = vector.broadcast %mul3A_191 : f32 to vector<16xf32>
      %mul3A_193 = arith.mulf %get3A_190, %mul3A_192 : vector<16xf32>
      %sub3A_194 = arith.subf %mul3A_193, %get3A_190 : vector<16xf32>
      %sub3A_195 = arith.subf %mul3A_193, %sub3A_194 : vector<16xf32>
      %swap3A_196 = arith.constant 7 : i32
      %swap3A_197 = arith.index_cast %swap3A_196 : i32 to index
      %swap3A_198 = arith.index_cast %mul3A_74 : i32 to index
      %swap3A_199 = tpu.vector_load %arg9[%swap3A_197, %swap3A_198] {strides = array<i32>} : memref<16x2048xf32, #tpu.memory_space<vmem>>, vector<1x16xf32>,
      %swap3A_200 = vector.shape_cast %swap3A_199 : vector<1x16xf32> to vector<16xf32>
      %swap3A_201 = vector.shape_cast %sub3A_195 : vector<16xf32> to vector<1x16xf32>
      tpu.vector_store %arg9[%swap3A_197, %swap3A_198], %swap3A_201 {strides = array<i32>} : memref<16x2048xf32, #tpu.memory_space<vmem>>, vector<1x16xf32>,
      %get3A_202 = arith.constant 8 : i32
      %get3A_203 = arith.index_cast %get3A_202 : i32 to index
      %get3A_204 = arith.index_cast %mul3A_74 : i32 to index
      %get3A_205 = tpu.vector_load %arg9[%get3A_203, %get3A_204] {strides = array<i32>} : memref<16x2048xf32, #tpu.memory_space<vmem>>, vector<1x16xf32>,
      %get3A_206 = vector.shape_cast %get3A_205 : vector<1x16xf32> to vector<16xf32>
      %mul3A_207 = arith.constant 6.553700e+04 : f32
      %mul3A_208 = vector.broadcast %mul3A_207 : f32 to vector<16xf32>
      %mul3A_209 = arith.mulf %get3A_206, %mul3A_208 : vector<16xf32>
      %sub3A_210 = arith.subf %mul3A_209, %get3A_206 : vector<16xf32>
      %sub3A_211 = arith.subf %mul3A_209, %sub3A_210 : vector<16xf32>
      %swap3A_212 = arith.constant 8 : i32
      %swap3A_213 = arith.index_cast %swap3A_212 : i32 to index
      %swap3A_214 = arith.index_cast %mul3A_74 : i32 to index
      %swap3A_215 = tpu.vector_load %arg9[%swap3A_213, %swap3A_214] {strides = array<i32>} : memref<16x2048xf32, #tpu.memory_space<vmem>>, vector<1x16xf32>,
      %swap3A_216 = vector.shape_cast %swap3A_215 : vector<1x16xf32> to vector<16xf32>
      %swap3A_217 = vector.shape_cast %sub3A_211 : vector<16xf32> to vector<1x16xf32>
      tpu.vector_store %arg9[%swap3A_213, %swap3A_214], %swap3A_217 {strides = array<i32>} : memref<16x2048xf32, #tpu.memory_space<vmem>>, vector<1x16xf32>,
      %get3A_218 = arith.constant 9 : i32
      %get3A_219 = arith.index_cast %get3A_218 : i32 to index
      %get3A_220 = arith.index_cast %mul3A_74 : i32 to index
      %get3A_221 = tpu.vector_load %arg9[%get3A_219, %get3A_220] {strides = array<i32>} : memref<16x2048xf32, #tpu.memory_space<vmem>>, vector<1x16xf32>,
      %get3A_222 = vector.shape_cast %get3A_221 : vector<1x16xf32> to vector<16xf32>
      %mul3A_223 = arith.constant 6.553700e+04 : f32
      %mul3A_224 = vector.broadcast %mul3A_223 : f32 to vector<16xf32>
      %mul3A_225 = arith.mulf %get3A_222, %mul3A_224 : vector<16xf32>
      %sub3A_226 = arith.subf %mul3A_225, %get3A_222 : vector<16xf32>
      %sub3A_227 = arith.subf %mul3A_225, %sub3A_226 : vector<16xf32>
      %swap3A_228 = arith.constant 9 : i32
      %swap3A_229 = arith.index_cast %swap3A_228 : i32 to index
      %swap3A_230 = arith.index_cast %mul3A_74 : i32 to index
      %swap3A_231 = tpu.vector_load %arg9[%swap3A_229, %swap3A_230] {strides = array<i32>} : memref<16x2048xf32, #tpu.memory_space<vmem>>, vector<1x16xf32>,
      %swap3A_232 = vector.shape_cast %swap3A_231 : vector<1x16xf32> to vector<16xf32>
      %swap3A_233 = vector.shape_cast %sub3A_227 : vector<16xf32> to vector<1x16xf32>
      tpu.vector_store %arg9[%swap3A_229, %swap3A_230], %swap3A_233 {strides = array<i32>} : memref<16x2048xf32, #tpu.memory_space<vmem>>, vector<1x16xf32>,
      %get3A_234 = arith.constant 10 : i32
      %get3A_235 = arith.index_cast %get3A_234 : i32 to index
      %get3A_236 = arith.index_cast %mul3A_74 : i32 to index
      %get3A_237 = tpu.vector_load %arg9[%get3A_235, %get3A_236] {strides = array<i32>} : memref<16x2048xf32, #tpu.memory_space<vmem>>, vector<1x16xf32>,
      %get3A_238 = vector.shape_cast %get3A_237 : vector<1x16xf32> to vector<16xf32>
      %mul3A_239 = arith.constant 6.553700e+04 : f32
      %mul3A_240 = vector.broadcast %mul3A_239 : f32 to vector<16xf32>
      %mul3A_241 = arith.mulf %get3A_238, %mul3A_240 : vector<16xf32>
      %sub3A_242 = arith.subf %mul3A_241, %get3A_238 : vector<16xf32>
      %sub3A_243 = arith.subf %mul3A_241, %sub3A_242 : vector<16xf32>
      %swap3A_244 = arith.constant 10 : i32
      %swap3A_245 = arith.index_cast %swap3A_244 : i32 to index
      %swap3A_246 = arith.index_cast %mul3A_74 : i32 to index
      %swap3A_247 = tpu.vector_load %arg9[%swap3A_245, %swap3A_246] {strides = array<i32>} : memref<16x2048xf32, #tpu.memory_space<vmem>>, vector<1x16xf32>,
      %swap3A_248 = vector.shape_cast %swap3A_247 : vector<1x16xf32> to vector<16xf32>
      %swap3A_249 = vector.shape_cast %sub3A_243 : vector<16xf32> to vector<1x16xf32>
      tpu.vector_store %arg9[%swap3A_245, %swap3A_246], %swap3A_249 {strides = array<i32>} : memref<16x2048xf32, #tpu.memory_space<vmem>>, vector<1x16xf32>,
      %get3A_250 = arith.constant 11 : i32
      %get3A_251 = arith.index_cast %get3A_250 : i32 to index
      %get3A_252 = arith.index_cast %mul3A_74 : i32 to index
      %get3A_253 = tpu.vector_load %arg9[%get3A_251, %get3A_252] {strides = array<i32>} : memref<16x2048xf32, #tpu.memory_space<vmem>>, vector<1x16xf32>,
      %get3A_254 = vector.shape_cast %get3A_253 : vector<1x16xf32> to vector<16xf32>
      %mul3A_255 = arith.constant 6.553700e+04 : f32
      %mul3A_256 = vector.broadcast %mul3A_255 : f32 to vector<16xf32>
      %mul3A_257 = arith.mulf %get3A_254, %mul3A_256 : vector<16xf32>
      %sub3A_258 = arith.subf %mul3A_257, %get3A_254 : vector<16xf32>
      %sub3A_259 = arith.subf %mul3A_257, %sub3A_258 : vector<16xf32>
      %swap3A_260 = arith.constant 11 : i32
      %swap3A_261 = arith.index_cast %swap3A_260 : i32 to index
      %swap3A_262 = arith.index_cast %mul3A_74 : i32 to index
      %swap3A_263 = tpu.vector_load %arg9[%swap3A_261, %swap3A_262] {strides = array<i32>} : memref<16x2048xf32, #tpu.memory_space<vmem>>, vector<1x16xf32>,
      %swap3A_264 = vector.shape_cast %swap3A_263 : vector<1x16xf32> to vector<16xf32>
      %swap3A_265 = vector.shape_cast %sub3A_259 : vector<16xf32> to vector<1x16xf32>
      tpu.vector_store %arg9[%swap3A_261, %swap3A_262], %swap3A_265 {strides = array<i32>} : memref<16x2048xf32, #tpu.memory_space<vmem>>, vector<1x16xf32>,
      %get3A_266 = arith.constant 12 : i32
      %get3A_267 = arith.index_cast %get3A_266 : i32 to index
      %get3A_268 = arith.index_cast %mul3A_74 : i32 to index
      %get3A_269 = tpu.vector_load %arg9[%get3A_267, %get3A_268] {strides = array<i32>} : memref<16x2048xf32, #tpu.memory_space<vmem>>, vector<1x16xf32>,
      %get3A_270 = vector.shape_cast %get3A_269 : vector<1x16xf32> to vector<16xf32>
      %mul3A_271 = arith.constant 6.553700e+04 : f32
      %mul3A_272 = vector.broadcast %mul3A_271 : f32 to vector<16xf32>
      %mul3A_273 = arith.mulf %get3A_270, %mul3A_272 : vector<16xf32>
      %sub3A_274 = arith.subf %mul3A_273, %get3A_270 : vector<16xf32>
      %sub3A_275 = arith.subf %mul3A_273, %sub3A_274 : vector<16xf32>
      %swap3A_276 = arith.constant 12 : i32
      %swap3A_277 = arith.index_cast %swap3A_276 : i32 to index
      %swap3A_278 = arith.index_cast %mul3A_74 : i32 to index
      %swap3A_279 = tpu.vector_load %arg9[%swap3A_277, %swap3A_278] {strides = array<i32>} : memref<16x2048xf32, #tpu.memory_space<vmem>>, vector<1x16xf32>,
      %swap3A_280 = vector.shape_cast %swap3A_279 : vector<1x16xf32> to vector<16xf32>
      %swap3A_281 = vector.shape_cast %sub3A_275 : vector<16xf32> to vector<1x16xf32>
      tpu.vector_store %arg9[%swap3A_277, %swap3A_278], %swap3A_281 {strides = array<i32>} : memref<16x2048xf32, #tpu.memory_space<vmem>>, vector<1x16xf32>,
      %get3A_282 = arith.constant 13 : i32
      %get3A_283 = arith.index_cast %get3A_282 : i32 to index
      %get3A_284 = arith.index_cast %mul3A_74 : i32 to index
      %get3A_285 = tpu.vector_load %arg9[%get3A_283, %get3A_284] {strides = array<i32>} : memref<16x2048xf32, #tpu.memory_space<vmem>>, vector<1x16xf32>,
      %get3A_286 = vector.shape_cast %get3A_285 : vector<1x16xf32> to vector<16xf32>
      %mul3A_287 = arith.constant 6.553700e+04 : f32
      %mul3A_288 = vector.broadcast %mul3A_287 : f32 to vector<16xf32>
      %mul3A_289 = arith.mulf %get3A_286, %mul3A_288 : vector<16xf32>
      %sub3A_290 = arith.subf %mul3A_289, %get3A_286 : vector<16xf32>
      %sub3A_291 = arith.subf %mul3A_289, %sub3A_290 : vector<16xf32>
      %swap3A_292 = arith.constant 13 : i32
      %swap3A_293 = arith.index_cast %swap3A_292 : i32 to index
      %swap3A_294 = arith.index_cast %mul3A_74 : i32 to index
      %swap3A_295 = tpu.vector_load %arg9[%swap3A_293, %swap3A_294] {strides = array<i32>} : memref<16x2048xf32, #tpu.memory_space<vmem>>, vector<1x16xf32>,
      %swap3A_296 = vector.shape_cast %swap3A_295 : vector<1x16xf32> to vector<16xf32>
      %swap3A_297 = vector.shape_cast %sub3A_291 : vector<16xf32> to vector<1x16xf32>
      tpu.vector_store %arg9[%swap3A_293, %swap3A_294], %swap3A_297 {strides = array<i32>} : memref<16x2048xf32, #tpu.memory_space<vmem>>, vector<1x16xf32>,
      %get3A_298 = arith.constant 14 : i32
      %get3A_299 = arith.index_cast %get3A_298 : i32 to index
      %get3A_300 = arith.index_cast %mul3A_74 : i32 to index
      %get3A_301 = tpu.vector_load %arg9[%get3A_299, %get3A_300] {strides = array<i32>} : memref<16x2048xf32, #tpu.memory_space<vmem>>, vector<1x16xf32>,
      %get3A_302 = vector.shape_cast %get3A_301 : vector<1x16xf32> to vector<16xf32>
      %mul3A_303 = arith.constant 6.553700e+04 : f32
      %mul3A_304 = vector.broadcast %mul3A_303 : f32 to vector<16xf32>
      %mul3A_305 = arith.mulf %get3A_302, %mul3A_304 : vector<16xf32>
      %sub3A_306 = arith.subf %mul3A_305, %get3A_302 : vector<16xf32>
      %sub3A_307 = arith.subf %mul3A_305, %sub3A_306 : vector<16xf32>
      %swap3A_308 = arith.constant 14 : i32
      %swap3A_309 = arith.index_cast %swap3A_308 : i32 to index
      %swap3A_310 = arith.index_cast %mul3A_74 : i32 to index
      %swap3A_311 = tpu.vector_load %arg9[%swap3A_309, %swap3A_310] {strides = array<i32>} : memref<16x2048xf32, #tpu.memory_space<vmem>>, vector<1x16xf32>,
      %swap3A_312 = vector.shape_cast %swap3A_311 : vector<1x16xf32> to vector<16xf32>
      %swap3A_313 = vector.shape_cast %sub3A_307 : vector<16xf32> to vector<1x16xf32>
      tpu.vector_store %arg9[%swap3A_309, %swap3A_310], %swap3A_313 {strides = array<i32>} : memref<16x2048xf32, #tpu.memory_space<vmem>>, vector<1x16xf32>,
      %get3A_314 = arith.constant 15 : i32
      %get3A_315 = arith.index_cast %get3A_314 : i32 to index
      %get3A_316 = arith.index_cast %mul3A_74 : i32 to index
      %get3A_317 = tpu.vector_load %arg9[%get3A_315, %get3A_316] {strides = array<i32>} : memref<16x2048xf32, #tpu.memory_space<vmem>>, vector<1x16xf32>,
      %get3A_318 = vector.shape_cast %get3A_317 : vector<1x16xf32> to vector<16xf32>
      %mul3A_319 = arith.constant 6.553700e+04 : f32
      %mul3A_320 = vector.broadcast %mul3A_319 : f32 to vector<16xf32>
      %mul3A_321 = arith.mulf %get3A_318, %mul3A_320 : vector<16xf32>
      %sub3A_322 = arith.subf %mul3A_321, %get3A_318 : vector<16xf32>
      %sub3A_323 = arith.subf %mul3A_321, %sub3A_322 : vector<16xf32>
      %swap3A_324 = arith.constant 15 : i32
      %swap3A_325 = arith.index_cast %swap3A_324 : i32 to index
      %swap3A_326 = arith.index_cast %mul3A_74 : i32 to index
      %swap3A_327 = tpu.vector_load %arg9[%swap3A_325, %swap3A_326] {strides = array<i32>} : memref<16x2048xf32, #tpu.memory_space<vmem>>, vector<1x16xf32>,
      %swap3A_328 = vector.shape_cast %swap3A_327 : vector<1x16xf32> to vector<16xf32>
      %swap3A_329 = vector.shape_cast %sub3A_323 : vector<16xf32> to vector<1x16xf32>
      tpu.vector_store %arg9[%swap3A_325, %swap3A_326], %swap3A_329 {strides = array<i32>} : memref<16x2048xf32, #tpu.memory_space<vmem>>, vector<1x16xf32>,
      %scan3A_330 = arith.constant 0 : i32
      scf.yield %scan3A_330 : i32
    }
    %scan3A_15 = arith.constant 128 : i32
    %add3A_16 = arith.constant 0 : i32
    %add3A_17 = arith.addi %add3A_4, %add3A_16 : i32
    "tpu.region"() ({
      %run_scoped3A = tpu.sem_alloc : memref<!tpu.dma_semaphore, #tpu.memory_space<semaphore_mem>>
      %dma_start3A = arith.constant 0 : i32
      %dma_start3A_71 = tpu.memref_slice %arg2[%add3A_17, %dma_start3A] : memref<16384x2048xf32, #tpu.memory_space<hbm>> -> memref<16x2048xf32, #tpu.memory_space<hbm>>
      %dma_start3A_72 = arith.constant 0 : i32
      %dma_start3A_73 = tpu.memref_slice %arg2[%add3A_17, %dma_start3A_72] : memref<16384x2048xf32, #tpu.memory_space<hbm>> -> memref<16x2048xf32, #tpu.memory_space<hbm>>
      tpu.enqueue_dma source(%dma_start3A_73 : memref<16x2048xf32, #tpu.memory_space<hbm>>) target(%arg10 : memref<16x2048xf32, #tpu.memory_space<vmem>>) target_semaphore(%run_scoped3A : memref<!tpu.dma_semaphore, #tpu.memory_space<semaphore_mem>>)
      %dma_wait3A = arith.constant 0 : i32
      %dma_wait3A_74 = tpu.memref_slice %arg2[%add3A_17, %dma_wait3A] : memref<16384x2048xf32, #tpu.memory_space<hbm>> -> memref<16x2048xf32, #tpu.memory_space<hbm>>
      %dma_wait3A_75 = arith.constant 0 : i32
      %dma_wait3A_76 = tpu.memref_slice %arg2[%add3A_17, %dma_wait3A_75] : memref<16384x2048xf32, #tpu.memory_space<hbm>> -> memref<16x2048xf32, #tpu.memory_space<hbm>>
      tpu.wait_dma2 semaphore(%run_scoped3A : memref<!tpu.dma_semaphore, #tpu.memory_space<semaphore_mem>>) src(%dma_wait3A_76 : memref<16x2048xf32, #tpu.memory_space<hbm>>) dst(%arg10 : memref<16x2048xf32, #tpu.memory_space<vmem>>)
      tpu.yield
    }) : () -> ()
    %scan3A_18 = arith.constant 0 : i32
    %scan3A_19 = arith.constant 8 : i32
    %scan3A_20 = arith.addi %scan3A_18, %scan3A_19 : i32
    %scan3A_21 = arith.constant 1 : i32
    %scan3A_22:4 = scf.for %scan3A_71 = %scan3A_18 to %scan3A_20 step %scan3A_21 iter_args(%scan3A_72 = %broadcast_in_dim3A_7, %scan3A_73 = %broadcast_in_dim3A_7, %scan3A_74 = %broadcast_in_dim3A_9, %scan3A_75 = %broadcast_in_dim3A_9) -> (vector<16xf32>, vector<16xf32>, vector<16xi32>, vector<16xi32>)  : i32 {
      %mul3A_76 = arith.constant 2 : i32
      %mul3A_77 = arith.muli %mul3A_76, %scan3A_71 : i32
      %scan3A_78 = arith.constant 0 : i32
      %scan3A_79 = arith.constant 128 : i32
      %scan3A_80 = arith.addi %scan3A_78, %scan3A_79 : i32
      %scan3A_81 = arith.constant 1 : i32
      %scan3A_82:32 = scf.for %scan3A_855 = %scan3A_78 to %scan3A_80 step %scan3A_81 iter_args(%scan3A_856 = %broadcast_in_dim3A_7, %scan3A_857 = %broadcast_in_dim3A_7, %scan3A_858 = %broadcast_in_dim3A_7, %scan3A_859 = %broadcast_in_dim3A_7, %scan3A_860 = %broadcast_in_dim3A_7, %scan3A_861 = %broadcast_in_dim3A_7, %scan3A_862 = %broadcast_in_dim3A_7, %scan3A_863 = %broadcast_in_dim3A_7, %scan3A_864 = %broadcast_in_dim3A_7, %scan3A_865 = %broadcast_in_dim3A_7, %scan3A_866 = %broadcast_in_dim3A_7, %scan3A_867 = %broadcast_in_dim3A_7, %scan3A_868 = %broadcast_in_dim3A_7, %scan3A_869 = %broadcast_in_dim3A_7, %scan3A_870 = %broadcast_in_dim3A_7, %scan3A_871 = %broadcast_in_dim3A_7, %scan3A_872 = %broadcast_in_dim3A_7, %scan3A_873 = %broadcast_in_dim3A_7, %scan3A_874 = %broadcast_in_dim3A_7, %scan3A_875 = %broadcast_in_dim3A_7, %scan3A_876 = %broadcast_in_dim3A_7, %scan3A_877 = %broadcast_in_dim3A_7, %scan3A_878 = %broadcast_in_dim3A_7, %scan3A_879 = %broadcast_in_dim3A_7, %scan3A_880 = %broadcast_in_dim3A_7, %scan3A_881 = %broadcast_in_dim3A_7, %scan3A_882 = %broadcast_in_dim3A_7, %scan3A_883 = %broadcast_in_dim3A_7, %scan3A_884 = %broadcast_in_dim3A_7, %scan3A_885 = %broadcast_in_dim3A_7, %scan3A_886 = %broadcast_in_dim3A_7, %scan3A_887 = %broadcast_in_dim3A_7) -> (vector<16xf32>, vector<16xf32>, vector<16xf32>, vector<16xf32>, vector<16xf32>, vector<16xf32>, vector<16xf32>, vector<16xf32>, vector<16xf32>, vector<16xf32>, vector<16xf32>, vector<16xf32>, vector<16xf32>, vector<16xf32>, vector<16xf32>, vector<16xf32>, vector<16xf32>, vector<16xf32>, vector<16xf32>, vector<16xf32>, vector<16xf32>, vector<16xf32>, vector<16xf32>, vector<16xf32>, vector<16xf32>, vector<16xf32>, vector<16xf32>, vector<16xf32>, vector<16xf32>, vector<16xf32>, vector<16xf32>, vector<16xf32>)  : i32 {
        %mul3A_888 = arith.constant 16 : i32
        %mul3A_889 = arith.muli %scan3A_855, %mul3A_888 : i32
        %get3A_890 = arith.index_cast %mul3A_77 : i32 to index
        %get3A_891 = arith.index_cast %mul3A_889 : i32 to index
        %get3A_892 = tpu.vector_load %arg10[%get3A_890, %get3A_891] {strides = array<i32>} : memref<16x2048xf32, #tpu.memory_space<vmem>>, vector<1x16xf32>,
        %get3A_893 = vector.shape_cast %get3A_892 : vector<1x16xf32> to vector<16xf32>
        %mul3A_894 = arith.constant 6.553700e+04 : f32
        %mul3A_895 = vector.broadcast %mul3A_894 : f32 to vector<16xf32>
        %mul3A_896 = arith.mulf %get3A_893, %mul3A_895 : vector<16xf32>
        %sub3A_897 = arith.subf %mul3A_896, %get3A_893 : vector<16xf32>
        %sub3A_898 = arith.subf %mul3A_896, %sub3A_897 : vector<16xf32>
        %add3A_899 = arith.constant 1 : i32
        %add3A_900 = arith.addi %mul3A_77, %add3A_899 : i32
        %get3A_901 = arith.index_cast %add3A_900 : i32 to index
        %get3A_902 = arith.index_cast %mul3A_889 : i32 to index
        %get3A_903 = tpu.vector_load %arg10[%get3A_901, %get3A_902] {strides = array<i32>} : memref<16x2048xf32, #tpu.memory_space<vmem>>, vector<1x16xf32>,
        %get3A_904 = vector.shape_cast %get3A_903 : vector<1x16xf32> to vector<16xf32>
        %mul3A_905 = arith.constant 6.553700e+04 : f32
        %mul3A_906 = vector.broadcast %mul3A_905 : f32 to vector<16xf32>
        %mul3A_907 = arith.mulf %get3A_904, %mul3A_906 : vector<16xf32>
        %sub3A_908 = arith.subf %mul3A_907, %get3A_904 : vector<16xf32>
        %sub3A_909 = arith.subf %mul3A_907, %sub3A_908 : vector<16xf32>
        %get3A_910 = arith.constant 0 : i32
        %get3A_911 = arith.index_cast %get3A_910 : i32 to index
        %get3A_912 = arith.index_cast %mul3A_889 : i32 to index
        %get3A_913 = tpu.vector_load %arg9[%get3A_911, %get3A_912] {strides = array<i32>} : memref<16x2048xf32, #tpu.memory_space<vmem>>, vector<1x16xf32>,
        %get3A_914 = vector.shape_cast %get3A_913 : vector<1x16xf32> to vector<16xf32>
        %mul3A_915 = arith.mulf %sub3A_898, %get3A_914 : vector<16xf32>
        %add3A_916 = arith.addf %scan3A_856, %mul3A_915 : vector<16xf32>
        %mul3A_917 = arith.mulf %sub3A_909, %get3A_914 : vector<16xf32>
        %add3A_918 = arith.addf %scan3A_872, %mul3A_917 : vector<16xf32>
        %get3A_919 = arith.constant 1 : i32
        %get3A_920 = arith.index_cast %get3A_919 : i32 to index
        %get3A_921 = arith.index_cast %mul3A_889 : i32 to index
        %get3A_922 = tpu.vector_load %arg9[%get3A_920, %get3A_921] {strides = array<i32>} : memref<16x2048xf32, #tpu.memory_space<vmem>>, vector<1x16xf32>,
        %get3A_923 = vector.shape_cast %get3A_922 : vector<1x16xf32> to vector<16xf32>
        %mul3A_924 = arith.mulf %sub3A_898, %get3A_923 : vector<16xf32>
        %add3A_925 = arith.addf %scan3A_857, %mul3A_924 : vector<16xf32>
        %mul3A_926 = arith.mulf %sub3A_909, %get3A_923 : vector<16xf32>
        %add3A_927 = arith.addf %scan3A_873, %mul3A_926 : vector<16xf32>
        %get3A_928 = arith.constant 2 : i32
        %get3A_929 = arith.index_cast %get3A_928 : i32 to index
        %get3A_930 = arith.index_cast %mul3A_889 : i32 to index
        %get3A_931 = tpu.vector_load %arg9[%get3A_929, %get3A_930] {strides = array<i32>} : memref<16x2048xf32, #tpu.memory_space<vmem>>, vector<1x16xf32>,
        %get3A_932 = vector.shape_cast %get3A_931 : vector<1x16xf32> to vector<16xf32>
        %mul3A_933 = arith.mulf %sub3A_898, %get3A_932 : vector<16xf32>
        %add3A_934 = arith.addf %scan3A_858, %mul3A_933 : vector<16xf32>
        %mul3A_935 = arith.mulf %sub3A_909, %get3A_932 : vector<16xf32>
        %add3A_936 = arith.addf %scan3A_874, %mul3A_935 : vector<16xf32>
        %get3A_937 = arith.constant 3 : i32
        %get3A_938 = arith.index_cast %get3A_937 : i32 to index
        %get3A_939 = arith.index_cast %mul3A_889 : i32 to index
        %get3A_940 = tpu.vector_load %arg9[%get3A_938, %get3A_939] {strides = array<i32>} : memref<16x2048xf32, #tpu.memory_space<vmem>>, vector<1x16xf32>,
        %get3A_941 = vector.shape_cast %get3A_940 : vector<1x16xf32> to vector<16xf32>
        %mul3A_942 = arith.mulf %sub3A_898, %get3A_941 : vector<16xf32>
        %add3A_943 = arith.addf %scan3A_859, %mul3A_942 : vector<16xf32>
        %mul3A_944 = arith.mulf %sub3A_909, %get3A_941 : vector<16xf32>
        %add3A_945 = arith.addf %scan3A_875, %mul3A_944 : vector<16xf32>
        %get3A_946 = arith.constant 4 : i32
        %get3A_947 = arith.index_cast %get3A_946 : i32 to index
        %get3A_948 = arith.index_cast %mul3A_889 : i32 to index
        %get3A_949 = tpu.vector_load %arg9[%get3A_947, %get3A_948] {strides = array<i32>} : memref<16x2048xf32, #tpu.memory_space<vmem>>, vector<1x16xf32>,
        %get3A_950 = vector.shape_cast %get3A_949 : vector<1x16xf32> to vector<16xf32>
        %mul3A_951 = arith.mulf %sub3A_898, %get3A_950 : vector<16xf32>
        %add3A_952 = arith.addf %scan3A_860, %mul3A_951 : vector<16xf32>
        %mul3A_953 = arith.mulf %sub3A_909, %get3A_950 : vector<16xf32>
        %add3A_954 = arith.addf %scan3A_876, %mul3A_953 : vector<16xf32>
        %get3A_955 = arith.constant 5 : i32
        %get3A_956 = arith.index_cast %get3A_955 : i32 to index
        %get3A_957 = arith.index_cast %mul3A_889 : i32 to index
        %get3A_958 = tpu.vector_load %arg9[%get3A_956, %get3A_957] {strides = array<i32>} : memref<16x2048xf32, #tpu.memory_space<vmem>>, vector<1x16xf32>,
        %get3A_959 = vector.shape_cast %get3A_958 : vector<1x16xf32> to vector<16xf32>
        %mul3A_960 = arith.mulf %sub3A_898, %get3A_959 : vector<16xf32>
        %add3A_961 = arith.addf %scan3A_861, %mul3A_960 : vector<16xf32>
        %mul3A_962 = arith.mulf %sub3A_909, %get3A_959 : vector<16xf32>
        %add3A_963 = arith.addf %scan3A_877, %mul3A_962 : vector<16xf32>
        %get3A_964 = arith.constant 6 : i32
        %get3A_965 = arith.index_cast %get3A_964 : i32 to index
        %get3A_966 = arith.index_cast %mul3A_889 : i32 to index
        %get3A_967 = tpu.vector_load %arg9[%get3A_965, %get3A_966] {strides = array<i32>} : memref<16x2048xf32, #tpu.memory_space<vmem>>, vector<1x16xf32>,
        %get3A_968 = vector.shape_cast %get3A_967 : vector<1x16xf32> to vector<16xf32>
        %mul3A_969 = arith.mulf %sub3A_898, %get3A_968 : vector<16xf32>
        %add3A_970 = arith.addf %scan3A_862, %mul3A_969 : vector<16xf32>
        %mul3A_971 = arith.mulf %sub3A_909, %get3A_968 : vector<16xf32>
        %add3A_972 = arith.addf %scan3A_878, %mul3A_971 : vector<16xf32>
        %get3A_973 = arith.constant 7 : i32
        %get3A_974 = arith.index_cast %get3A_973 : i32 to index
        %get3A_975 = arith.index_cast %mul3A_889 : i32 to index
        %get3A_976 = tpu.vector_load %arg9[%get3A_974, %get3A_975] {strides = array<i32>} : memref<16x2048xf32, #tpu.memory_space<vmem>>, vector<1x16xf32>,
        %get3A_977 = vector.shape_cast %get3A_976 : vector<1x16xf32> to vector<16xf32>
        %mul3A_978 = arith.mulf %sub3A_898, %get3A_977 : vector<16xf32>
        %add3A_979 = arith.addf %scan3A_863, %mul3A_978 : vector<16xf32>
        %mul3A_980 = arith.mulf %sub3A_909, %get3A_977 : vector<16xf32>
        %add3A_981 = arith.addf %scan3A_879, %mul3A_980 : vector<16xf32>
        %get3A_982 = arith.constant 8 : i32
        %get3A_983 = arith.index_cast %get3A_982 : i32 to index
        %get3A_984 = arith.index_cast %mul3A_889 : i32 to index
        %get3A_985 = tpu.vector_load %arg9[%get3A_983, %get3A_984] {strides = array<i32>} : memref<16x2048xf32, #tpu.memory_space<vmem>>, vector<1x16xf32>,
        %get3A_986 = vector.shape_cast %get3A_985 : vector<1x16xf32> to vector<16xf32>
        %mul3A_987 = arith.mulf %sub3A_898, %get3A_986 : vector<16xf32>
        %add3A_988 = arith.addf %scan3A_864, %mul3A_987 : vector<16xf32>
        %mul3A_989 = arith.mulf %sub3A_909, %get3A_986 : vector<16xf32>
        %add3A_990 = arith.addf %scan3A_880, %mul3A_989 : vector<16xf32>
        %get3A_991 = arith.constant 9 : i32
        %get3A_992 = arith.index_cast %get3A_991 : i32 to index
        %get3A_993 = arith.index_cast %mul3A_889 : i32 to index
        %get3A_994 = tpu.vector_load %arg9[%get3A_992, %get3A_993] {strides = array<i32>} : memref<16x2048xf32, #tpu.memory_space<vmem>>, vector<1x16xf32>,
        %get3A_995 = vector.shape_cast %get3A_994 : vector<1x16xf32> to vector<16xf32>
        %mul3A_996 = arith.mulf %sub3A_898, %get3A_995 : vector<16xf32>
        %add3A_997 = arith.addf %scan3A_865, %mul3A_996 : vector<16xf32>
        %mul3A_998 = arith.mulf %sub3A_909, %get3A_995 : vector<16xf32>
        %add3A_999 = arith.addf %scan3A_881, %mul3A_998 : vector<16xf32>
        %get3A_1000 = arith.constant 10 : i32
        %get3A_1001 = arith.index_cast %get3A_1000 : i32 to index
        %get3A_1002 = arith.index_cast %mul3A_889 : i32 to index
        %get3A_1003 = tpu.vector_load %arg9[%get3A_1001, %get3A_1002] {strides = array<i32>} : memref<16x2048xf32, #tpu.memory_space<vmem>>, vector<1x16xf32>,
        %get3A_1004 = vector.shape_cast %get3A_1003 : vector<1x16xf32> to vector<16xf32>
        %mul3A_1005 = arith.mulf %sub3A_898, %get3A_1004 : vector<16xf32>
        %add3A_1006 = arith.addf %scan3A_866, %mul3A_1005 : vector<16xf32>
        %mul3A_1007 = arith.mulf %sub3A_909, %get3A_1004 : vector<16xf32>
        %add3A_1008 = arith.addf %scan3A_882, %mul3A_1007 : vector<16xf32>
        %get3A_1009 = arith.constant 11 : i32
        %get3A_1010 = arith.index_cast %get3A_1009 : i32 to index
        %get3A_1011 = arith.index_cast %mul3A_889 : i32 to index
        %get3A_1012 = tpu.vector_load %arg9[%get3A_1010, %get3A_1011] {strides = array<i32>} : memref<16x2048xf32, #tpu.memory_space<vmem>>, vector<1x16xf32>,
        %get3A_1013 = vector.shape_cast %get3A_1012 : vector<1x16xf32> to vector<16xf32>
        %mul3A_1014 = arith.mulf %sub3A_898, %get3A_1013 : vector<16xf32>
        %add3A_1015 = arith.addf %scan3A_867, %mul3A_1014 : vector<16xf32>
        %mul3A_1016 = arith.mulf %sub3A_909, %get3A_1013 : vector<16xf32>
        %add3A_1017 = arith.addf %scan3A_883, %mul3A_1016 : vector<16xf32>
        %get3A_1018 = arith.constant 12 : i32
        %get3A_1019 = arith.index_cast %get3A_1018 : i32 to index
        %get3A_1020 = arith.index_cast %mul3A_889 : i32 to index
        %get3A_1021 = tpu.vector_load %arg9[%get3A_1019, %get3A_1020] {strides = array<i32>} : memref<16x2048xf32, #tpu.memory_space<vmem>>, vector<1x16xf32>,
        %get3A_1022 = vector.shape_cast %get3A_1021 : vector<1x16xf32> to vector<16xf32>
        %mul3A_1023 = arith.mulf %sub3A_898, %get3A_1022 : vector<16xf32>
        %add3A_1024 = arith.addf %scan3A_868, %mul3A_1023 : vector<16xf32>
        %mul3A_1025 = arith.mulf %sub3A_909, %get3A_1022 : vector<16xf32>
        %add3A_1026 = arith.addf %scan3A_884, %mul3A_1025 : vector<16xf32>
        %get3A_1027 = arith.constant 13 : i32
        %get3A_1028 = arith.index_cast %get3A_1027 : i32 to index
        %get3A_1029 = arith.index_cast %mul3A_889 : i32 to index
        %get3A_1030 = tpu.vector_load %arg9[%get3A_1028, %get3A_1029] {strides = array<i32>} : memref<16x2048xf32, #tpu.memory_space<vmem>>, vector<1x16xf32>,
        %get3A_1031 = vector.shape_cast %get3A_1030 : vector<1x16xf32> to vector<16xf32>
        %mul3A_1032 = arith.mulf %sub3A_898, %get3A_1031 : vector<16xf32>
        %add3A_1033 = arith.addf %scan3A_869, %mul3A_1032 : vector<16xf32>
        %mul3A_1034 = arith.mulf %sub3A_909, %get3A_1031 : vector<16xf32>
        %add3A_1035 = arith.addf %scan3A_885, %mul3A_1034 : vector<16xf32>
        %get3A_1036 = arith.constant 14 : i32
        %get3A_1037 = arith.index_cast %get3A_1036 : i32 to index
        %get3A_1038 = arith.index_cast %mul3A_889 : i32 to index
        %get3A_1039 = tpu.vector_load %arg9[%get3A_1037, %get3A_1038] {strides = array<i32>} : memref<16x2048xf32, #tpu.memory_space<vmem>>, vector<1x16xf32>,
        %get3A_1040 = vector.shape_cast %get3A_1039 : vector<1x16xf32> to vector<16xf32>
        %mul3A_1041 = arith.mulf %sub3A_898, %get3A_1040 : vector<16xf32>
        %add3A_1042 = arith.addf %scan3A_870, %mul3A_1041 : vector<16xf32>
        %mul3A_1043 = arith.mulf %sub3A_909, %get3A_1040 : vector<16xf32>
        %add3A_1044 = arith.addf %scan3A_886, %mul3A_1043 : vector<16xf32>
        %get3A_1045 = arith.constant 15 : i32
        %get3A_1046 = arith.index_cast %get3A_1045 : i32 to index
        %get3A_1047 = arith.index_cast %mul3A_889 : i32 to index
        %get3A_1048 = tpu.vector_load %arg9[%get3A_1046, %get3A_1047] {strides = array<i32>} : memref<16x2048xf32, #tpu.memory_space<vmem>>, vector<1x16xf32>,
        %get3A_1049 = vector.shape_cast %get3A_1048 : vector<1x16xf32> to vector<16xf32>
        %mul3A_1050 = arith.mulf %sub3A_898, %get3A_1049 : vector<16xf32>
        %add3A_1051 = arith.addf %scan3A_871, %mul3A_1050 : vector<16xf32>
        %mul3A_1052 = arith.mulf %sub3A_909, %get3A_1049 : vector<16xf32>
        %add3A_1053 = arith.addf %scan3A_887, %mul3A_1052 : vector<16xf32>
        scf.yield %add3A_916, %add3A_925, %add3A_934, %add3A_943, %add3A_952, %add3A_961, %add3A_970, %add3A_979, %add3A_988, %add3A_997, %add3A_1006, %add3A_1015, %add3A_1024, %add3A_1033, %add3A_1042, %add3A_1051, %add3A_918, %add3A_927, %add3A_936, %add3A_945, %add3A_954, %add3A_963, %add3A_972, %add3A_981, %add3A_990, %add3A_999, %add3A_1008, %add3A_1017, %add3A_1026, %add3A_1035, %add3A_1044, %add3A_1053 : vector<16xf32>, vector<16xf32>, vector<16xf32>, vector<16xf32>, vector<16xf32>, vector<16xf32>, vector<16xf32>, vector<16xf32>, vector<16xf32>, vector<16xf32>, vector<16xf32>, vector<16xf32>, vector<16xf32>, vector<16xf32>, vector<16xf32>, vector<16xf32>, vector<16xf32>, vector<16xf32>, vector<16xf32>, vector<16xf32>, vector<16xf32>, vector<16xf32>, vector<16xf32>, vector<16xf32>, vector<16xf32>, vector<16xf32>, vector<16xf32>, vector<16xf32>, vector<16xf32>, vector<16xf32>, vector<16xf32>, vector<16xf32>
      }
      %scan3A_83 = arith.constant 128 : i32
      %and3A = arith.constant 8 : i32
      %and3A_84 = vector.broadcast %and3A : i32 to vector<16xi32>
      %and3A_85 = arith.andi %iota3A, %and3A_84 : vector<16xi32>
      %eq3A = arith.constant 0 : i32
      %eq3A_86 = vector.broadcast %eq3A : i32 to vector<16xi32>
      %eq3A_87 = arith.cmpi eq, %and3A_85, %eq3A_86 : vector<16xi32>
      %xor3A = arith.constant 8 : i32
      %xor3A_88 = vector.broadcast %xor3A : i32 to vector<16xi32>
      %xor3A_89 = arith.xori %iota3A, %xor3A_88 : vector<16xi32>
      %broadcast_in_dim3A_90 = vector.shape_cast %xor3A_89 : vector<16xi32> to vector<16x1xi32>
      %gather3A = vector.shape_cast %broadcast_in_dim3A_90 : vector<16x1xi32> to vector<16xi32>
      %gather3A_91 = tpu.dynamic_gather %scan3A_82#0[%gather3A] in [0] : vector<16xf32>, vector<16xi32> -> vector<16xf32>
      %add3A_92 = arith.addf %scan3A_82#0, %gather3A_91 : vector<16xf32>
      %xor3A_93 = arith.constant 8 : i32
      %xor3A_94 = vector.broadcast %xor3A_93 : i32 to vector<16xi32>
      %xor3A_95 = arith.xori %iota3A, %xor3A_94 : vector<16xi32>
      %broadcast_in_dim3A_96 = vector.shape_cast %xor3A_95 : vector<16xi32> to vector<16x1xi32>
      %gather3A_97 = vector.shape_cast %broadcast_in_dim3A_96 : vector<16x1xi32> to vector<16xi32>
      %gather3A_98 = tpu.dynamic_gather %scan3A_82#8[%gather3A_97] in [0] : vector<16xf32>, vector<16xi32> -> vector<16xf32>
      %add3A_99 = arith.addf %scan3A_82#8, %gather3A_98 : vector<16xf32>
      %select_n3A = arith.select %eq3A_87, %add3A_92, %add3A_99 : vector<16xi1>, vector<16xf32>
      %xor3A_100 = arith.constant 8 : i32
      %xor3A_101 = vector.broadcast %xor3A_100 : i32 to vector<16xi32>
      %xor3A_102 = arith.xori %iota3A, %xor3A_101 : vector<16xi32>
      %broadcast_in_dim3A_103 = vector.shape_cast %xor3A_102 : vector<16xi32> to vector<16x1xi32>
      %gather3A_104 = vector.shape_cast %broadcast_in_dim3A_103 : vector<16x1xi32> to vector<16xi32>
      %gather3A_105 = tpu.dynamic_gather %scan3A_82#4[%gather3A_104] in [0] : vector<16xf32>, vector<16xi32> -> vector<16xf32>
      %add3A_106 = arith.addf %scan3A_82#4, %gather3A_105 : vector<16xf32>
      %xor3A_107 = arith.constant 8 : i32
      %xor3A_108 = vector.broadcast %xor3A_107 : i32 to vector<16xi32>
      %xor3A_109 = arith.xori %iota3A, %xor3A_108 : vector<16xi32>
      %broadcast_in_dim3A_110 = vector.shape_cast %xor3A_109 : vector<16xi32> to vector<16x1xi32>
      %gather3A_111 = vector.shape_cast %broadcast_in_dim3A_110 : vector<16x1xi32> to vector<16xi32>
      %gather3A_112 = tpu.dynamic_gather %scan3A_82#12[%gather3A_111] in [0] : vector<16xf32>, vector<16xi32> -> vector<16xf32>
      %add3A_113 = arith.addf %scan3A_82#12, %gather3A_112 : vector<16xf32>
      %select_n3A_114 = arith.select %eq3A_87, %add3A_106, %add3A_113 : vector<16xi1>, vector<16xf32>
      %xor3A_115 = arith.constant 8 : i32
      %xor3A_116 = vector.broadcast %xor3A_115 : i32 to vector<16xi32>
      %xor3A_117 = arith.xori %iota3A, %xor3A_116 : vector<16xi32>
      %broadcast_in_dim3A_118 = vector.shape_cast %xor3A_117 : vector<16xi32> to vector<16x1xi32>
      %gather3A_119 = vector.shape_cast %broadcast_in_dim3A_118 : vector<16x1xi32> to vector<16xi32>
      %gather3A_120 = tpu.dynamic_gather %scan3A_82#2[%gather3A_119] in [0] : vector<16xf32>, vector<16xi32> -> vector<16xf32>
      %add3A_121 = arith.addf %scan3A_82#2, %gather3A_120 : vector<16xf32>
      %xor3A_122 = arith.constant 8 : i32
      %xor3A_123 = vector.broadcast %xor3A_122 : i32 to vector<16xi32>
      %xor3A_124 = arith.xori %iota3A, %xor3A_123 : vector<16xi32>
      %broadcast_in_dim3A_125 = vector.shape_cast %xor3A_124 : vector<16xi32> to vector<16x1xi32>
      %gather3A_126 = vector.shape_cast %broadcast_in_dim3A_125 : vector<16x1xi32> to vector<16xi32>
      %gather3A_127 = tpu.dynamic_gather %scan3A_82#10[%gather3A_126] in [0] : vector<16xf32>, vector<16xi32> -> vector<16xf32>
      %add3A_128 = arith.addf %scan3A_82#10, %gather3A_127 : vector<16xf32>
      %select_n3A_129 = arith.select %eq3A_87, %add3A_121, %add3A_128 : vector<16xi1>, vector<16xf32>
      %xor3A_130 = arith.constant 8 : i32
      %xor3A_131 = vector.broadcast %xor3A_130 : i32 to vector<16xi32>
      %xor3A_132 = arith.xori %iota3A, %xor3A_131 : vector<16xi32>
      %broadcast_in_dim3A_133 = vector.shape_cast %xor3A_132 : vector<16xi32> to vector<16x1xi32>
      %gather3A_134 = vector.shape_cast %broadcast_in_dim3A_133 : vector<16x1xi32> to vector<16xi32>
      %gather3A_135 = tpu.dynamic_gather %scan3A_82#6[%gather3A_134] in [0] : vector<16xf32>, vector<16xi32> -> vector<16xf32>
      %add3A_136 = arith.addf %scan3A_82#6, %gather3A_135 : vector<16xf32>
      %xor3A_137 = arith.constant 8 : i32
      %xor3A_138 = vector.broadcast %xor3A_137 : i32 to vector<16xi32>
      %xor3A_139 = arith.xori %iota3A, %xor3A_138 : vector<16xi32>
      %broadcast_in_dim3A_140 = vector.shape_cast %xor3A_139 : vector<16xi32> to vector<16x1xi32>
      %gather3A_141 = vector.shape_cast %broadcast_in_dim3A_140 : vector<16x1xi32> to vector<16xi32>
      %gather3A_142 = tpu.dynamic_gather %scan3A_82#14[%gather3A_141] in [0] : vector<16xf32>, vector<16xi32> -> vector<16xf32>
      %add3A_143 = arith.addf %scan3A_82#14, %gather3A_142 : vector<16xf32>
      %select_n3A_144 = arith.select %eq3A_87, %add3A_136, %add3A_143 : vector<16xi1>, vector<16xf32>
      %xor3A_145 = arith.constant 8 : i32
      %xor3A_146 = vector.broadcast %xor3A_145 : i32 to vector<16xi32>
      %xor3A_147 = arith.xori %iota3A, %xor3A_146 : vector<16xi32>
      %broadcast_in_dim3A_148 = vector.shape_cast %xor3A_147 : vector<16xi32> to vector<16x1xi32>
      %gather3A_149 = vector.shape_cast %broadcast_in_dim3A_148 : vector<16x1xi32> to vector<16xi32>
      %gather3A_150 = tpu.dynamic_gather %scan3A_82#1[%gather3A_149] in [0] : vector<16xf32>, vector<16xi32> -> vector<16xf32>
      %add3A_151 = arith.addf %scan3A_82#1, %gather3A_150 : vector<16xf32>
      %xor3A_152 = arith.constant 8 : i32
      %xor3A_153 = vector.broadcast %xor3A_152 : i32 to vector<16xi32>
      %xor3A_154 = arith.xori %iota3A, %xor3A_153 : vector<16xi32>
      %broadcast_in_dim3A_155 = vector.shape_cast %xor3A_154 : vector<16xi32> to vector<16x1xi32>
      %gather3A_156 = vector.shape_cast %broadcast_in_dim3A_155 : vector<16x1xi32> to vector<16xi32>
      %gather3A_157 = tpu.dynamic_gather %scan3A_82#9[%gather3A_156] in [0] : vector<16xf32>, vector<16xi32> -> vector<16xf32>
      %add3A_158 = arith.addf %scan3A_82#9, %gather3A_157 : vector<16xf32>
      %select_n3A_159 = arith.select %eq3A_87, %add3A_151, %add3A_158 : vector<16xi1>, vector<16xf32>
      %xor3A_160 = arith.constant 8 : i32
      %xor3A_161 = vector.broadcast %xor3A_160 : i32 to vector<16xi32>
      %xor3A_162 = arith.xori %iota3A, %xor3A_161 : vector<16xi32>
      %broadcast_in_dim3A_163 = vector.shape_cast %xor3A_162 : vector<16xi32> to vector<16x1xi32>
      %gather3A_164 = vector.shape_cast %broadcast_in_dim3A_163 : vector<16x1xi32> to vector<16xi32>
      %gather3A_165 = tpu.dynamic_gather %scan3A_82#5[%gather3A_164] in [0] : vector<16xf32>, vector<16xi32> -> vector<16xf32>
      %add3A_166 = arith.addf %scan3A_82#5, %gather3A_165 : vector<16xf32>
      %xor3A_167 = arith.constant 8 : i32
      %xor3A_168 = vector.broadcast %xor3A_167 : i32 to vector<16xi32>
      %xor3A_169 = arith.xori %iota3A, %xor3A_168 : vector<16xi32>
      %broadcast_in_dim3A_170 = vector.shape_cast %xor3A_169 : vector<16xi32> to vector<16x1xi32>
      %gather3A_171 = vector.shape_cast %broadcast_in_dim3A_170 : vector<16x1xi32> to vector<16xi32>
      %gather3A_172 = tpu.dynamic_gather %scan3A_82#13[%gather3A_171] in [0] : vector<16xf32>, vector<16xi32> -> vector<16xf32>
      %add3A_173 = arith.addf %scan3A_82#13, %gather3A_172 : vector<16xf32>
      %select_n3A_174 = arith.select %eq3A_87, %add3A_166, %add3A_173 : vector<16xi1>, vector<16xf32>
      %xor3A_175 = arith.constant 8 : i32
      %xor3A_176 = vector.broadcast %xor3A_175 : i32 to vector<16xi32>
      %xor3A_177 = arith.xori %iota3A, %xor3A_176 : vector<16xi32>
      %broadcast_in_dim3A_178 = vector.shape_cast %xor3A_177 : vector<16xi32> to vector<16x1xi32>
      %gather3A_179 = vector.shape_cast %broadcast_in_dim3A_178 : vector<16x1xi32> to vector<16xi32>
      %gather3A_180 = tpu.dynamic_gather %scan3A_82#3[%gather3A_179] in [0] : vector<16xf32>, vector<16xi32> -> vector<16xf32>
      %add3A_181 = arith.addf %scan3A_82#3, %gather3A_180 : vector<16xf32>
      %xor3A_182 = arith.constant 8 : i32
      %xor3A_183 = vector.broadcast %xor3A_182 : i32 to vector<16xi32>
      %xor3A_184 = arith.xori %iota3A, %xor3A_183 : vector<16xi32>
      %broadcast_in_dim3A_185 = vector.shape_cast %xor3A_184 : vector<16xi32> to vector<16x1xi32>
      %gather3A_186 = vector.shape_cast %broadcast_in_dim3A_185 : vector<16x1xi32> to vector<16xi32>
      %gather3A_187 = tpu.dynamic_gather %scan3A_82#11[%gather3A_186] in [0] : vector<16xf32>, vector<16xi32> -> vector<16xf32>
      %add3A_188 = arith.addf %scan3A_82#11, %gather3A_187 : vector<16xf32>
      %select_n3A_189 = arith.select %eq3A_87, %add3A_181, %add3A_188 : vector<16xi1>, vector<16xf32>
      %xor3A_190 = arith.constant 8 : i32
      %xor3A_191 = vector.broadcast %xor3A_190 : i32 to vector<16xi32>
      %xor3A_192 = arith.xori %iota3A, %xor3A_191 : vector<16xi32>
      %broadcast_in_dim3A_193 = vector.shape_cast %xor3A_192 : vector<16xi32> to vector<16x1xi32>
      %gather3A_194 = vector.shape_cast %broadcast_in_dim3A_193 : vector<16x1xi32> to vector<16xi32>
      %gather3A_195 = tpu.dynamic_gather %scan3A_82#7[%gather3A_194] in [0] : vector<16xf32>, vector<16xi32> -> vector<16xf32>
      %add3A_196 = arith.addf %scan3A_82#7, %gather3A_195 : vector<16xf32>
      %xor3A_197 = arith.constant 8 : i32
      %xor3A_198 = vector.broadcast %xor3A_197 : i32 to vector<16xi32>
      %xor3A_199 = arith.xori %iota3A, %xor3A_198 : vector<16xi32>
      %broadcast_in_dim3A_200 = vector.shape_cast %xor3A_199 : vector<16xi32> to vector<16x1xi32>
      %gather3A_201 = vector.shape_cast %broadcast_in_dim3A_200 : vector<16x1xi32> to vector<16xi32>
      %gather3A_202 = tpu.dynamic_gather %scan3A_82#15[%gather3A_201] in [0] : vector<16xf32>, vector<16xi32> -> vector<16xf32>
      %add3A_203 = arith.addf %scan3A_82#15, %gather3A_202 : vector<16xf32>
      %select_n3A_204 = arith.select %eq3A_87, %add3A_196, %add3A_203 : vector<16xi1>, vector<16xf32>
      %and3A_205 = arith.constant 4 : i32
      %and3A_206 = vector.broadcast %and3A_205 : i32 to vector<16xi32>
      %and3A_207 = arith.andi %iota3A, %and3A_206 : vector<16xi32>
      %eq3A_208 = arith.constant 0 : i32
      %eq3A_209 = vector.broadcast %eq3A_208 : i32 to vector<16xi32>
      %eq3A_210 = arith.cmpi eq, %and3A_207, %eq3A_209 : vector<16xi32>
      %xor3A_211 = arith.constant 4 : i32
      %xor3A_212 = vector.broadcast %xor3A_211 : i32 to vector<16xi32>
      %xor3A_213 = arith.xori %iota3A, %xor3A_212 : vector<16xi32>
      %broadcast_in_dim3A_214 = vector.shape_cast %xor3A_213 : vector<16xi32> to vector<16x1xi32>
      %gather3A_215 = vector.shape_cast %broadcast_in_dim3A_214 : vector<16x1xi32> to vector<16xi32>
      %gather3A_216 = tpu.dynamic_gather %select_n3A[%gather3A_215] in [0] : vector<16xf32>, vector<16xi32> -> vector<16xf32>
      %add3A_217 = arith.addf %select_n3A, %gather3A_216 : vector<16xf32>
      %xor3A_218 = arith.constant 4 : i32
      %xor3A_219 = vector.broadcast %xor3A_218 : i32 to vector<16xi32>
      %xor3A_220 = arith.xori %iota3A, %xor3A_219 : vector<16xi32>
      %broadcast_in_dim3A_221 = vector.shape_cast %xor3A_220 : vector<16xi32> to vector<16x1xi32>
      %gather3A_222 = vector.shape_cast %broadcast_in_dim3A_221 : vector<16x1xi32> to vector<16xi32>
      %gather3A_223 = tpu.dynamic_gather %select_n3A_114[%gather3A_222] in [0] : vector<16xf32>, vector<16xi32> -> vector<16xf32>
      %add3A_224 = arith.addf %select_n3A_114, %gather3A_223 : vector<16xf32>
      %select_n3A_225 = arith.select %eq3A_210, %add3A_217, %add3A_224 : vector<16xi1>, vector<16xf32>
      %xor3A_226 = arith.constant 4 : i32
      %xor3A_227 = vector.broadcast %xor3A_226 : i32 to vector<16xi32>
      %xor3A_228 = arith.xori %iota3A, %xor3A_227 : vector<16xi32>
      %broadcast_in_dim3A_229 = vector.shape_cast %xor3A_228 : vector<16xi32> to vector<16x1xi32>
      %gather3A_230 = vector.shape_cast %broadcast_in_dim3A_229 : vector<16x1xi32> to vector<16xi32>
      %gather3A_231 = tpu.dynamic_gather %select_n3A_129[%gather3A_230] in [0] : vector<16xf32>, vector<16xi32> -> vector<16xf32>
      %add3A_232 = arith.addf %select_n3A_129, %gather3A_231 : vector<16xf32>
      %xor3A_233 = arith.constant 4 : i32
      %xor3A_234 = vector.broadcast %xor3A_233 : i32 to vector<16xi32>
      %xor3A_235 = arith.xori %iota3A, %xor3A_234 : vector<16xi32>
      %broadcast_in_dim3A_236 = vector.shape_cast %xor3A_235 : vector<16xi32> to vector<16x1xi32>
      %gather3A_237 = vector.shape_cast %broadcast_in_dim3A_236 : vector<16x1xi32> to vector<16xi32>
      %gather3A_238 = tpu.dynamic_gather %select_n3A_144[%gather3A_237] in [0] : vector<16xf32>, vector<16xi32> -> vector<16xf32>
      %add3A_239 = arith.addf %select_n3A_144, %gather3A_238 : vector<16xf32>
      %select_n3A_240 = arith.select %eq3A_210, %add3A_232, %add3A_239 : vector<16xi1>, vector<16xf32>
      %xor3A_241 = arith.constant 4 : i32
      %xor3A_242 = vector.broadcast %xor3A_241 : i32 to vector<16xi32>
      %xor3A_243 = arith.xori %iota3A, %xor3A_242 : vector<16xi32>
      %broadcast_in_dim3A_244 = vector.shape_cast %xor3A_243 : vector<16xi32> to vector<16x1xi32>
      %gather3A_245 = vector.shape_cast %broadcast_in_dim3A_244 : vector<16x1xi32> to vector<16xi32>
      %gather3A_246 = tpu.dynamic_gather %select_n3A_159[%gather3A_245] in [0] : vector<16xf32>, vector<16xi32> -> vector<16xf32>
      %add3A_247 = arith.addf %select_n3A_159, %gather3A_246 : vector<16xf32>
      %xor3A_248 = arith.constant 4 : i32
      %xor3A_249 = vector.broadcast %xor3A_248 : i32 to vector<16xi32>
      %xor3A_250 = arith.xori %iota3A, %xor3A_249 : vector<16xi32>
      %broadcast_in_dim3A_251 = vector.shape_cast %xor3A_250 : vector<16xi32> to vector<16x1xi32>
      %gather3A_252 = vector.shape_cast %broadcast_in_dim3A_251 : vector<16x1xi32> to vector<16xi32>
      %gather3A_253 = tpu.dynamic_gather %select_n3A_174[%gather3A_252] in [0] : vector<16xf32>, vector<16xi32> -> vector<16xf32>
      %add3A_254 = arith.addf %select_n3A_174, %gather3A_253 : vector<16xf32>
      %select_n3A_255 = arith.select %eq3A_210, %add3A_247, %add3A_254 : vector<16xi1>, vector<16xf32>
      %xor3A_256 = arith.constant 4 : i32
      %xor3A_257 = vector.broadcast %xor3A_256 : i32 to vector<16xi32>
      %xor3A_258 = arith.xori %iota3A, %xor3A_257 : vector<16xi32>
      %broadcast_in_dim3A_259 = vector.shape_cast %xor3A_258 : vector<16xi32> to vector<16x1xi32>
      %gather3A_260 = vector.shape_cast %broadcast_in_dim3A_259 : vector<16x1xi32> to vector<16xi32>
      %gather3A_261 = tpu.dynamic_gather %select_n3A_189[%gather3A_260] in [0] : vector<16xf32>, vector<16xi32> -> vector<16xf32>
      %add3A_262 = arith.addf %select_n3A_189, %gather3A_261 : vector<16xf32>
      %xor3A_263 = arith.constant 4 : i32
      %xor3A_264 = vector.broadcast %xor3A_263 : i32 to vector<16xi32>
      %xor3A_265 = arith.xori %iota3A, %xor3A_264 : vector<16xi32>
      %broadcast_in_dim3A_266 = vector.shape_cast %xor3A_265 : vector<16xi32> to vector<16x1xi32>
      %gather3A_267 = vector.shape_cast %broadcast_in_dim3A_266 : vector<16x1xi32> to vector<16xi32>
      %gather3A_268 = tpu.dynamic_gather %select_n3A_204[%gather3A_267] in [0] : vector<16xf32>, vector<16xi32> -> vector<16xf32>
      %add3A_269 = arith.addf %select_n3A_204, %gather3A_268 : vector<16xf32>
      %select_n3A_270 = arith.select %eq3A_210, %add3A_262, %add3A_269 : vector<16xi1>, vector<16xf32>
      %and3A_271 = arith.constant 2 : i32
      %and3A_272 = vector.broadcast %and3A_271 : i32 to vector<16xi32>
      %and3A_273 = arith.andi %iota3A, %and3A_272 : vector<16xi32>
      %eq3A_274 = arith.constant 0 : i32
      %eq3A_275 = vector.broadcast %eq3A_274 : i32 to vector<16xi32>
      %eq3A_276 = arith.cmpi eq, %and3A_273, %eq3A_275 : vector<16xi32>
      %xor3A_277 = arith.constant 2 : i32
      %xor3A_278 = vector.broadcast %xor3A_277 : i32 to vector<16xi32>
      %xor3A_279 = arith.xori %iota3A, %xor3A_278 : vector<16xi32>
      %broadcast_in_dim3A_280 = vector.shape_cast %xor3A_279 : vector<16xi32> to vector<16x1xi32>
      %gather3A_281 = vector.shape_cast %broadcast_in_dim3A_280 : vector<16x1xi32> to vector<16xi32>
      %gather3A_282 = tpu.dynamic_gather %select_n3A_225[%gather3A_281] in [0] : vector<16xf32>, vector<16xi32> -> vector<16xf32>
      %add3A_283 = arith.addf %select_n3A_225, %gather3A_282 : vector<16xf32>
      %xor3A_284 = arith.constant 2 : i32
      %xor3A_285 = vector.broadcast %xor3A_284 : i32 to vector<16xi32>
      %xor3A_286 = arith.xori %iota3A, %xor3A_285 : vector<16xi32>
      %broadcast_in_dim3A_287 = vector.shape_cast %xor3A_286 : vector<16xi32> to vector<16x1xi32>
      %gather3A_288 = vector.shape_cast %broadcast_in_dim3A_287 : vector<16x1xi32> to vector<16xi32>
      %gather3A_289 = tpu.dynamic_gather %select_n3A_240[%gather3A_288] in [0] : vector<16xf32>, vector<16xi32> -> vector<16xf32>
      %add3A_290 = arith.addf %select_n3A_240, %gather3A_289 : vector<16xf32>
      %select_n3A_291 = arith.select %eq3A_276, %add3A_283, %add3A_290 : vector<16xi1>, vector<16xf32>
      %xor3A_292 = arith.constant 2 : i32
      %xor3A_293 = vector.broadcast %xor3A_292 : i32 to vector<16xi32>
      %xor3A_294 = arith.xori %iota3A, %xor3A_293 : vector<16xi32>
      %broadcast_in_dim3A_295 = vector.shape_cast %xor3A_294 : vector<16xi32> to vector<16x1xi32>
      %gather3A_296 = vector.shape_cast %broadcast_in_dim3A_295 : vector<16x1xi32> to vector<16xi32>
      %gather3A_297 = tpu.dynamic_gather %select_n3A_255[%gather3A_296] in [0] : vector<16xf32>, vector<16xi32> -> vector<16xf32>
      %add3A_298 = arith.addf %select_n3A_255, %gather3A_297 : vector<16xf32>
      %xor3A_299 = arith.constant 2 : i32
      %xor3A_300 = vector.broadcast %xor3A_299 : i32 to vector<16xi32>
      %xor3A_301 = arith.xori %iota3A, %xor3A_300 : vector<16xi32>
      %broadcast_in_dim3A_302 = vector.shape_cast %xor3A_301 : vector<16xi32> to vector<16x1xi32>
      %gather3A_303 = vector.shape_cast %broadcast_in_dim3A_302 : vector<16x1xi32> to vector<16xi32>
      %gather3A_304 = tpu.dynamic_gather %select_n3A_270[%gather3A_303] in [0] : vector<16xf32>, vector<16xi32> -> vector<16xf32>
      %add3A_305 = arith.addf %select_n3A_270, %gather3A_304 : vector<16xf32>
      %select_n3A_306 = arith.select %eq3A_276, %add3A_298, %add3A_305 : vector<16xi1>, vector<16xf32>
      %and3A_307 = arith.constant 1 : i32
      %and3A_308 = vector.broadcast %and3A_307 : i32 to vector<16xi32>
      %and3A_309 = arith.andi %iota3A, %and3A_308 : vector<16xi32>
      %eq3A_310 = arith.constant 0 : i32
      %eq3A_311 = vector.broadcast %eq3A_310 : i32 to vector<16xi32>
      %eq3A_312 = arith.cmpi eq, %and3A_309, %eq3A_311 : vector<16xi32>
      %xor3A_313 = arith.constant 1 : i32
      %xor3A_314 = vector.broadcast %xor3A_313 : i32 to vector<16xi32>
      %xor3A_315 = arith.xori %iota3A, %xor3A_314 : vector<16xi32>
      %broadcast_in_dim3A_316 = vector.shape_cast %xor3A_315 : vector<16xi32> to vector<16x1xi32>
      %gather3A_317 = vector.shape_cast %broadcast_in_dim3A_316 : vector<16x1xi32> to vector<16xi32>
      %gather3A_318 = tpu.dynamic_gather %select_n3A_291[%gather3A_317] in [0] : vector<16xf32>, vector<16xi32> -> vector<16xf32>
      %add3A_319 = arith.addf %select_n3A_291, %gather3A_318 : vector<16xf32>
      %xor3A_320 = arith.constant 1 : i32
      %xor3A_321 = vector.broadcast %xor3A_320 : i32 to vector<16xi32>
      %xor3A_322 = arith.xori %iota3A, %xor3A_321 : vector<16xi32>
      %broadcast_in_dim3A_323 = vector.shape_cast %xor3A_322 : vector<16xi32> to vector<16x1xi32>
      %gather3A_324 = vector.shape_cast %broadcast_in_dim3A_323 : vector<16x1xi32> to vector<16xi32>
      %gather3A_325 = tpu.dynamic_gather %select_n3A_306[%gather3A_324] in [0] : vector<16xf32>, vector<16xi32> -> vector<16xf32>
      %add3A_326 = arith.addf %select_n3A_306, %gather3A_325 : vector<16xf32>
      %select_n3A_327 = arith.select %eq3A_312, %add3A_319, %add3A_326 : vector<16xi1>, vector<16xf32>
      %add3A_328 = arith.addf %select_n3A_327, %get3A_6 : vector<16xf32>
      %xor3A_329 = arith.constant 8 : i32
      %xor3A_330 = vector.broadcast %xor3A_329 : i32 to vector<16xi32>
      %xor3A_331 = arith.xori %iota3A, %xor3A_330 : vector<16xi32>
      %broadcast_in_dim3A_332 = vector.shape_cast %xor3A_331 : vector<16xi32> to vector<16x1xi32>
      %gather3A_333 = vector.shape_cast %broadcast_in_dim3A_332 : vector<16x1xi32> to vector<16xi32>
      %gather3A_334 = tpu.dynamic_gather %add3A_328[%gather3A_333] in [0] : vector<16xf32>, vector<16xi32> -> vector<16xf32>
      %max3A = arith.maximumf %add3A_328, %gather3A_334 : vector<16xf32>
      %xor3A_335 = arith.constant 4 : i32
      %xor3A_336 = vector.broadcast %xor3A_335 : i32 to vector<16xi32>
      %xor3A_337 = arith.xori %iota3A, %xor3A_336 : vector<16xi32>
      %broadcast_in_dim3A_338 = vector.shape_cast %xor3A_337 : vector<16xi32> to vector<16x1xi32>
      %gather3A_339 = vector.shape_cast %broadcast_in_dim3A_338 : vector<16x1xi32> to vector<16xi32>
      %gather3A_340 = tpu.dynamic_gather %max3A[%gather3A_339] in [0] : vector<16xf32>, vector<16xi32> -> vector<16xf32>
      %max3A_341 = arith.maximumf %max3A, %gather3A_340 : vector<16xf32>
      %xor3A_342 = arith.constant 2 : i32
      %xor3A_343 = vector.broadcast %xor3A_342 : i32 to vector<16xi32>
      %xor3A_344 = arith.xori %iota3A, %xor3A_343 : vector<16xi32>
      %broadcast_in_dim3A_345 = vector.shape_cast %xor3A_344 : vector<16xi32> to vector<16x1xi32>
      %gather3A_346 = vector.shape_cast %broadcast_in_dim3A_345 : vector<16x1xi32> to vector<16xi32>
      %gather3A_347 = tpu.dynamic_gather %max3A_341[%gather3A_346] in [0] : vector<16xf32>, vector<16xi32> -> vector<16xf32>
      %max3A_348 = arith.maximumf %max3A_341, %gather3A_347 : vector<16xf32>
      %xor3A_349 = arith.constant 1 : i32
      %xor3A_350 = vector.broadcast %xor3A_349 : i32 to vector<16xi32>
      %xor3A_351 = arith.xori %iota3A, %xor3A_350 : vector<16xi32>
      %broadcast_in_dim3A_352 = vector.shape_cast %xor3A_351 : vector<16xi32> to vector<16x1xi32>
      %gather3A_353 = vector.shape_cast %broadcast_in_dim3A_352 : vector<16x1xi32> to vector<16xi32>
      %gather3A_354 = tpu.dynamic_gather %max3A_348[%gather3A_353] in [0] : vector<16xf32>, vector<16xi32> -> vector<16xf32>
      %max3A_355 = arith.maximumf %max3A_348, %gather3A_354 : vector<16xf32>
      %eq3A_356 = arith.cmpf oeq, %add3A_328, %max3A_355 : vector<16xf32>
      %jit3A = arith.constant 16 : i32
      %broadcast_in_dim3A_357 = vector.broadcast %jit3A : i32 to vector<16xi32>
      %select_n3A_358 = arith.select %eq3A_356, %iota3A, %broadcast_in_dim3A_357 : vector<16xi1>, vector<16xi32>
      %xor3A_359 = arith.constant 8 : i32
      %xor3A_360 = vector.broadcast %xor3A_359 : i32 to vector<16xi32>
      %xor3A_361 = arith.xori %iota3A, %xor3A_360 : vector<16xi32>
      %broadcast_in_dim3A_362 = vector.shape_cast %xor3A_361 : vector<16xi32> to vector<16x1xi32>
      %gather3A_363 = vector.shape_cast %broadcast_in_dim3A_362 : vector<16x1xi32> to vector<16xi32>
      %gather3A_364 = tpu.dynamic_gather %select_n3A_358[%gather3A_363] in [0] : vector<16xi32>, vector<16xi32> -> vector<16xi32>
      %min3A = arith.minsi %select_n3A_358, %gather3A_364 : vector<16xi32>
      %xor3A_365 = arith.constant 4 : i32
      %xor3A_366 = vector.broadcast %xor3A_365 : i32 to vector<16xi32>
      %xor3A_367 = arith.xori %iota3A, %xor3A_366 : vector<16xi32>
      %broadcast_in_dim3A_368 = vector.shape_cast %xor3A_367 : vector<16xi32> to vector<16x1xi32>
      %gather3A_369 = vector.shape_cast %broadcast_in_dim3A_368 : vector<16x1xi32> to vector<16xi32>
      %gather3A_370 = tpu.dynamic_gather %min3A[%gather3A_369] in [0] : vector<16xi32>, vector<16xi32> -> vector<16xi32>
      %min3A_371 = arith.minsi %min3A, %gather3A_370 : vector<16xi32>
      %xor3A_372 = arith.constant 2 : i32
      %xor3A_373 = vector.broadcast %xor3A_372 : i32 to vector<16xi32>
      %xor3A_374 = arith.xori %iota3A, %xor3A_373 : vector<16xi32>
      %broadcast_in_dim3A_375 = vector.shape_cast %xor3A_374 : vector<16xi32> to vector<16x1xi32>
      %gather3A_376 = vector.shape_cast %broadcast_in_dim3A_375 : vector<16x1xi32> to vector<16xi32>
      %gather3A_377 = tpu.dynamic_gather %min3A_371[%gather3A_376] in [0] : vector<16xi32>, vector<16xi32> -> vector<16xi32>
      %min3A_378 = arith.minsi %min3A_371, %gather3A_377 : vector<16xi32>
      %xor3A_379 = arith.constant 1 : i32
      %xor3A_380 = vector.broadcast %xor3A_379 : i32 to vector<16xi32>
      %xor3A_381 = arith.xori %iota3A, %xor3A_380 : vector<16xi32>
      %broadcast_in_dim3A_382 = vector.shape_cast %xor3A_381 : vector<16xi32> to vector<16x1xi32>
      %gather3A_383 = vector.shape_cast %broadcast_in_dim3A_382 : vector<16x1xi32> to vector<16xi32>
      %gather3A_384 = tpu.dynamic_gather %min3A_378[%gather3A_383] in [0] : vector<16xi32>, vector<16xi32> -> vector<16xi32>
      %min3A_385 = arith.minsi %min3A_378, %gather3A_384 : vector<16xi32>
      %eq3A_386 = arith.cmpi eq, %iota3A, %min3A_385 : vector<16xi32>
      %jit3A_387 = arith.constant 0xFF800000 : f32
      %broadcast_in_dim3A_388 = vector.broadcast %jit3A_387 : f32 to vector<16xf32>
      %select_n3A_389 = arith.select %eq3A_386, %broadcast_in_dim3A_388, %add3A_328 : vector<16xi1>, vector<16xf32>
      %xor3A_390 = arith.constant 8 : i32
      %xor3A_391 = vector.broadcast %xor3A_390 : i32 to vector<16xi32>
      %xor3A_392 = arith.xori %iota3A, %xor3A_391 : vector<16xi32>
      %broadcast_in_dim3A_393 = vector.shape_cast %xor3A_392 : vector<16xi32> to vector<16x1xi32>
      %gather3A_394 = vector.shape_cast %broadcast_in_dim3A_393 : vector<16x1xi32> to vector<16xi32>
      %gather3A_395 = tpu.dynamic_gather %select_n3A_389[%gather3A_394] in [0] : vector<16xf32>, vector<16xi32> -> vector<16xf32>
      %max3A_396 = arith.maximumf %select_n3A_389, %gather3A_395 : vector<16xf32>
      %xor3A_397 = arith.constant 4 : i32
      %xor3A_398 = vector.broadcast %xor3A_397 : i32 to vector<16xi32>
      %xor3A_399 = arith.xori %iota3A, %xor3A_398 : vector<16xi32>
      %broadcast_in_dim3A_400 = vector.shape_cast %xor3A_399 : vector<16xi32> to vector<16x1xi32>
      %gather3A_401 = vector.shape_cast %broadcast_in_dim3A_400 : vector<16x1xi32> to vector<16xi32>
      %gather3A_402 = tpu.dynamic_gather %max3A_396[%gather3A_401] in [0] : vector<16xf32>, vector<16xi32> -> vector<16xf32>
      %max3A_403 = arith.maximumf %max3A_396, %gather3A_402 : vector<16xf32>
      %xor3A_404 = arith.constant 2 : i32
      %xor3A_405 = vector.broadcast %xor3A_404 : i32 to vector<16xi32>
      %xor3A_406 = arith.xori %iota3A, %xor3A_405 : vector<16xi32>
      %broadcast_in_dim3A_407 = vector.shape_cast %xor3A_406 : vector<16xi32> to vector<16x1xi32>
      %gather3A_408 = vector.shape_cast %broadcast_in_dim3A_407 : vector<16x1xi32> to vector<16xi32>
      %gather3A_409 = tpu.dynamic_gather %max3A_403[%gather3A_408] in [0] : vector<16xf32>, vector<16xi32> -> vector<16xf32>
      %max3A_410 = arith.maximumf %max3A_403, %gather3A_409 : vector<16xf32>
      %xor3A_411 = arith.constant 1 : i32
      %xor3A_412 = vector.broadcast %xor3A_411 : i32 to vector<16xi32>
      %xor3A_413 = arith.xori %iota3A, %xor3A_412 : vector<16xi32>
      %broadcast_in_dim3A_414 = vector.shape_cast %xor3A_413 : vector<16xi32> to vector<16x1xi32>
      %gather3A_415 = vector.shape_cast %broadcast_in_dim3A_414 : vector<16x1xi32> to vector<16xi32>
      %gather3A_416 = tpu.dynamic_gather %max3A_410[%gather3A_415] in [0] : vector<16xf32>, vector<16xi32> -> vector<16xf32>
      %max3A_417 = arith.maximumf %max3A_410, %gather3A_416 : vector<16xf32>
      %eq3A_418 = arith.cmpf oeq, %select_n3A_389, %max3A_417 : vector<16xf32>
      %jit3A_419 = arith.constant 16 : i32
      %broadcast_in_dim3A_420 = vector.broadcast %jit3A_419 : i32 to vector<16xi32>
      %select_n3A_421 = arith.select %eq3A_418, %iota3A, %broadcast_in_dim3A_420 : vector<16xi1>, vector<16xi32>
      %xor3A_422 = arith.constant 8 : i32
      %xor3A_423 = vector.broadcast %xor3A_422 : i32 to vector<16xi32>
      %xor3A_424 = arith.xori %iota3A, %xor3A_423 : vector<16xi32>
      %broadcast_in_dim3A_425 = vector.shape_cast %xor3A_424 : vector<16xi32> to vector<16x1xi32>
      %gather3A_426 = vector.shape_cast %broadcast_in_dim3A_425 : vector<16x1xi32> to vector<16xi32>
      %gather3A_427 = tpu.dynamic_gather %select_n3A_421[%gather3A_426] in [0] : vector<16xi32>, vector<16xi32> -> vector<16xi32>
      %min3A_428 = arith.minsi %select_n3A_421, %gather3A_427 : vector<16xi32>
      %xor3A_429 = arith.constant 4 : i32
      %xor3A_430 = vector.broadcast %xor3A_429 : i32 to vector<16xi32>
      %xor3A_431 = arith.xori %iota3A, %xor3A_430 : vector<16xi32>
      %broadcast_in_dim3A_432 = vector.shape_cast %xor3A_431 : vector<16xi32> to vector<16x1xi32>
      %gather3A_433 = vector.shape_cast %broadcast_in_dim3A_432 : vector<16x1xi32> to vector<16xi32>
      %gather3A_434 = tpu.dynamic_gather %min3A_428[%gather3A_433] in [0] : vector<16xi32>, vector<16xi32> -> vector<16xi32>
      %min3A_435 = arith.minsi %min3A_428, %gather3A_434 : vector<16xi32>
      %xor3A_436 = arith.constant 2 : i32
      %xor3A_437 = vector.broadcast %xor3A_436 : i32 to vector<16xi32>
      %xor3A_438 = arith.xori %iota3A, %xor3A_437 : vector<16xi32>
      %broadcast_in_dim3A_439 = vector.shape_cast %xor3A_438 : vector<16xi32> to vector<16x1xi32>
      %gather3A_440 = vector.shape_cast %broadcast_in_dim3A_439 : vector<16x1xi32> to vector<16xi32>
      %gather3A_441 = tpu.dynamic_gather %min3A_435[%gather3A_440] in [0] : vector<16xi32>, vector<16xi32> -> vector<16xi32>
      %min3A_442 = arith.minsi %min3A_435, %gather3A_441 : vector<16xi32>
      %xor3A_443 = arith.constant 1 : i32
      %xor3A_444 = vector.broadcast %xor3A_443 : i32 to vector<16xi32>
      %xor3A_445 = arith.xori %iota3A, %xor3A_444 : vector<16xi32>
      %broadcast_in_dim3A_446 = vector.shape_cast %xor3A_445 : vector<16xi32> to vector<16x1xi32>
      %gather3A_447 = vector.shape_cast %broadcast_in_dim3A_446 : vector<16x1xi32> to vector<16xi32>
      %gather3A_448 = tpu.dynamic_gather %min3A_442[%gather3A_447] in [0] : vector<16xi32>, vector<16xi32> -> vector<16xi32>
      %min3A_449 = arith.minsi %min3A_442, %gather3A_448 : vector<16xi32>
      %sub3A = arith.subf %max3A_417, %max3A_355 : vector<16xf32>
      %exp3A = math.exp %sub3A : vector<16xf32>
      %add3A_450 = arith.constant 1.000000e+00 : f32
      %add3A_451 = vector.broadcast %add3A_450 : f32 to vector<16xf32>
      %add3A_452 = arith.addf %add3A_451, %exp3A : vector<16xf32>
      %div3A = arith.constant 1.000000e+00 : f32
      %div3A_453 = vector.broadcast %div3A : f32 to vector<16xf32>
      %div3A_454 = arith.divf %div3A_453, %add3A_452 : vector<16xf32>
      %add3A_455 = arith.constant 0 : i32
      %add3A_456 = arith.addi %mul3A_77, %add3A_455 : i32
      %eq3A_457 = vector.broadcast %add3A_456 : i32 to vector<16xi32>
      %eq3A_458 = arith.cmpi eq, %iota3A, %eq3A_457 : vector<16xi32>
      %select_n3A_459 = arith.select %eq3A_458, %div3A_454, %scan3A_72 : vector<16xi1>, vector<16xf32>
      %mul3A_460 = arith.mulf %exp3A, %div3A_454 : vector<16xf32>
      %select_n3A_461 = arith.select %eq3A_458, %mul3A_460, %scan3A_73 : vector<16xi1>, vector<16xf32>
      %select_n3A_462 = arith.select %eq3A_458, %min3A_385, %scan3A_74 : vector<16xi1>, vector<16xi32>
      %select_n3A_463 = arith.select %eq3A_458, %min3A_449, %scan3A_75 : vector<16xi1>, vector<16xi32>
      %and3A_464 = arith.constant 8 : i32
      %and3A_465 = vector.broadcast %and3A_464 : i32 to vector<16xi32>
      %and3A_466 = arith.andi %iota3A, %and3A_465 : vector<16xi32>
      %eq3A_467 = arith.constant 0 : i32
      %eq3A_468 = vector.broadcast %eq3A_467 : i32 to vector<16xi32>
      %eq3A_469 = arith.cmpi eq, %and3A_466, %eq3A_468 : vector<16xi32>
      %xor3A_470 = arith.constant 8 : i32
      %xor3A_471 = vector.broadcast %xor3A_470 : i32 to vector<16xi32>
      %xor3A_472 = arith.xori %iota3A, %xor3A_471 : vector<16xi32>
      %broadcast_in_dim3A_473 = vector.shape_cast %xor3A_472 : vector<16xi32> to vector<16x1xi32>
      %gather3A_474 = vector.shape_cast %broadcast_in_dim3A_473 : vector<16x1xi32> to vector<16xi32>
      %gather3A_475 = tpu.dynamic_gather %scan3A_82#16[%gather3A_474] in [0] : vector<16xf32>, vector<16xi32> -> vector<16xf32>
      %add3A_476 = arith.addf %scan3A_82#16, %gather3A_475 : vector<16xf32>
      %xor3A_477 = arith.constant 8 : i32
      %xor3A_478 = vector.broadcast %xor3A_477 : i32 to vector<16xi32>
      %xor3A_479 = arith.xori %iota3A, %xor3A_478 : vector<16xi32>
      %broadcast_in_dim3A_480 = vector.shape_cast %xor3A_479 : vector<16xi32> to vector<16x1xi32>
      %gather3A_481 = vector.shape_cast %broadcast_in_dim3A_480 : vector<16x1xi32> to vector<16xi32>
      %gather3A_482 = tpu.dynamic_gather %scan3A_82#24[%gather3A_481] in [0] : vector<16xf32>, vector<16xi32> -> vector<16xf32>
      %add3A_483 = arith.addf %scan3A_82#24, %gather3A_482 : vector<16xf32>
      %select_n3A_484 = arith.select %eq3A_469, %add3A_476, %add3A_483 : vector<16xi1>, vector<16xf32>
      %xor3A_485 = arith.constant 8 : i32
      %xor3A_486 = vector.broadcast %xor3A_485 : i32 to vector<16xi32>
      %xor3A_487 = arith.xori %iota3A, %xor3A_486 : vector<16xi32>
      %broadcast_in_dim3A_488 = vector.shape_cast %xor3A_487 : vector<16xi32> to vector<16x1xi32>
      %gather3A_489 = vector.shape_cast %broadcast_in_dim3A_488 : vector<16x1xi32> to vector<16xi32>
      %gather3A_490 = tpu.dynamic_gather %scan3A_82#20[%gather3A_489] in [0] : vector<16xf32>, vector<16xi32> -> vector<16xf32>
      %add3A_491 = arith.addf %scan3A_82#20, %gather3A_490 : vector<16xf32>
      %xor3A_492 = arith.constant 8 : i32
      %xor3A_493 = vector.broadcast %xor3A_492 : i32 to vector<16xi32>
      %xor3A_494 = arith.xori %iota3A, %xor3A_493 : vector<16xi32>
      %broadcast_in_dim3A_495 = vector.shape_cast %xor3A_494 : vector<16xi32> to vector<16x1xi32>
      %gather3A_496 = vector.shape_cast %broadcast_in_dim3A_495 : vector<16x1xi32> to vector<16xi32>
      %gather3A_497 = tpu.dynamic_gather %scan3A_82#28[%gather3A_496] in [0] : vector<16xf32>, vector<16xi32> -> vector<16xf32>
      %add3A_498 = arith.addf %scan3A_82#28, %gather3A_497 : vector<16xf32>
      %select_n3A_499 = arith.select %eq3A_469, %add3A_491, %add3A_498 : vector<16xi1>, vector<16xf32>
      %xor3A_500 = arith.constant 8 : i32
      %xor3A_501 = vector.broadcast %xor3A_500 : i32 to vector<16xi32>
      %xor3A_502 = arith.xori %iota3A, %xor3A_501 : vector<16xi32>
      %broadcast_in_dim3A_503 = vector.shape_cast %xor3A_502 : vector<16xi32> to vector<16x1xi32>
      %gather3A_504 = vector.shape_cast %broadcast_in_dim3A_503 : vector<16x1xi32> to vector<16xi32>
      %gather3A_505 = tpu.dynamic_gather %scan3A_82#18[%gather3A_504] in [0] : vector<16xf32>, vector<16xi32> -> vector<16xf32>
      %add3A_506 = arith.addf %scan3A_82#18, %gather3A_505 : vector<16xf32>
      %xor3A_507 = arith.constant 8 : i32
      %xor3A_508 = vector.broadcast %xor3A_507 : i32 to vector<16xi32>
      %xor3A_509 = arith.xori %iota3A, %xor3A_508 : vector<16xi32>
      %broadcast_in_dim3A_510 = vector.shape_cast %xor3A_509 : vector<16xi32> to vector<16x1xi32>
      %gather3A_511 = vector.shape_cast %broadcast_in_dim3A_510 : vector<16x1xi32> to vector<16xi32>
      %gather3A_512 = tpu.dynamic_gather %scan3A_82#26[%gather3A_511] in [0] : vector<16xf32>, vector<16xi32> -> vector<16xf32>
      %add3A_513 = arith.addf %scan3A_82#26, %gather3A_512 : vector<16xf32>
      %select_n3A_514 = arith.select %eq3A_469, %add3A_506, %add3A_513 : vector<16xi1>, vector<16xf32>
      %xor3A_515 = arith.constant 8 : i32
      %xor3A_516 = vector.broadcast %xor3A_515 : i32 to vector<16xi32>
      %xor3A_517 = arith.xori %iota3A, %xor3A_516 : vector<16xi32>
      %broadcast_in_dim3A_518 = vector.shape_cast %xor3A_517 : vector<16xi32> to vector<16x1xi32>
      %gather3A_519 = vector.shape_cast %broadcast_in_dim3A_518 : vector<16x1xi32> to vector<16xi32>
      %gather3A_520 = tpu.dynamic_gather %scan3A_82#22[%gather3A_519] in [0] : vector<16xf32>, vector<16xi32> -> vector<16xf32>
      %add3A_521 = arith.addf %scan3A_82#22, %gather3A_520 : vector<16xf32>
      %xor3A_522 = arith.constant 8 : i32
      %xor3A_523 = vector.broadcast %xor3A_522 : i32 to vector<16xi32>
      %xor3A_524 = arith.xori %iota3A, %xor3A_523 : vector<16xi32>
      %broadcast_in_dim3A_525 = vector.shape_cast %xor3A_524 : vector<16xi32> to vector<16x1xi32>
      %gather3A_526 = vector.shape_cast %broadcast_in_dim3A_525 : vector<16x1xi32> to vector<16xi32>
      %gather3A_527 = tpu.dynamic_gather %scan3A_82#30[%gather3A_526] in [0] : vector<16xf32>, vector<16xi32> -> vector<16xf32>
      %add3A_528 = arith.addf %scan3A_82#30, %gather3A_527 : vector<16xf32>
      %select_n3A_529 = arith.select %eq3A_469, %add3A_521, %add3A_528 : vector<16xi1>, vector<16xf32>
      %xor3A_530 = arith.constant 8 : i32
      %xor3A_531 = vector.broadcast %xor3A_530 : i32 to vector<16xi32>
      %xor3A_532 = arith.xori %iota3A, %xor3A_531 : vector<16xi32>
      %broadcast_in_dim3A_533 = vector.shape_cast %xor3A_532 : vector<16xi32> to vector<16x1xi32>
      %gather3A_534 = vector.shape_cast %broadcast_in_dim3A_533 : vector<16x1xi32> to vector<16xi32>
      %gather3A_535 = tpu.dynamic_gather %scan3A_82#17[%gather3A_534] in [0] : vector<16xf32>, vector<16xi32> -> vector<16xf32>
      %add3A_536 = arith.addf %scan3A_82#17, %gather3A_535 : vector<16xf32>
      %xor3A_537 = arith.constant 8 : i32
      %xor3A_538 = vector.broadcast %xor3A_537 : i32 to vector<16xi32>
      %xor3A_539 = arith.xori %iota3A, %xor3A_538 : vector<16xi32>
      %broadcast_in_dim3A_540 = vector.shape_cast %xor3A_539 : vector<16xi32> to vector<16x1xi32>
      %gather3A_541 = vector.shape_cast %broadcast_in_dim3A_540 : vector<16x1xi32> to vector<16xi32>
      %gather3A_542 = tpu.dynamic_gather %scan3A_82#25[%gather3A_541] in [0] : vector<16xf32>, vector<16xi32> -> vector<16xf32>
      %add3A_543 = arith.addf %scan3A_82#25, %gather3A_542 : vector<16xf32>
      %select_n3A_544 = arith.select %eq3A_469, %add3A_536, %add3A_543 : vector<16xi1>, vector<16xf32>
      %xor3A_545 = arith.constant 8 : i32
      %xor3A_546 = vector.broadcast %xor3A_545 : i32 to vector<16xi32>
      %xor3A_547 = arith.xori %iota3A, %xor3A_546 : vector<16xi32>
      %broadcast_in_dim3A_548 = vector.shape_cast %xor3A_547 : vector<16xi32> to vector<16x1xi32>
      %gather3A_549 = vector.shape_cast %broadcast_in_dim3A_548 : vector<16x1xi32> to vector<16xi32>
      %gather3A_550 = tpu.dynamic_gather %scan3A_82#21[%gather3A_549] in [0] : vector<16xf32>, vector<16xi32> -> vector<16xf32>
      %add3A_551 = arith.addf %scan3A_82#21, %gather3A_550 : vector<16xf32>
      %xor3A_552 = arith.constant 8 : i32
      %xor3A_553 = vector.broadcast %xor3A_552 : i32 to vector<16xi32>
      %xor3A_554 = arith.xori %iota3A, %xor3A_553 : vector<16xi32>
      %broadcast_in_dim3A_555 = vector.shape_cast %xor3A_554 : vector<16xi32> to vector<16x1xi32>
      %gather3A_556 = vector.shape_cast %broadcast_in_dim3A_555 : vector<16x1xi32> to vector<16xi32>
      %gather3A_557 = tpu.dynamic_gather %scan3A_82#29[%gather3A_556] in [0] : vector<16xf32>, vector<16xi32> -> vector<16xf32>
      %add3A_558 = arith.addf %scan3A_82#29, %gather3A_557 : vector<16xf32>
      %select_n3A_559 = arith.select %eq3A_469, %add3A_551, %add3A_558 : vector<16xi1>, vector<16xf32>
      %xor3A_560 = arith.constant 8 : i32
      %xor3A_561 = vector.broadcast %xor3A_560 : i32 to vector<16xi32>
      %xor3A_562 = arith.xori %iota3A, %xor3A_561 : vector<16xi32>
      %broadcast_in_dim3A_563 = vector.shape_cast %xor3A_562 : vector<16xi32> to vector<16x1xi32>
      %gather3A_564 = vector.shape_cast %broadcast_in_dim3A_563 : vector<16x1xi32> to vector<16xi32>
      %gather3A_565 = tpu.dynamic_gather %scan3A_82#19[%gather3A_564] in [0] : vector<16xf32>, vector<16xi32> -> vector<16xf32>
      %add3A_566 = arith.addf %scan3A_82#19, %gather3A_565 : vector<16xf32>
      %xor3A_567 = arith.constant 8 : i32
      %xor3A_568 = vector.broadcast %xor3A_567 : i32 to vector<16xi32>
      %xor3A_569 = arith.xori %iota3A, %xor3A_568 : vector<16xi32>
      %broadcast_in_dim3A_570 = vector.shape_cast %xor3A_569 : vector<16xi32> to vector<16x1xi32>
      %gather3A_571 = vector.shape_cast %broadcast_in_dim3A_570 : vector<16x1xi32> to vector<16xi32>
      %gather3A_572 = tpu.dynamic_gather %scan3A_82#27[%gather3A_571] in [0] : vector<16xf32>, vector<16xi32> -> vector<16xf32>
      %add3A_573 = arith.addf %scan3A_82#27, %gather3A_572 : vector<16xf32>
      %select_n3A_574 = arith.select %eq3A_469, %add3A_566, %add3A_573 : vector<16xi1>, vector<16xf32>
      %xor3A_575 = arith.constant 8 : i32
      %xor3A_576 = vector.broadcast %xor3A_575 : i32 to vector<16xi32>
      %xor3A_577 = arith.xori %iota3A, %xor3A_576 : vector<16xi32>
      %broadcast_in_dim3A_578 = vector.shape_cast %xor3A_577 : vector<16xi32> to vector<16x1xi32>
      %gather3A_579 = vector.shape_cast %broadcast_in_dim3A_578 : vector<16x1xi32> to vector<16xi32>
      %gather3A_580 = tpu.dynamic_gather %scan3A_82#23[%gather3A_579] in [0] : vector<16xf32>, vector<16xi32> -> vector<16xf32>
      %add3A_581 = arith.addf %scan3A_82#23, %gather3A_580 : vector<16xf32>
      %xor3A_582 = arith.constant 8 : i32
      %xor3A_583 = vector.broadcast %xor3A_582 : i32 to vector<16xi32>
      %xor3A_584 = arith.xori %iota3A, %xor3A_583 : vector<16xi32>
      %broadcast_in_dim3A_585 = vector.shape_cast %xor3A_584 : vector<16xi32> to vector<16x1xi32>
      %gather3A_586 = vector.shape_cast %broadcast_in_dim3A_585 : vector<16x1xi32> to vector<16xi32>
      %gather3A_587 = tpu.dynamic_gather %scan3A_82#31[%gather3A_586] in [0] : vector<16xf32>, vector<16xi32> -> vector<16xf32>
      %add3A_588 = arith.addf %scan3A_82#31, %gather3A_587 : vector<16xf32>
      %select_n3A_589 = arith.select %eq3A_469, %add3A_581, %add3A_588 : vector<16xi1>, vector<16xf32>
      %and3A_590 = arith.constant 4 : i32
      %and3A_591 = vector.broadcast %and3A_590 : i32 to vector<16xi32>
      %and3A_592 = arith.andi %iota3A, %and3A_591 : vector<16xi32>
      %eq3A_593 = arith.constant 0 : i32
      %eq3A_594 = vector.broadcast %eq3A_593 : i32 to vector<16xi32>
      %eq3A_595 = arith.cmpi eq, %and3A_592, %eq3A_594 : vector<16xi32>
      %xor3A_596 = arith.constant 4 : i32
      %xor3A_597 = vector.broadcast %xor3A_596 : i32 to vector<16xi32>
      %xor3A_598 = arith.xori %iota3A, %xor3A_597 : vector<16xi32>
      %broadcast_in_dim3A_599 = vector.shape_cast %xor3A_598 : vector<16xi32> to vector<16x1xi32>
      %gather3A_600 = vector.shape_cast %broadcast_in_dim3A_599 : vector<16x1xi32> to vector<16xi32>
      %gather3A_601 = tpu.dynamic_gather %select_n3A_484[%gather3A_600] in [0] : vector<16xf32>, vector<16xi32> -> vector<16xf32>
      %add3A_602 = arith.addf %select_n3A_484, %gather3A_601 : vector<16xf32>
      %xor3A_603 = arith.constant 4 : i32
      %xor3A_604 = vector.broadcast %xor3A_603 : i32 to vector<16xi32>
      %xor3A_605 = arith.xori %iota3A, %xor3A_604 : vector<16xi32>
      %broadcast_in_dim3A_606 = vector.shape_cast %xor3A_605 : vector<16xi32> to vector<16x1xi32>
      %gather3A_607 = vector.shape_cast %broadcast_in_dim3A_606 : vector<16x1xi32> to vector<16xi32>
      %gather3A_608 = tpu.dynamic_gather %select_n3A_499[%gather3A_607] in [0] : vector<16xf32>, vector<16xi32> -> vector<16xf32>
      %add3A_609 = arith.addf %select_n3A_499, %gather3A_608 : vector<16xf32>
      %select_n3A_610 = arith.select %eq3A_595, %add3A_602, %add3A_609 : vector<16xi1>, vector<16xf32>
      %xor3A_611 = arith.constant 4 : i32
      %xor3A_612 = vector.broadcast %xor3A_611 : i32 to vector<16xi32>
      %xor3A_613 = arith.xori %iota3A, %xor3A_612 : vector<16xi32>
      %broadcast_in_dim3A_614 = vector.shape_cast %xor3A_613 : vector<16xi32> to vector<16x1xi32>
      %gather3A_615 = vector.shape_cast %broadcast_in_dim3A_614 : vector<16x1xi32> to vector<16xi32>
      %gather3A_616 = tpu.dynamic_gather %select_n3A_514[%gather3A_615] in [0] : vector<16xf32>, vector<16xi32> -> vector<16xf32>
      %add3A_617 = arith.addf %select_n3A_514, %gather3A_616 : vector<16xf32>
      %xor3A_618 = arith.constant 4 : i32
      %xor3A_619 = vector.broadcast %xor3A_618 : i32 to vector<16xi32>
      %xor3A_620 = arith.xori %iota3A, %xor3A_619 : vector<16xi32>
      %broadcast_in_dim3A_621 = vector.shape_cast %xor3A_620 : vector<16xi32> to vector<16x1xi32>
      %gather3A_622 = vector.shape_cast %broadcast_in_dim3A_621 : vector<16x1xi32> to vector<16xi32>
      %gather3A_623 = tpu.dynamic_gather %select_n3A_529[%gather3A_622] in [0] : vector<16xf32>, vector<16xi32> -> vector<16xf32>
      %add3A_624 = arith.addf %select_n3A_529, %gather3A_623 : vector<16xf32>
      %select_n3A_625 = arith.select %eq3A_595, %add3A_617, %add3A_624 : vector<16xi1>, vector<16xf32>
      %xor3A_626 = arith.constant 4 : i32
      %xor3A_627 = vector.broadcast %xor3A_626 : i32 to vector<16xi32>
      %xor3A_628 = arith.xori %iota3A, %xor3A_627 : vector<16xi32>
      %broadcast_in_dim3A_629 = vector.shape_cast %xor3A_628 : vector<16xi32> to vector<16x1xi32>
      %gather3A_630 = vector.shape_cast %broadcast_in_dim3A_629 : vector<16x1xi32> to vector<16xi32>
      %gather3A_631 = tpu.dynamic_gather %select_n3A_544[%gather3A_630] in [0] : vector<16xf32>, vector<16xi32> -> vector<16xf32>
      %add3A_632 = arith.addf %select_n3A_544, %gather3A_631 : vector<16xf32>
      %xor3A_633 = arith.constant 4 : i32
      %xor3A_634 = vector.broadcast %xor3A_633 : i32 to vector<16xi32>
      %xor3A_635 = arith.xori %iota3A, %xor3A_634 : vector<16xi32>
      %broadcast_in_dim3A_636 = vector.shape_cast %xor3A_635 : vector<16xi32> to vector<16x1xi32>
      %gather3A_637 = vector.shape_cast %broadcast_in_dim3A_636 : vector<16x1xi32> to vector<16xi32>
      %gather3A_638 = tpu.dynamic_gather %select_n3A_559[%gather3A_637] in [0] : vector<16xf32>, vector<16xi32> -> vector<16xf32>
      %add3A_639 = arith.addf %select_n3A_559, %gather3A_638 : vector<16xf32>
      %select_n3A_640 = arith.select %eq3A_595, %add3A_632, %add3A_639 : vector<16xi1>, vector<16xf32>
      %xor3A_641 = arith.constant 4 : i32
      %xor3A_642 = vector.broadcast %xor3A_641 : i32 to vector<16xi32>
      %xor3A_643 = arith.xori %iota3A, %xor3A_642 : vector<16xi32>
      %broadcast_in_dim3A_644 = vector.shape_cast %xor3A_643 : vector<16xi32> to vector<16x1xi32>
      %gather3A_645 = vector.shape_cast %broadcast_in_dim3A_644 : vector<16x1xi32> to vector<16xi32>
      %gather3A_646 = tpu.dynamic_gather %select_n3A_574[%gather3A_645] in [0] : vector<16xf32>, vector<16xi32> -> vector<16xf32>
      %add3A_647 = arith.addf %select_n3A_574, %gather3A_646 : vector<16xf32>
      %xor3A_648 = arith.constant 4 : i32
      %xor3A_649 = vector.broadcast %xor3A_648 : i32 to vector<16xi32>
      %xor3A_650 = arith.xori %iota3A, %xor3A_649 : vector<16xi32>
      %broadcast_in_dim3A_651 = vector.shape_cast %xor3A_650 : vector<16xi32> to vector<16x1xi32>
      %gather3A_652 = vector.shape_cast %broadcast_in_dim3A_651 : vector<16x1xi32> to vector<16xi32>
      %gather3A_653 = tpu.dynamic_gather %select_n3A_589[%gather3A_652] in [0] : vector<16xf32>, vector<16xi32> -> vector<16xf32>
      %add3A_654 = arith.addf %select_n3A_589, %gather3A_653 : vector<16xf32>
      %select_n3A_655 = arith.select %eq3A_595, %add3A_647, %add3A_654 : vector<16xi1>, vector<16xf32>
      %and3A_656 = arith.constant 2 : i32
      %and3A_657 = vector.broadcast %and3A_656 : i32 to vector<16xi32>
      %and3A_658 = arith.andi %iota3A, %and3A_657 : vector<16xi32>
      %eq3A_659 = arith.constant 0 : i32
      %eq3A_660 = vector.broadcast %eq3A_659 : i32 to vector<16xi32>
      %eq3A_661 = arith.cmpi eq, %and3A_658, %eq3A_660 : vector<16xi32>
      %xor3A_662 = arith.constant 2 : i32
      %xor3A_663 = vector.broadcast %xor3A_662 : i32 to vector<16xi32>
      %xor3A_664 = arith.xori %iota3A, %xor3A_663 : vector<16xi32>
      %broadcast_in_dim3A_665 = vector.shape_cast %xor3A_664 : vector<16xi32> to vector<16x1xi32>
      %gather3A_666 = vector.shape_cast %broadcast_in_dim3A_665 : vector<16x1xi32> to vector<16xi32>
      %gather3A_667 = tpu.dynamic_gather %select_n3A_610[%gather3A_666] in [0] : vector<16xf32>, vector<16xi32> -> vector<16xf32>
      %add3A_668 = arith.addf %select_n3A_610, %gather3A_667 : vector<16xf32>
      %xor3A_669 = arith.constant 2 : i32
      %xor3A_670 = vector.broadcast %xor3A_669 : i32 to vector<16xi32>
      %xor3A_671 = arith.xori %iota3A, %xor3A_670 : vector<16xi32>
      %broadcast_in_dim3A_672 = vector.shape_cast %xor3A_671 : vector<16xi32> to vector<16x1xi32>
      %gather3A_673 = vector.shape_cast %broadcast_in_dim3A_672 : vector<16x1xi32> to vector<16xi32>
      %gather3A_674 = tpu.dynamic_gather %select_n3A_625[%gather3A_673] in [0] : vector<16xf32>, vector<16xi32> -> vector<16xf32>
      %add3A_675 = arith.addf %select_n3A_625, %gather3A_674 : vector<16xf32>
      %select_n3A_676 = arith.select %eq3A_661, %add3A_668, %add3A_675 : vector<16xi1>, vector<16xf32>
      %xor3A_677 = arith.constant 2 : i32
      %xor3A_678 = vector.broadcast %xor3A_677 : i32 to vector<16xi32>
      %xor3A_679 = arith.xori %iota3A, %xor3A_678 : vector<16xi32>
      %broadcast_in_dim3A_680 = vector.shape_cast %xor3A_679 : vector<16xi32> to vector<16x1xi32>
      %gather3A_681 = vector.shape_cast %broadcast_in_dim3A_680 : vector<16x1xi32> to vector<16xi32>
      %gather3A_682 = tpu.dynamic_gather %select_n3A_640[%gather3A_681] in [0] : vector<16xf32>, vector<16xi32> -> vector<16xf32>
      %add3A_683 = arith.addf %select_n3A_640, %gather3A_682 : vector<16xf32>
      %xor3A_684 = arith.constant 2 : i32
      %xor3A_685 = vector.broadcast %xor3A_684 : i32 to vector<16xi32>
      %xor3A_686 = arith.xori %iota3A, %xor3A_685 : vector<16xi32>
      %broadcast_in_dim3A_687 = vector.shape_cast %xor3A_686 : vector<16xi32> to vector<16x1xi32>
      %gather3A_688 = vector.shape_cast %broadcast_in_dim3A_687 : vector<16x1xi32> to vector<16xi32>
      %gather3A_689 = tpu.dynamic_gather %select_n3A_655[%gather3A_688] in [0] : vector<16xf32>, vector<16xi32> -> vector<16xf32>
      %add3A_690 = arith.addf %select_n3A_655, %gather3A_689 : vector<16xf32>
      %select_n3A_691 = arith.select %eq3A_661, %add3A_683, %add3A_690 : vector<16xi1>, vector<16xf32>
      %and3A_692 = arith.constant 1 : i32
      %and3A_693 = vector.broadcast %and3A_692 : i32 to vector<16xi32>
      %and3A_694 = arith.andi %iota3A, %and3A_693 : vector<16xi32>
      %eq3A_695 = arith.constant 0 : i32
      %eq3A_696 = vector.broadcast %eq3A_695 : i32 to vector<16xi32>
      %eq3A_697 = arith.cmpi eq, %and3A_694, %eq3A_696 : vector<16xi32>
      %xor3A_698 = arith.constant 1 : i32
      %xor3A_699 = vector.broadcast %xor3A_698 : i32 to vector<16xi32>
      %xor3A_700 = arith.xori %iota3A, %xor3A_699 : vector<16xi32>
      %broadcast_in_dim3A_701 = vector.shape_cast %xor3A_700 : vector<16xi32> to vector<16x1xi32>
      %gather3A_702 = vector.shape_cast %broadcast_in_dim3A_701 : vector<16x1xi32> to vector<16xi32>
      %gather3A_703 = tpu.dynamic_gather %select_n3A_676[%gather3A_702] in [0] : vector<16xf32>, vector<16xi32> -> vector<16xf32>
      %add3A_704 = arith.addf %select_n3A_676, %gather3A_703 : vector<16xf32>
      %xor3A_705 = arith.constant 1 : i32
      %xor3A_706 = vector.broadcast %xor3A_705 : i32 to vector<16xi32>
      %xor3A_707 = arith.xori %iota3A, %xor3A_706 : vector<16xi32>
      %broadcast_in_dim3A_708 = vector.shape_cast %xor3A_707 : vector<16xi32> to vector<16x1xi32>
      %gather3A_709 = vector.shape_cast %broadcast_in_dim3A_708 : vector<16x1xi32> to vector<16xi32>
      %gather3A_710 = tpu.dynamic_gather %select_n3A_691[%gather3A_709] in [0] : vector<16xf32>, vector<16xi32> -> vector<16xf32>
      %add3A_711 = arith.addf %select_n3A_691, %gather3A_710 : vector<16xf32>
      %select_n3A_712 = arith.select %eq3A_697, %add3A_704, %add3A_711 : vector<16xi1>, vector<16xf32>
      %add3A_713 = arith.addf %select_n3A_712, %get3A_6 : vector<16xf32>
      %xor3A_714 = arith.constant 8 : i32
      %xor3A_715 = vector.broadcast %xor3A_714 : i32 to vector<16xi32>
      %xor3A_716 = arith.xori %iota3A, %xor3A_715 : vector<16xi32>
      %broadcast_in_dim3A_717 = vector.shape_cast %xor3A_716 : vector<16xi32> to vector<16x1xi32>
      %gather3A_718 = vector.shape_cast %broadcast_in_dim3A_717 : vector<16x1xi32> to vector<16xi32>
      %gather3A_719 = tpu.dynamic_gather %add3A_713[%gather3A_718] in [0] : vector<16xf32>, vector<16xi32> -> vector<16xf32>
      %max3A_720 = arith.maximumf %add3A_713, %gather3A_719 : vector<16xf32>
      %xor3A_721 = arith.constant 4 : i32
      %xor3A_722 = vector.broadcast %xor3A_721 : i32 to vector<16xi32>
      %xor3A_723 = arith.xori %iota3A, %xor3A_722 : vector<16xi32>
      %broadcast_in_dim3A_724 = vector.shape_cast %xor3A_723 : vector<16xi32> to vector<16x1xi32>
      %gather3A_725 = vector.shape_cast %broadcast_in_dim3A_724 : vector<16x1xi32> to vector<16xi32>
      %gather3A_726 = tpu.dynamic_gather %max3A_720[%gather3A_725] in [0] : vector<16xf32>, vector<16xi32> -> vector<16xf32>
      %max3A_727 = arith.maximumf %max3A_720, %gather3A_726 : vector<16xf32>
      %xor3A_728 = arith.constant 2 : i32
      %xor3A_729 = vector.broadcast %xor3A_728 : i32 to vector<16xi32>
      %xor3A_730 = arith.xori %iota3A, %xor3A_729 : vector<16xi32>
      %broadcast_in_dim3A_731 = vector.shape_cast %xor3A_730 : vector<16xi32> to vector<16x1xi32>
      %gather3A_732 = vector.shape_cast %broadcast_in_dim3A_731 : vector<16x1xi32> to vector<16xi32>
      %gather3A_733 = tpu.dynamic_gather %max3A_727[%gather3A_732] in [0] : vector<16xf32>, vector<16xi32> -> vector<16xf32>
      %max3A_734 = arith.maximumf %max3A_727, %gather3A_733 : vector<16xf32>
      %xor3A_735 = arith.constant 1 : i32
      %xor3A_736 = vector.broadcast %xor3A_735 : i32 to vector<16xi32>
      %xor3A_737 = arith.xori %iota3A, %xor3A_736 : vector<16xi32>
      %broadcast_in_dim3A_738 = vector.shape_cast %xor3A_737 : vector<16xi32> to vector<16x1xi32>
      %gather3A_739 = vector.shape_cast %broadcast_in_dim3A_738 : vector<16x1xi32> to vector<16xi32>
      %gather3A_740 = tpu.dynamic_gather %max3A_734[%gather3A_739] in [0] : vector<16xf32>, vector<16xi32> -> vector<16xf32>
      %max3A_741 = arith.maximumf %max3A_734, %gather3A_740 : vector<16xf32>
      %eq3A_742 = arith.cmpf oeq, %add3A_713, %max3A_741 : vector<16xf32>
      %jit3A_743 = arith.constant 16 : i32
      %broadcast_in_dim3A_744 = vector.broadcast %jit3A_743 : i32 to vector<16xi32>
      %select_n3A_745 = arith.select %eq3A_742, %iota3A, %broadcast_in_dim3A_744 : vector<16xi1>, vector<16xi32>
      %xor3A_746 = arith.constant 8 : i32
      %xor3A_747 = vector.broadcast %xor3A_746 : i32 to vector<16xi32>
      %xor3A_748 = arith.xori %iota3A, %xor3A_747 : vector<16xi32>
      %broadcast_in_dim3A_749 = vector.shape_cast %xor3A_748 : vector<16xi32> to vector<16x1xi32>
      %gather3A_750 = vector.shape_cast %broadcast_in_dim3A_749 : vector<16x1xi32> to vector<16xi32>
      %gather3A_751 = tpu.dynamic_gather %select_n3A_745[%gather3A_750] in [0] : vector<16xi32>, vector<16xi32> -> vector<16xi32>
      %min3A_752 = arith.minsi %select_n3A_745, %gather3A_751 : vector<16xi32>
      %xor3A_753 = arith.constant 4 : i32
      %xor3A_754 = vector.broadcast %xor3A_753 : i32 to vector<16xi32>
      %xor3A_755 = arith.xori %iota3A, %xor3A_754 : vector<16xi32>
      %broadcast_in_dim3A_756 = vector.shape_cast %xor3A_755 : vector<16xi32> to vector<16x1xi32>
      %gather3A_757 = vector.shape_cast %broadcast_in_dim3A_756 : vector<16x1xi32> to vector<16xi32>
      %gather3A_758 = tpu.dynamic_gather %min3A_752[%gather3A_757] in [0] : vector<16xi32>, vector<16xi32> -> vector<16xi32>
      %min3A_759 = arith.minsi %min3A_752, %gather3A_758 : vector<16xi32>
      %xor3A_760 = arith.constant 2 : i32
      %xor3A_761 = vector.broadcast %xor3A_760 : i32 to vector<16xi32>
      %xor3A_762 = arith.xori %iota3A, %xor3A_761 : vector<16xi32>
      %broadcast_in_dim3A_763 = vector.shape_cast %xor3A_762 : vector<16xi32> to vector<16x1xi32>
      %gather3A_764 = vector.shape_cast %broadcast_in_dim3A_763 : vector<16x1xi32> to vector<16xi32>
      %gather3A_765 = tpu.dynamic_gather %min3A_759[%gather3A_764] in [0] : vector<16xi32>, vector<16xi32> -> vector<16xi32>
      %min3A_766 = arith.minsi %min3A_759, %gather3A_765 : vector<16xi32>
      %xor3A_767 = arith.constant 1 : i32
      %xor3A_768 = vector.broadcast %xor3A_767 : i32 to vector<16xi32>
      %xor3A_769 = arith.xori %iota3A, %xor3A_768 : vector<16xi32>
      %broadcast_in_dim3A_770 = vector.shape_cast %xor3A_769 : vector<16xi32> to vector<16x1xi32>
      %gather3A_771 = vector.shape_cast %broadcast_in_dim3A_770 : vector<16x1xi32> to vector<16xi32>
      %gather3A_772 = tpu.dynamic_gather %min3A_766[%gather3A_771] in [0] : vector<16xi32>, vector<16xi32> -> vector<16xi32>
      %min3A_773 = arith.minsi %min3A_766, %gather3A_772 : vector<16xi32>
      %eq3A_774 = arith.cmpi eq, %iota3A, %min3A_773 : vector<16xi32>
      %jit3A_775 = arith.constant 0xFF800000 : f32
      %broadcast_in_dim3A_776 = vector.broadcast %jit3A_775 : f32 to vector<16xf32>
      %select_n3A_777 = arith.select %eq3A_774, %broadcast_in_dim3A_776, %add3A_713 : vector<16xi1>, vector<16xf32>
      %xor3A_778 = arith.constant 8 : i32
      %xor3A_779 = vector.broadcast %xor3A_778 : i32 to vector<16xi32>
      %xor3A_780 = arith.xori %iota3A, %xor3A_779 : vector<16xi32>
      %broadcast_in_dim3A_781 = vector.shape_cast %xor3A_780 : vector<16xi32> to vector<16x1xi32>
      %gather3A_782 = vector.shape_cast %broadcast_in_dim3A_781 : vector<16x1xi32> to vector<16xi32>
      %gather3A_783 = tpu.dynamic_gather %select_n3A_777[%gather3A_782] in [0] : vector<16xf32>, vector<16xi32> -> vector<16xf32>
      %max3A_784 = arith.maximumf %select_n3A_777, %gather3A_783 : vector<16xf32>
      %xor3A_785 = arith.constant 4 : i32
      %xor3A_786 = vector.broadcast %xor3A_785 : i32 to vector<16xi32>
      %xor3A_787 = arith.xori %iota3A, %xor3A_786 : vector<16xi32>
      %broadcast_in_dim3A_788 = vector.shape_cast %xor3A_787 : vector<16xi32> to vector<16x1xi32>
      %gather3A_789 = vector.shape_cast %broadcast_in_dim3A_788 : vector<16x1xi32> to vector<16xi32>
      %gather3A_790 = tpu.dynamic_gather %max3A_784[%gather3A_789] in [0] : vector<16xf32>, vector<16xi32> -> vector<16xf32>
      %max3A_791 = arith.maximumf %max3A_784, %gather3A_790 : vector<16xf32>
      %xor3A_792 = arith.constant 2 : i32
      %xor3A_793 = vector.broadcast %xor3A_792 : i32 to vector<16xi32>
      %xor3A_794 = arith.xori %iota3A, %xor3A_793 : vector<16xi32>
      %broadcast_in_dim3A_795 = vector.shape_cast %xor3A_794 : vector<16xi32> to vector<16x1xi32>
      %gather3A_796 = vector.shape_cast %broadcast_in_dim3A_795 : vector<16x1xi32> to vector<16xi32>
      %gather3A_797 = tpu.dynamic_gather %max3A_791[%gather3A_796] in [0] : vector<16xf32>, vector<16xi32> -> vector<16xf32>
      %max3A_798 = arith.maximumf %max3A_791, %gather3A_797 : vector<16xf32>
      %xor3A_799 = arith.constant 1 : i32
      %xor3A_800 = vector.broadcast %xor3A_799 : i32 to vector<16xi32>
      %xor3A_801 = arith.xori %iota3A, %xor3A_800 : vector<16xi32>
      %broadcast_in_dim3A_802 = vector.shape_cast %xor3A_801 : vector<16xi32> to vector<16x1xi32>
      %gather3A_803 = vector.shape_cast %broadcast_in_dim3A_802 : vector<16x1xi32> to vector<16xi32>
      %gather3A_804 = tpu.dynamic_gather %max3A_798[%gather3A_803] in [0] : vector<16xf32>, vector<16xi32> -> vector<16xf32>
      %max3A_805 = arith.maximumf %max3A_798, %gather3A_804 : vector<16xf32>
      %eq3A_806 = arith.cmpf oeq, %select_n3A_777, %max3A_805 : vector<16xf32>
      %jit3A_807 = arith.constant 16 : i32
      %broadcast_in_dim3A_808 = vector.broadcast %jit3A_807 : i32 to vector<16xi32>
      %select_n3A_809 = arith.select %eq3A_806, %iota3A, %broadcast_in_dim3A_808 : vector<16xi1>, vector<16xi32>
      %xor3A_810 = arith.constant 8 : i32
      %xor3A_811 = vector.broadcast %xor3A_810 : i32 to vector<16xi32>
      %xor3A_812 = arith.xori %iota3A, %xor3A_811 : vector<16xi32>
      %broadcast_in_dim3A_813 = vector.shape_cast %xor3A_812 : vector<16xi32> to vector<16x1xi32>
      %gather3A_814 = vector.shape_cast %broadcast_in_dim3A_813 : vector<16x1xi32> to vector<16xi32>
      %gather3A_815 = tpu.dynamic_gather %select_n3A_809[%gather3A_814] in [0] : vector<16xi32>, vector<16xi32> -> vector<16xi32>
      %min3A_816 = arith.minsi %select_n3A_809, %gather3A_815 : vector<16xi32>
      %xor3A_817 = arith.constant 4 : i32
      %xor3A_818 = vector.broadcast %xor3A_817 : i32 to vector<16xi32>
      %xor3A_819 = arith.xori %iota3A, %xor3A_818 : vector<16xi32>
      %broadcast_in_dim3A_820 = vector.shape_cast %xor3A_819 : vector<16xi32> to vector<16x1xi32>
      %gather3A_821 = vector.shape_cast %broadcast_in_dim3A_820 : vector<16x1xi32> to vector<16xi32>
      %gather3A_822 = tpu.dynamic_gather %min3A_816[%gather3A_821] in [0] : vector<16xi32>, vector<16xi32> -> vector<16xi32>
      %min3A_823 = arith.minsi %min3A_816, %gather3A_822 : vector<16xi32>
      %xor3A_824 = arith.constant 2 : i32
      %xor3A_825 = vector.broadcast %xor3A_824 : i32 to vector<16xi32>
      %xor3A_826 = arith.xori %iota3A, %xor3A_825 : vector<16xi32>
      %broadcast_in_dim3A_827 = vector.shape_cast %xor3A_826 : vector<16xi32> to vector<16x1xi32>
      %gather3A_828 = vector.shape_cast %broadcast_in_dim3A_827 : vector<16x1xi32> to vector<16xi32>
      %gather3A_829 = tpu.dynamic_gather %min3A_823[%gather3A_828] in [0] : vector<16xi32>, vector<16xi32> -> vector<16xi32>
      %min3A_830 = arith.minsi %min3A_823, %gather3A_829 : vector<16xi32>
      %xor3A_831 = arith.constant 1 : i32
      %xor3A_832 = vector.broadcast %xor3A_831 : i32 to vector<16xi32>
      %xor3A_833 = arith.xori %iota3A, %xor3A_832 : vector<16xi32>
      %broadcast_in_dim3A_834 = vector.shape_cast %xor3A_833 : vector<16xi32> to vector<16x1xi32>
      %gather3A_835 = vector.shape_cast %broadcast_in_dim3A_834 : vector<16x1xi32> to vector<16xi32>
      %gather3A_836 = tpu.dynamic_gather %min3A_830[%gather3A_835] in [0] : vector<16xi32>, vector<16xi32> -> vector<16xi32>
      %min3A_837 = arith.minsi %min3A_830, %gather3A_836 : vector<16xi32>
      %sub3A_838 = arith.subf %max3A_805, %max3A_741 : vector<16xf32>
      %exp3A_839 = math.exp %sub3A_838 : vector<16xf32>
      %add3A_840 = arith.constant 1.000000e+00 : f32
      %add3A_841 = vector.broadcast %add3A_840 : f32 to vector<16xf32>
      %add3A_842 = arith.addf %add3A_841, %exp3A_839 : vector<16xf32>
      %div3A_843 = arith.constant 1.000000e+00 : f32
      %div3A_844 = vector.broadcast %div3A_843 : f32 to vector<16xf32>
      %div3A_845 = arith.divf %div3A_844, %add3A_842 : vector<16xf32>
      %add3A_846 = arith.constant 1 : i32
      %add3A_847 = arith.addi %mul3A_77, %add3A_846 : i32
      %eq3A_848 = vector.broadcast %add3A_847 : i32 to vector<16xi32>
      %eq3A_849 = arith.cmpi eq, %iota3A, %eq3A_848 : vector<16xi32>
      %select_n3A_850 = arith.select %eq3A_849, %div3A_845, %select_n3A_459 : vector<16xi1>, vector<16xf32>
      %mul3A_851 = arith.mulf %exp3A_839, %div3A_845 : vector<16xf32>
      %select_n3A_852 = arith.select %eq3A_849, %mul3A_851, %select_n3A_461 : vector<16xi1>, vector<16xf32>
      %select_n3A_853 = arith.select %eq3A_849, %min3A_773, %select_n3A_462 : vector<16xi1>, vector<16xi32>
      %select_n3A_854 = arith.select %eq3A_849, %min3A_837, %select_n3A_463 : vector<16xi1>, vector<16xi32>
      scf.yield %select_n3A_850, %select_n3A_852, %select_n3A_853, %select_n3A_854 : vector<16xf32>, vector<16xf32>, vector<16xi32>, vector<16xi32>
    }
    %scan3A_23 = arith.constant 8 : i32
    %swap3A = arith.constant 0 : index
    %swap3A_24 = tpu.vector_load %arg11[%swap3A] {strides = array<i32>} : memref<32xf32, #tpu.memory_space<vmem>>, vector<16xf32>,
    %swap3A_25 = vector.shape_cast %swap3A_24 : vector<16xf32> to vector<16xf32>
    %swap3A_26 = vector.shape_cast %scan3A_22#0 : vector<16xf32> to vector<16xf32>
    tpu.vector_store %arg11[%swap3A], %swap3A_26 {strides = array<i32>} : memref<32xf32, #tpu.memory_space<vmem>>, vector<16xf32>,
    %swap3A_27 = arith.constant 0 : index
    %swap3A_28 = tpu.vector_load %arg12[%swap3A_27] {strides = array<i32>} : memref<32xf32, #tpu.memory_space<vmem>>, vector<16xf32>,
    %swap3A_29 = vector.shape_cast %swap3A_28 : vector<16xf32> to vector<16xf32>
    %swap3A_30 = vector.shape_cast %scan3A_22#1 : vector<16xf32> to vector<16xf32>
    tpu.vector_store %arg12[%swap3A_27], %swap3A_30 {strides = array<i32>} : memref<32xf32, #tpu.memory_space<vmem>>, vector<16xf32>,
    %swap3A_31 = arith.constant 0 : index
    %swap3A_32 = tpu.vector_load %arg13[%swap3A_31] {strides = array<i32>} : memref<32xi32, #tpu.memory_space<vmem>>, vector<16xi32>,
    %swap3A_33 = vector.shape_cast %swap3A_32 : vector<16xi32> to vector<16xi32>
    %swap3A_34 = vector.shape_cast %scan3A_22#2 : vector<16xi32> to vector<16xi32>
    tpu.vector_store %arg13[%swap3A_31], %swap3A_34 {strides = array<i32>} : memref<32xi32, #tpu.memory_space<vmem>>, vector<16xi32>,
    %swap3A_35 = arith.constant 0 : index
    %swap3A_36 = tpu.vector_load %arg14[%swap3A_35] {strides = array<i32>} : memref<32xi32, #tpu.memory_space<vmem>>, vector<16xi32>,
    %swap3A_37 = vector.shape_cast %swap3A_36 : vector<16xi32> to vector<16xi32>
    %swap3A_38 = vector.shape_cast %scan3A_22#3 : vector<16xi32> to vector<16xi32>
    tpu.vector_store %arg14[%swap3A_35], %swap3A_38 {strides = array<i32>} : memref<32xi32, #tpu.memory_space<vmem>>, vector<16xi32>,
    %add3A_39 = arith.constant 16 : i32
    %add3A_40 = arith.addi %add3A_4, %add3A_39 : i32
    "tpu.region"() ({
      %run_scoped3A = tpu.sem_alloc : memref<!tpu.dma_semaphore, #tpu.memory_space<semaphore_mem>>
      %dma_start3A = arith.constant 0 : i32
      %dma_start3A_71 = tpu.memref_slice %arg2[%add3A_40, %dma_start3A] : memref<16384x2048xf32, #tpu.memory_space<hbm>> -> memref<16x2048xf32, #tpu.memory_space<hbm>>
      %dma_start3A_72 = arith.constant 0 : i32
      %dma_start3A_73 = tpu.memref_slice %arg2[%add3A_40, %dma_start3A_72] : memref<16384x2048xf32, #tpu.memory_space<hbm>> -> memref<16x2048xf32, #tpu.memory_space<hbm>>
      tpu.enqueue_dma source(%dma_start3A_73 : memref<16x2048xf32, #tpu.memory_space<hbm>>) target(%arg10 : memref<16x2048xf32, #tpu.memory_space<vmem>>) target_semaphore(%run_scoped3A : memref<!tpu.dma_semaphore, #tpu.memory_space<semaphore_mem>>)
      %dma_wait3A = arith.constant 0 : i32
      %dma_wait3A_74 = tpu.memref_slice %arg2[%add3A_40, %dma_wait3A] : memref<16384x2048xf32, #tpu.memory_space<hbm>> -> memref<16x2048xf32, #tpu.memory_space<hbm>>
      %dma_wait3A_75 = arith.constant 0 : i32
      %dma_wait3A_76 = tpu.memref_slice %arg2[%add3A_40, %dma_wait3A_75] : memref<16384x2048xf32, #tpu.memory_space<hbm>> -> memref<16x2048xf32, #tpu.memory_space<hbm>>
      tpu.wait_dma2 semaphore(%run_scoped3A : memref<!tpu.dma_semaphore, #tpu.memory_space<semaphore_mem>>) src(%dma_wait3A_76 : memref<16x2048xf32, #tpu.memory_space<hbm>>) dst(%arg10 : memref<16x2048xf32, #tpu.memory_space<vmem>>)
      tpu.yield
    }) : () -> ()
    %scan3A_41 = arith.constant 0 : i32
    %scan3A_42 = arith.constant 8 : i32
    %scan3A_43 = arith.addi %scan3A_41, %scan3A_42 : i32
    %scan3A_44 = arith.constant 1 : i32
    %scan3A_45:4 = scf.for %scan3A_71 = %scan3A_41 to %scan3A_43 step %scan3A_44 iter_args(%scan3A_72 = %broadcast_in_dim3A_7, %scan3A_73 = %broadcast_in_dim3A_7, %scan3A_74 = %broadcast_in_dim3A_9, %scan3A_75 = %broadcast_in_dim3A_9) -> (vector<16xf32>, vector<16xf32>, vector<16xi32>, vector<16xi32>)  : i32 {
      %mul3A_76 = arith.constant 2 : i32
      %mul3A_77 = arith.muli %mul3A_76, %scan3A_71 : i32
      %scan3A_78 = arith.constant 0 : i32
      %scan3A_79 = arith.constant 128 : i32
      %scan3A_80 = arith.addi %scan3A_78, %scan3A_79 : i32
      %scan3A_81 = arith.constant 1 : i32
      %scan3A_82:32 = scf.for %scan3A_855 = %scan3A_78 to %scan3A_80 step %scan3A_81 iter_args(%scan3A_856 = %broadcast_in_dim3A_7, %scan3A_857 = %broadcast_in_dim3A_7, %scan3A_858 = %broadcast_in_dim3A_7, %scan3A_859 = %broadcast_in_dim3A_7, %scan3A_860 = %broadcast_in_dim3A_7, %scan3A_861 = %broadcast_in_dim3A_7, %scan3A_862 = %broadcast_in_dim3A_7, %scan3A_863 = %broadcast_in_dim3A_7, %scan3A_864 = %broadcast_in_dim3A_7, %scan3A_865 = %broadcast_in_dim3A_7, %scan3A_866 = %broadcast_in_dim3A_7, %scan3A_867 = %broadcast_in_dim3A_7, %scan3A_868 = %broadcast_in_dim3A_7, %scan3A_869 = %broadcast_in_dim3A_7, %scan3A_870 = %broadcast_in_dim3A_7, %scan3A_871 = %broadcast_in_dim3A_7, %scan3A_872 = %broadcast_in_dim3A_7, %scan3A_873 = %broadcast_in_dim3A_7, %scan3A_874 = %broadcast_in_dim3A_7, %scan3A_875 = %broadcast_in_dim3A_7, %scan3A_876 = %broadcast_in_dim3A_7, %scan3A_877 = %broadcast_in_dim3A_7, %scan3A_878 = %broadcast_in_dim3A_7, %scan3A_879 = %broadcast_in_dim3A_7, %scan3A_880 = %broadcast_in_dim3A_7, %scan3A_881 = %broadcast_in_dim3A_7, %scan3A_882 = %broadcast_in_dim3A_7, %scan3A_883 = %broadcast_in_dim3A_7, %scan3A_884 = %broadcast_in_dim3A_7, %scan3A_885 = %broadcast_in_dim3A_7, %scan3A_886 = %broadcast_in_dim3A_7, %scan3A_887 = %broadcast_in_dim3A_7) -> (vector<16xf32>, vector<16xf32>, vector<16xf32>, vector<16xf32>, vector<16xf32>, vector<16xf32>, vector<16xf32>, vector<16xf32>, vector<16xf32>, vector<16xf32>, vector<16xf32>, vector<16xf32>, vector<16xf32>, vector<16xf32>, vector<16xf32>, vector<16xf32>, vector<16xf32>, vector<16xf32>, vector<16xf32>, vector<16xf32>, vector<16xf32>, vector<16xf32>, vector<16xf32>, vector<16xf32>, vector<16xf32>, vector<16xf32>, vector<16xf32>, vector<16xf32>, vector<16xf32>, vector<16xf32>, vector<16xf32>, vector<16xf32>)  : i32 {
        %mul3A_888 = arith.constant 16 : i32
        %mul3A_889 = arith.muli %scan3A_855, %mul3A_888 : i32
        %get3A_890 = arith.index_cast %mul3A_77 : i32 to index
        %get3A_891 = arith.index_cast %mul3A_889 : i32 to index
        %get3A_892 = tpu.vector_load %arg10[%get3A_890, %get3A_891] {strides = array<i32>} : memref<16x2048xf32, #tpu.memory_space<vmem>>, vector<1x16xf32>,
        %get3A_893 = vector.shape_cast %get3A_892 : vector<1x16xf32> to vector<16xf32>
        %mul3A_894 = arith.constant 6.553700e+04 : f32
        %mul3A_895 = vector.broadcast %mul3A_894 : f32 to vector<16xf32>
        %mul3A_896 = arith.mulf %get3A_893, %mul3A_895 : vector<16xf32>
        %sub3A_897 = arith.subf %mul3A_896, %get3A_893 : vector<16xf32>
        %sub3A_898 = arith.subf %mul3A_896, %sub3A_897 : vector<16xf32>
        %add3A_899 = arith.constant 1 : i32
        %add3A_900 = arith.addi %mul3A_77, %add3A_899 : i32
        %get3A_901 = arith.index_cast %add3A_900 : i32 to index
        %get3A_902 = arith.index_cast %mul3A_889 : i32 to index
        %get3A_903 = tpu.vector_load %arg10[%get3A_901, %get3A_902] {strides = array<i32>} : memref<16x2048xf32, #tpu.memory_space<vmem>>, vector<1x16xf32>,
        %get3A_904 = vector.shape_cast %get3A_903 : vector<1x16xf32> to vector<16xf32>
        %mul3A_905 = arith.constant 6.553700e+04 : f32
        %mul3A_906 = vector.broadcast %mul3A_905 : f32 to vector<16xf32>
        %mul3A_907 = arith.mulf %get3A_904, %mul3A_906 : vector<16xf32>
        %sub3A_908 = arith.subf %mul3A_907, %get3A_904 : vector<16xf32>
        %sub3A_909 = arith.subf %mul3A_907, %sub3A_908 : vector<16xf32>
        %get3A_910 = arith.constant 0 : i32
        %get3A_911 = arith.index_cast %get3A_910 : i32 to index
        %get3A_912 = arith.index_cast %mul3A_889 : i32 to index
        %get3A_913 = tpu.vector_load %arg9[%get3A_911, %get3A_912] {strides = array<i32>} : memref<16x2048xf32, #tpu.memory_space<vmem>>, vector<1x16xf32>,
        %get3A_914 = vector.shape_cast %get3A_913 : vector<1x16xf32> to vector<16xf32>
        %mul3A_915 = arith.mulf %sub3A_898, %get3A_914 : vector<16xf32>
        %add3A_916 = arith.addf %scan3A_856, %mul3A_915 : vector<16xf32>
        %mul3A_917 = arith.mulf %sub3A_909, %get3A_914 : vector<16xf32>
        %add3A_918 = arith.addf %scan3A_872, %mul3A_917 : vector<16xf32>
        %get3A_919 = arith.constant 1 : i32
        %get3A_920 = arith.index_cast %get3A_919 : i32 to index
        %get3A_921 = arith.index_cast %mul3A_889 : i32 to index
        %get3A_922 = tpu.vector_load %arg9[%get3A_920, %get3A_921] {strides = array<i32>} : memref<16x2048xf32, #tpu.memory_space<vmem>>, vector<1x16xf32>,
        %get3A_923 = vector.shape_cast %get3A_922 : vector<1x16xf32> to vector<16xf32>
        %mul3A_924 = arith.mulf %sub3A_898, %get3A_923 : vector<16xf32>
        %add3A_925 = arith.addf %scan3A_857, %mul3A_924 : vector<16xf32>
        %mul3A_926 = arith.mulf %sub3A_909, %get3A_923 : vector<16xf32>
        %add3A_927 = arith.addf %scan3A_873, %mul3A_926 : vector<16xf32>
        %get3A_928 = arith.constant 2 : i32
        %get3A_929 = arith.index_cast %get3A_928 : i32 to index
        %get3A_930 = arith.index_cast %mul3A_889 : i32 to index
        %get3A_931 = tpu.vector_load %arg9[%get3A_929, %get3A_930] {strides = array<i32>} : memref<16x2048xf32, #tpu.memory_space<vmem>>, vector<1x16xf32>,
        %get3A_932 = vector.shape_cast %get3A_931 : vector<1x16xf32> to vector<16xf32>
        %mul3A_933 = arith.mulf %sub3A_898, %get3A_932 : vector<16xf32>
        %add3A_934 = arith.addf %scan3A_858, %mul3A_933 : vector<16xf32>
        %mul3A_935 = arith.mulf %sub3A_909, %get3A_932 : vector<16xf32>
        %add3A_936 = arith.addf %scan3A_874, %mul3A_935 : vector<16xf32>
        %get3A_937 = arith.constant 3 : i32
        %get3A_938 = arith.index_cast %get3A_937 : i32 to index
        %get3A_939 = arith.index_cast %mul3A_889 : i32 to index
        %get3A_940 = tpu.vector_load %arg9[%get3A_938, %get3A_939] {strides = array<i32>} : memref<16x2048xf32, #tpu.memory_space<vmem>>, vector<1x16xf32>,
        %get3A_941 = vector.shape_cast %get3A_940 : vector<1x16xf32> to vector<16xf32>
        %mul3A_942 = arith.mulf %sub3A_898, %get3A_941 : vector<16xf32>
        %add3A_943 = arith.addf %scan3A_859, %mul3A_942 : vector<16xf32>
        %mul3A_944 = arith.mulf %sub3A_909, %get3A_941 : vector<16xf32>
        %add3A_945 = arith.addf %scan3A_875, %mul3A_944 : vector<16xf32>
        %get3A_946 = arith.constant 4 : i32
        %get3A_947 = arith.index_cast %get3A_946 : i32 to index
        %get3A_948 = arith.index_cast %mul3A_889 : i32 to index
        %get3A_949 = tpu.vector_load %arg9[%get3A_947, %get3A_948] {strides = array<i32>} : memref<16x2048xf32, #tpu.memory_space<vmem>>, vector<1x16xf32>,
        %get3A_950 = vector.shape_cast %get3A_949 : vector<1x16xf32> to vector<16xf32>
        %mul3A_951 = arith.mulf %sub3A_898, %get3A_950 : vector<16xf32>
        %add3A_952 = arith.addf %scan3A_860, %mul3A_951 : vector<16xf32>
        %mul3A_953 = arith.mulf %sub3A_909, %get3A_950 : vector<16xf32>
        %add3A_954 = arith.addf %scan3A_876, %mul3A_953 : vector<16xf32>
        %get3A_955 = arith.constant 5 : i32
        %get3A_956 = arith.index_cast %get3A_955 : i32 to index
        %get3A_957 = arith.index_cast %mul3A_889 : i32 to index
        %get3A_958 = tpu.vector_load %arg9[%get3A_956, %get3A_957] {strides = array<i32>} : memref<16x2048xf32, #tpu.memory_space<vmem>>, vector<1x16xf32>,
        %get3A_959 = vector.shape_cast %get3A_958 : vector<1x16xf32> to vector<16xf32>
        %mul3A_960 = arith.mulf %sub3A_898, %get3A_959 : vector<16xf32>
        %add3A_961 = arith.addf %scan3A_861, %mul3A_960 : vector<16xf32>
        %mul3A_962 = arith.mulf %sub3A_909, %get3A_959 : vector<16xf32>
        %add3A_963 = arith.addf %scan3A_877, %mul3A_962 : vector<16xf32>
        %get3A_964 = arith.constant 6 : i32
        %get3A_965 = arith.index_cast %get3A_964 : i32 to index
        %get3A_966 = arith.index_cast %mul3A_889 : i32 to index
        %get3A_967 = tpu.vector_load %arg9[%get3A_965, %get3A_966] {strides = array<i32>} : memref<16x2048xf32, #tpu.memory_space<vmem>>, vector<1x16xf32>,
        %get3A_968 = vector.shape_cast %get3A_967 : vector<1x16xf32> to vector<16xf32>
        %mul3A_969 = arith.mulf %sub3A_898, %get3A_968 : vector<16xf32>
        %add3A_970 = arith.addf %scan3A_862, %mul3A_969 : vector<16xf32>
        %mul3A_971 = arith.mulf %sub3A_909, %get3A_968 : vector<16xf32>
        %add3A_972 = arith.addf %scan3A_878, %mul3A_971 : vector<16xf32>
        %get3A_973 = arith.constant 7 : i32
        %get3A_974 = arith.index_cast %get3A_973 : i32 to index
        %get3A_975 = arith.index_cast %mul3A_889 : i32 to index
        %get3A_976 = tpu.vector_load %arg9[%get3A_974, %get3A_975] {strides = array<i32>} : memref<16x2048xf32, #tpu.memory_space<vmem>>, vector<1x16xf32>,
        %get3A_977 = vector.shape_cast %get3A_976 : vector<1x16xf32> to vector<16xf32>
        %mul3A_978 = arith.mulf %sub3A_898, %get3A_977 : vector<16xf32>
        %add3A_979 = arith.addf %scan3A_863, %mul3A_978 : vector<16xf32>
        %mul3A_980 = arith.mulf %sub3A_909, %get3A_977 : vector<16xf32>
        %add3A_981 = arith.addf %scan3A_879, %mul3A_980 : vector<16xf32>
        %get3A_982 = arith.constant 8 : i32
        %get3A_983 = arith.index_cast %get3A_982 : i32 to index
        %get3A_984 = arith.index_cast %mul3A_889 : i32 to index
        %get3A_985 = tpu.vector_load %arg9[%get3A_983, %get3A_984] {strides = array<i32>} : memref<16x2048xf32, #tpu.memory_space<vmem>>, vector<1x16xf32>,
        %get3A_986 = vector.shape_cast %get3A_985 : vector<1x16xf32> to vector<16xf32>
        %mul3A_987 = arith.mulf %sub3A_898, %get3A_986 : vector<16xf32>
        %add3A_988 = arith.addf %scan3A_864, %mul3A_987 : vector<16xf32>
        %mul3A_989 = arith.mulf %sub3A_909, %get3A_986 : vector<16xf32>
        %add3A_990 = arith.addf %scan3A_880, %mul3A_989 : vector<16xf32>
        %get3A_991 = arith.constant 9 : i32
        %get3A_992 = arith.index_cast %get3A_991 : i32 to index
        %get3A_993 = arith.index_cast %mul3A_889 : i32 to index
        %get3A_994 = tpu.vector_load %arg9[%get3A_992, %get3A_993] {strides = array<i32>} : memref<16x2048xf32, #tpu.memory_space<vmem>>, vector<1x16xf32>,
        %get3A_995 = vector.shape_cast %get3A_994 : vector<1x16xf32> to vector<16xf32>
        %mul3A_996 = arith.mulf %sub3A_898, %get3A_995 : vector<16xf32>
        %add3A_997 = arith.addf %scan3A_865, %mul3A_996 : vector<16xf32>
        %mul3A_998 = arith.mulf %sub3A_909, %get3A_995 : vector<16xf32>
        %add3A_999 = arith.addf %scan3A_881, %mul3A_998 : vector<16xf32>
        %get3A_1000 = arith.constant 10 : i32
        %get3A_1001 = arith.index_cast %get3A_1000 : i32 to index
        %get3A_1002 = arith.index_cast %mul3A_889 : i32 to index
        %get3A_1003 = tpu.vector_load %arg9[%get3A_1001, %get3A_1002] {strides = array<i32>} : memref<16x2048xf32, #tpu.memory_space<vmem>>, vector<1x16xf32>,
        %get3A_1004 = vector.shape_cast %get3A_1003 : vector<1x16xf32> to vector<16xf32>
        %mul3A_1005 = arith.mulf %sub3A_898, %get3A_1004 : vector<16xf32>
        %add3A_1006 = arith.addf %scan3A_866, %mul3A_1005 : vector<16xf32>
        %mul3A_1007 = arith.mulf %sub3A_909, %get3A_1004 : vector<16xf32>
        %add3A_1008 = arith.addf %scan3A_882, %mul3A_1007 : vector<16xf32>
        %get3A_1009 = arith.constant 11 : i32
        %get3A_1010 = arith.index_cast %get3A_1009 : i32 to index
        %get3A_1011 = arith.index_cast %mul3A_889 : i32 to index
        %get3A_1012 = tpu.vector_load %arg9[%get3A_1010, %get3A_1011] {strides = array<i32>} : memref<16x2048xf32, #tpu.memory_space<vmem>>, vector<1x16xf32>,
        %get3A_1013 = vector.shape_cast %get3A_1012 : vector<1x16xf32> to vector<16xf32>
        %mul3A_1014 = arith.mulf %sub3A_898, %get3A_1013 : vector<16xf32>
        %add3A_1015 = arith.addf %scan3A_867, %mul3A_1014 : vector<16xf32>
        %mul3A_1016 = arith.mulf %sub3A_909, %get3A_1013 : vector<16xf32>
        %add3A_1017 = arith.addf %scan3A_883, %mul3A_1016 : vector<16xf32>
        %get3A_1018 = arith.constant 12 : i32
        %get3A_1019 = arith.index_cast %get3A_1018 : i32 to index
        %get3A_1020 = arith.index_cast %mul3A_889 : i32 to index
        %get3A_1021 = tpu.vector_load %arg9[%get3A_1019, %get3A_1020] {strides = array<i32>} : memref<16x2048xf32, #tpu.memory_space<vmem>>, vector<1x16xf32>,
        %get3A_1022 = vector.shape_cast %get3A_1021 : vector<1x16xf32> to vector<16xf32>
        %mul3A_1023 = arith.mulf %sub3A_898, %get3A_1022 : vector<16xf32>
        %add3A_1024 = arith.addf %scan3A_868, %mul3A_1023 : vector<16xf32>
        %mul3A_1025 = arith.mulf %sub3A_909, %get3A_1022 : vector<16xf32>
        %add3A_1026 = arith.addf %scan3A_884, %mul3A_1025 : vector<16xf32>
        %get3A_1027 = arith.constant 13 : i32
        %get3A_1028 = arith.index_cast %get3A_1027 : i32 to index
        %get3A_1029 = arith.index_cast %mul3A_889 : i32 to index
        %get3A_1030 = tpu.vector_load %arg9[%get3A_1028, %get3A_1029] {strides = array<i32>} : memref<16x2048xf32, #tpu.memory_space<vmem>>, vector<1x16xf32>,
        %get3A_1031 = vector.shape_cast %get3A_1030 : vector<1x16xf32> to vector<16xf32>
        %mul3A_1032 = arith.mulf %sub3A_898, %get3A_1031 : vector<16xf32>
        %add3A_1033 = arith.addf %scan3A_869, %mul3A_1032 : vector<16xf32>
        %mul3A_1034 = arith.mulf %sub3A_909, %get3A_1031 : vector<16xf32>
        %add3A_1035 = arith.addf %scan3A_885, %mul3A_1034 : vector<16xf32>
        %get3A_1036 = arith.constant 14 : i32
        %get3A_1037 = arith.index_cast %get3A_1036 : i32 to index
        %get3A_1038 = arith.index_cast %mul3A_889 : i32 to index
        %get3A_1039 = tpu.vector_load %arg9[%get3A_1037, %get3A_1038] {strides = array<i32>} : memref<16x2048xf32, #tpu.memory_space<vmem>>, vector<1x16xf32>,
        %get3A_1040 = vector.shape_cast %get3A_1039 : vector<1x16xf32> to vector<16xf32>
        %mul3A_1041 = arith.mulf %sub3A_898, %get3A_1040 : vector<16xf32>
        %add3A_1042 = arith.addf %scan3A_870, %mul3A_1041 : vector<16xf32>
        %mul3A_1043 = arith.mulf %sub3A_909, %get3A_1040 : vector<16xf32>
        %add3A_1044 = arith.addf %scan3A_886, %mul3A_1043 : vector<16xf32>
        %get3A_1045 = arith.constant 15 : i32
        %get3A_1046 = arith.index_cast %get3A_1045 : i32 to index
        %get3A_1047 = arith.index_cast %mul3A_889 : i32 to index
        %get3A_1048 = tpu.vector_load %arg9[%get3A_1046, %get3A_1047] {strides = array<i32>} : memref<16x2048xf32, #tpu.memory_space<vmem>>, vector<1x16xf32>,
        %get3A_1049 = vector.shape_cast %get3A_1048 : vector<1x16xf32> to vector<16xf32>
        %mul3A_1050 = arith.mulf %sub3A_898, %get3A_1049 : vector<16xf32>
        %add3A_1051 = arith.addf %scan3A_871, %mul3A_1050 : vector<16xf32>
        %mul3A_1052 = arith.mulf %sub3A_909, %get3A_1049 : vector<16xf32>
        %add3A_1053 = arith.addf %scan3A_887, %mul3A_1052 : vector<16xf32>
        scf.yield %add3A_916, %add3A_925, %add3A_934, %add3A_943, %add3A_952, %add3A_961, %add3A_970, %add3A_979, %add3A_988, %add3A_997, %add3A_1006, %add3A_1015, %add3A_1024, %add3A_1033, %add3A_1042, %add3A_1051, %add3A_918, %add3A_927, %add3A_936, %add3A_945, %add3A_954, %add3A_963, %add3A_972, %add3A_981, %add3A_990, %add3A_999, %add3A_1008, %add3A_1017, %add3A_1026, %add3A_1035, %add3A_1044, %add3A_1053 : vector<16xf32>, vector<16xf32>, vector<16xf32>, vector<16xf32>, vector<16xf32>, vector<16xf32>, vector<16xf32>, vector<16xf32>, vector<16xf32>, vector<16xf32>, vector<16xf32>, vector<16xf32>, vector<16xf32>, vector<16xf32>, vector<16xf32>, vector<16xf32>, vector<16xf32>, vector<16xf32>, vector<16xf32>, vector<16xf32>, vector<16xf32>, vector<16xf32>, vector<16xf32>, vector<16xf32>, vector<16xf32>, vector<16xf32>, vector<16xf32>, vector<16xf32>, vector<16xf32>, vector<16xf32>, vector<16xf32>, vector<16xf32>
      }
      %scan3A_83 = arith.constant 128 : i32
      %and3A = arith.constant 8 : i32
      %and3A_84 = vector.broadcast %and3A : i32 to vector<16xi32>
      %and3A_85 = arith.andi %iota3A, %and3A_84 : vector<16xi32>
      %eq3A = arith.constant 0 : i32
      %eq3A_86 = vector.broadcast %eq3A : i32 to vector<16xi32>
      %eq3A_87 = arith.cmpi eq, %and3A_85, %eq3A_86 : vector<16xi32>
      %xor3A = arith.constant 8 : i32
      %xor3A_88 = vector.broadcast %xor3A : i32 to vector<16xi32>
      %xor3A_89 = arith.xori %iota3A, %xor3A_88 : vector<16xi32>
      %broadcast_in_dim3A_90 = vector.shape_cast %xor3A_89 : vector<16xi32> to vector<16x1xi32>
      %gather3A = vector.shape_cast %broadcast_in_dim3A_90 : vector<16x1xi32> to vector<16xi32>
      %gather3A_91 = tpu.dynamic_gather %scan3A_82#0[%gather3A] in [0] : vector<16xf32>, vector<16xi32> -> vector<16xf32>
      %add3A_92 = arith.addf %scan3A_82#0, %gather3A_91 : vector<16xf32>
      %xor3A_93 = arith.constant 8 : i32
      %xor3A_94 = vector.broadcast %xor3A_93 : i32 to vector<16xi32>
      %xor3A_95 = arith.xori %iota3A, %xor3A_94 : vector<16xi32>
      %broadcast_in_dim3A_96 = vector.shape_cast %xor3A_95 : vector<16xi32> to vector<16x1xi32>
      %gather3A_97 = vector.shape_cast %broadcast_in_dim3A_96 : vector<16x1xi32> to vector<16xi32>
      %gather3A_98 = tpu.dynamic_gather %scan3A_82#8[%gather3A_97] in [0] : vector<16xf32>, vector<16xi32> -> vector<16xf32>
      %add3A_99 = arith.addf %scan3A_82#8, %gather3A_98 : vector<16xf32>
      %select_n3A = arith.select %eq3A_87, %add3A_92, %add3A_99 : vector<16xi1>, vector<16xf32>
      %xor3A_100 = arith.constant 8 : i32
      %xor3A_101 = vector.broadcast %xor3A_100 : i32 to vector<16xi32>
      %xor3A_102 = arith.xori %iota3A, %xor3A_101 : vector<16xi32>
      %broadcast_in_dim3A_103 = vector.shape_cast %xor3A_102 : vector<16xi32> to vector<16x1xi32>
      %gather3A_104 = vector.shape_cast %broadcast_in_dim3A_103 : vector<16x1xi32> to vector<16xi32>
      %gather3A_105 = tpu.dynamic_gather %scan3A_82#4[%gather3A_104] in [0] : vector<16xf32>, vector<16xi32> -> vector<16xf32>
      %add3A_106 = arith.addf %scan3A_82#4, %gather3A_105 : vector<16xf32>
      %xor3A_107 = arith.constant 8 : i32
      %xor3A_108 = vector.broadcast %xor3A_107 : i32 to vector<16xi32>
      %xor3A_109 = arith.xori %iota3A, %xor3A_108 : vector<16xi32>
      %broadcast_in_dim3A_110 = vector.shape_cast %xor3A_109 : vector<16xi32> to vector<16x1xi32>
      %gather3A_111 = vector.shape_cast %broadcast_in_dim3A_110 : vector<16x1xi32> to vector<16xi32>
      %gather3A_112 = tpu.dynamic_gather %scan3A_82#12[%gather3A_111] in [0] : vector<16xf32>, vector<16xi32> -> vector<16xf32>
      %add3A_113 = arith.addf %scan3A_82#12, %gather3A_112 : vector<16xf32>
      %select_n3A_114 = arith.select %eq3A_87, %add3A_106, %add3A_113 : vector<16xi1>, vector<16xf32>
      %xor3A_115 = arith.constant 8 : i32
      %xor3A_116 = vector.broadcast %xor3A_115 : i32 to vector<16xi32>
      %xor3A_117 = arith.xori %iota3A, %xor3A_116 : vector<16xi32>
      %broadcast_in_dim3A_118 = vector.shape_cast %xor3A_117 : vector<16xi32> to vector<16x1xi32>
      %gather3A_119 = vector.shape_cast %broadcast_in_dim3A_118 : vector<16x1xi32> to vector<16xi32>
      %gather3A_120 = tpu.dynamic_gather %scan3A_82#2[%gather3A_119] in [0] : vector<16xf32>, vector<16xi32> -> vector<16xf32>
      %add3A_121 = arith.addf %scan3A_82#2, %gather3A_120 : vector<16xf32>
      %xor3A_122 = arith.constant 8 : i32
      %xor3A_123 = vector.broadcast %xor3A_122 : i32 to vector<16xi32>
      %xor3A_124 = arith.xori %iota3A, %xor3A_123 : vector<16xi32>
      %broadcast_in_dim3A_125 = vector.shape_cast %xor3A_124 : vector<16xi32> to vector<16x1xi32>
      %gather3A_126 = vector.shape_cast %broadcast_in_dim3A_125 : vector<16x1xi32> to vector<16xi32>
      %gather3A_127 = tpu.dynamic_gather %scan3A_82#10[%gather3A_126] in [0] : vector<16xf32>, vector<16xi32> -> vector<16xf32>
      %add3A_128 = arith.addf %scan3A_82#10, %gather3A_127 : vector<16xf32>
      %select_n3A_129 = arith.select %eq3A_87, %add3A_121, %add3A_128 : vector<16xi1>, vector<16xf32>
      %xor3A_130 = arith.constant 8 : i32
      %xor3A_131 = vector.broadcast %xor3A_130 : i32 to vector<16xi32>
      %xor3A_132 = arith.xori %iota3A, %xor3A_131 : vector<16xi32>
      %broadcast_in_dim3A_133 = vector.shape_cast %xor3A_132 : vector<16xi32> to vector<16x1xi32>
      %gather3A_134 = vector.shape_cast %broadcast_in_dim3A_133 : vector<16x1xi32> to vector<16xi32>
      %gather3A_135 = tpu.dynamic_gather %scan3A_82#6[%gather3A_134] in [0] : vector<16xf32>, vector<16xi32> -> vector<16xf32>
      %add3A_136 = arith.addf %scan3A_82#6, %gather3A_135 : vector<16xf32>
      %xor3A_137 = arith.constant 8 : i32
      %xor3A_138 = vector.broadcast %xor3A_137 : i32 to vector<16xi32>
      %xor3A_139 = arith.xori %iota3A, %xor3A_138 : vector<16xi32>
      %broadcast_in_dim3A_140 = vector.shape_cast %xor3A_139 : vector<16xi32> to vector<16x1xi32>
      %gather3A_141 = vector.shape_cast %broadcast_in_dim3A_140 : vector<16x1xi32> to vector<16xi32>
      %gather3A_142 = tpu.dynamic_gather %scan3A_82#14[%gather3A_141] in [0] : vector<16xf32>, vector<16xi32> -> vector<16xf32>
      %add3A_143 = arith.addf %scan3A_82#14, %gather3A_142 : vector<16xf32>
      %select_n3A_144 = arith.select %eq3A_87, %add3A_136, %add3A_143 : vector<16xi1>, vector<16xf32>
      %xor3A_145 = arith.constant 8 : i32
      %xor3A_146 = vector.broadcast %xor3A_145 : i32 to vector<16xi32>
      %xor3A_147 = arith.xori %iota3A, %xor3A_146 : vector<16xi32>
      %broadcast_in_dim3A_148 = vector.shape_cast %xor3A_147 : vector<16xi32> to vector<16x1xi32>
      %gather3A_149 = vector.shape_cast %broadcast_in_dim3A_148 : vector<16x1xi32> to vector<16xi32>
      %gather3A_150 = tpu.dynamic_gather %scan3A_82#1[%gather3A_149] in [0] : vector<16xf32>, vector<16xi32> -> vector<16xf32>
      %add3A_151 = arith.addf %scan3A_82#1, %gather3A_150 : vector<16xf32>
      %xor3A_152 = arith.constant 8 : i32
      %xor3A_153 = vector.broadcast %xor3A_152 : i32 to vector<16xi32>
      %xor3A_154 = arith.xori %iota3A, %xor3A_153 : vector<16xi32>
      %broadcast_in_dim3A_155 = vector.shape_cast %xor3A_154 : vector<16xi32> to vector<16x1xi32>
      %gather3A_156 = vector.shape_cast %broadcast_in_dim3A_155 : vector<16x1xi32> to vector<16xi32>
      %gather3A_157 = tpu.dynamic_gather %scan3A_82#9[%gather3A_156] in [0] : vector<16xf32>, vector<16xi32> -> vector<16xf32>
      %add3A_158 = arith.addf %scan3A_82#9, %gather3A_157 : vector<16xf32>
      %select_n3A_159 = arith.select %eq3A_87, %add3A_151, %add3A_158 : vector<16xi1>, vector<16xf32>
      %xor3A_160 = arith.constant 8 : i32
      %xor3A_161 = vector.broadcast %xor3A_160 : i32 to vector<16xi32>
      %xor3A_162 = arith.xori %iota3A, %xor3A_161 : vector<16xi32>
      %broadcast_in_dim3A_163 = vector.shape_cast %xor3A_162 : vector<16xi32> to vector<16x1xi32>
      %gather3A_164 = vector.shape_cast %broadcast_in_dim3A_163 : vector<16x1xi32> to vector<16xi32>
      %gather3A_165 = tpu.dynamic_gather %scan3A_82#5[%gather3A_164] in [0] : vector<16xf32>, vector<16xi32> -> vector<16xf32>
      %add3A_166 = arith.addf %scan3A_82#5, %gather3A_165 : vector<16xf32>
      %xor3A_167 = arith.constant 8 : i32
      %xor3A_168 = vector.broadcast %xor3A_167 : i32 to vector<16xi32>
      %xor3A_169 = arith.xori %iota3A, %xor3A_168 : vector<16xi32>
      %broadcast_in_dim3A_170 = vector.shape_cast %xor3A_169 : vector<16xi32> to vector<16x1xi32>
      %gather3A_171 = vector.shape_cast %broadcast_in_dim3A_170 : vector<16x1xi32> to vector<16xi32>
      %gather3A_172 = tpu.dynamic_gather %scan3A_82#13[%gather3A_171] in [0] : vector<16xf32>, vector<16xi32> -> vector<16xf32>
      %add3A_173 = arith.addf %scan3A_82#13, %gather3A_172 : vector<16xf32>
      %select_n3A_174 = arith.select %eq3A_87, %add3A_166, %add3A_173 : vector<16xi1>, vector<16xf32>
      %xor3A_175 = arith.constant 8 : i32
      %xor3A_176 = vector.broadcast %xor3A_175 : i32 to vector<16xi32>
      %xor3A_177 = arith.xori %iota3A, %xor3A_176 : vector<16xi32>
      %broadcast_in_dim3A_178 = vector.shape_cast %xor3A_177 : vector<16xi32> to vector<16x1xi32>
      %gather3A_179 = vector.shape_cast %broadcast_in_dim3A_178 : vector<16x1xi32> to vector<16xi32>
      %gather3A_180 = tpu.dynamic_gather %scan3A_82#3[%gather3A_179] in [0] : vector<16xf32>, vector<16xi32> -> vector<16xf32>
      %add3A_181 = arith.addf %scan3A_82#3, %gather3A_180 : vector<16xf32>
      %xor3A_182 = arith.constant 8 : i32
      %xor3A_183 = vector.broadcast %xor3A_182 : i32 to vector<16xi32>
      %xor3A_184 = arith.xori %iota3A, %xor3A_183 : vector<16xi32>
      %broadcast_in_dim3A_185 = vector.shape_cast %xor3A_184 : vector<16xi32> to vector<16x1xi32>
      %gather3A_186 = vector.shape_cast %broadcast_in_dim3A_185 : vector<16x1xi32> to vector<16xi32>
      %gather3A_187 = tpu.dynamic_gather %scan3A_82#11[%gather3A_186] in [0] : vector<16xf32>, vector<16xi32> -> vector<16xf32>
      %add3A_188 = arith.addf %scan3A_82#11, %gather3A_187 : vector<16xf32>
      %select_n3A_189 = arith.select %eq3A_87, %add3A_181, %add3A_188 : vector<16xi1>, vector<16xf32>
      %xor3A_190 = arith.constant 8 : i32
      %xor3A_191 = vector.broadcast %xor3A_190 : i32 to vector<16xi32>
      %xor3A_192 = arith.xori %iota3A, %xor3A_191 : vector<16xi32>
      %broadcast_in_dim3A_193 = vector.shape_cast %xor3A_192 : vector<16xi32> to vector<16x1xi32>
      %gather3A_194 = vector.shape_cast %broadcast_in_dim3A_193 : vector<16x1xi32> to vector<16xi32>
      %gather3A_195 = tpu.dynamic_gather %scan3A_82#7[%gather3A_194] in [0] : vector<16xf32>, vector<16xi32> -> vector<16xf32>
      %add3A_196 = arith.addf %scan3A_82#7, %gather3A_195 : vector<16xf32>
      %xor3A_197 = arith.constant 8 : i32
      %xor3A_198 = vector.broadcast %xor3A_197 : i32 to vector<16xi32>
      %xor3A_199 = arith.xori %iota3A, %xor3A_198 : vector<16xi32>
      %broadcast_in_dim3A_200 = vector.shape_cast %xor3A_199 : vector<16xi32> to vector<16x1xi32>
      %gather3A_201 = vector.shape_cast %broadcast_in_dim3A_200 : vector<16x1xi32> to vector<16xi32>
      %gather3A_202 = tpu.dynamic_gather %scan3A_82#15[%gather3A_201] in [0] : vector<16xf32>, vector<16xi32> -> vector<16xf32>
      %add3A_203 = arith.addf %scan3A_82#15, %gather3A_202 : vector<16xf32>
      %select_n3A_204 = arith.select %eq3A_87, %add3A_196, %add3A_203 : vector<16xi1>, vector<16xf32>
      %and3A_205 = arith.constant 4 : i32
      %and3A_206 = vector.broadcast %and3A_205 : i32 to vector<16xi32>
      %and3A_207 = arith.andi %iota3A, %and3A_206 : vector<16xi32>
      %eq3A_208 = arith.constant 0 : i32
      %eq3A_209 = vector.broadcast %eq3A_208 : i32 to vector<16xi32>
      %eq3A_210 = arith.cmpi eq, %and3A_207, %eq3A_209 : vector<16xi32>
      %xor3A_211 = arith.constant 4 : i32
      %xor3A_212 = vector.broadcast %xor3A_211 : i32 to vector<16xi32>
      %xor3A_213 = arith.xori %iota3A, %xor3A_212 : vector<16xi32>
      %broadcast_in_dim3A_214 = vector.shape_cast %xor3A_213 : vector<16xi32> to vector<16x1xi32>
      %gather3A_215 = vector.shape_cast %broadcast_in_dim3A_214 : vector<16x1xi32> to vector<16xi32>
      %gather3A_216 = tpu.dynamic_gather %select_n3A[%gather3A_215] in [0] : vector<16xf32>, vector<16xi32> -> vector<16xf32>
      %add3A_217 = arith.addf %select_n3A, %gather3A_216 : vector<16xf32>
      %xor3A_218 = arith.constant 4 : i32
      %xor3A_219 = vector.broadcast %xor3A_218 : i32 to vector<16xi32>
      %xor3A_220 = arith.xori %iota3A, %xor3A_219 : vector<16xi32>
      %broadcast_in_dim3A_221 = vector.shape_cast %xor3A_220 : vector<16xi32> to vector<16x1xi32>
      %gather3A_222 = vector.shape_cast %broadcast_in_dim3A_221 : vector<16x1xi32> to vector<16xi32>
      %gather3A_223 = tpu.dynamic_gather %select_n3A_114[%gather3A_222] in [0] : vector<16xf32>, vector<16xi32> -> vector<16xf32>
      %add3A_224 = arith.addf %select_n3A_114, %gather3A_223 : vector<16xf32>
      %select_n3A_225 = arith.select %eq3A_210, %add3A_217, %add3A_224 : vector<16xi1>, vector<16xf32>
      %xor3A_226 = arith.constant 4 : i32
      %xor3A_227 = vector.broadcast %xor3A_226 : i32 to vector<16xi32>
      %xor3A_228 = arith.xori %iota3A, %xor3A_227 : vector<16xi32>
      %broadcast_in_dim3A_229 = vector.shape_cast %xor3A_228 : vector<16xi32> to vector<16x1xi32>
      %gather3A_230 = vector.shape_cast %broadcast_in_dim3A_229 : vector<16x1xi32> to vector<16xi32>
      %gather3A_231 = tpu.dynamic_gather %select_n3A_129[%gather3A_230] in [0] : vector<16xf32>, vector<16xi32> -> vector<16xf32>
      %add3A_232 = arith.addf %select_n3A_129, %gather3A_231 : vector<16xf32>
      %xor3A_233 = arith.constant 4 : i32
      %xor3A_234 = vector.broadcast %xor3A_233 : i32 to vector<16xi32>
      %xor3A_235 = arith.xori %iota3A, %xor3A_234 : vector<16xi32>
      %broadcast_in_dim3A_236 = vector.shape_cast %xor3A_235 : vector<16xi32> to vector<16x1xi32>
      %gather3A_237 = vector.shape_cast %broadcast_in_dim3A_236 : vector<16x1xi32> to vector<16xi32>
      %gather3A_238 = tpu.dynamic_gather %select_n3A_144[%gather3A_237] in [0] : vector<16xf32>, vector<16xi32> -> vector<16xf32>
      %add3A_239 = arith.addf %select_n3A_144, %gather3A_238 : vector<16xf32>
      %select_n3A_240 = arith.select %eq3A_210, %add3A_232, %add3A_239 : vector<16xi1>, vector<16xf32>
      %xor3A_241 = arith.constant 4 : i32
      %xor3A_242 = vector.broadcast %xor3A_241 : i32 to vector<16xi32>
      %xor3A_243 = arith.xori %iota3A, %xor3A_242 : vector<16xi32>
      %broadcast_in_dim3A_244 = vector.shape_cast %xor3A_243 : vector<16xi32> to vector<16x1xi32>
      %gather3A_245 = vector.shape_cast %broadcast_in_dim3A_244 : vector<16x1xi32> to vector<16xi32>
      %gather3A_246 = tpu.dynamic_gather %select_n3A_159[%gather3A_245] in [0] : vector<16xf32>, vector<16xi32> -> vector<16xf32>
      %add3A_247 = arith.addf %select_n3A_159, %gather3A_246 : vector<16xf32>
      %xor3A_248 = arith.constant 4 : i32
      %xor3A_249 = vector.broadcast %xor3A_248 : i32 to vector<16xi32>
      %xor3A_250 = arith.xori %iota3A, %xor3A_249 : vector<16xi32>
      %broadcast_in_dim3A_251 = vector.shape_cast %xor3A_250 : vector<16xi32> to vector<16x1xi32>
      %gather3A_252 = vector.shape_cast %broadcast_in_dim3A_251 : vector<16x1xi32> to vector<16xi32>
      %gather3A_253 = tpu.dynamic_gather %select_n3A_174[%gather3A_252] in [0] : vector<16xf32>, vector<16xi32> -> vector<16xf32>
      %add3A_254 = arith.addf %select_n3A_174, %gather3A_253 : vector<16xf32>
      %select_n3A_255 = arith.select %eq3A_210, %add3A_247, %add3A_254 : vector<16xi1>, vector<16xf32>
      %xor3A_256 = arith.constant 4 : i32
      %xor3A_257 = vector.broadcast %xor3A_256 : i32 to vector<16xi32>
      %xor3A_258 = arith.xori %iota3A, %xor3A_257 : vector<16xi32>
      %broadcast_in_dim3A_259 = vector.shape_cast %xor3A_258 : vector<16xi32> to vector<16x1xi32>
      %gather3A_260 = vector.shape_cast %broadcast_in_dim3A_259 : vector<16x1xi32> to vector<16xi32>
      %gather3A_261 = tpu.dynamic_gather %select_n3A_189[%gather3A_260] in [0] : vector<16xf32>, vector<16xi32> -> vector<16xf32>
      %add3A_262 = arith.addf %select_n3A_189, %gather3A_261 : vector<16xf32>
      %xor3A_263 = arith.constant 4 : i32
      %xor3A_264 = vector.broadcast %xor3A_263 : i32 to vector<16xi32>
      %xor3A_265 = arith.xori %iota3A, %xor3A_264 : vector<16xi32>
      %broadcast_in_dim3A_266 = vector.shape_cast %xor3A_265 : vector<16xi32> to vector<16x1xi32>
      %gather3A_267 = vector.shape_cast %broadcast_in_dim3A_266 : vector<16x1xi32> to vector<16xi32>
      %gather3A_268 = tpu.dynamic_gather %select_n3A_204[%gather3A_267] in [0] : vector<16xf32>, vector<16xi32> -> vector<16xf32>
      %add3A_269 = arith.addf %select_n3A_204, %gather3A_268 : vector<16xf32>
      %select_n3A_270 = arith.select %eq3A_210, %add3A_262, %add3A_269 : vector<16xi1>, vector<16xf32>
      %and3A_271 = arith.constant 2 : i32
      %and3A_272 = vector.broadcast %and3A_271 : i32 to vector<16xi32>
      %and3A_273 = arith.andi %iota3A, %and3A_272 : vector<16xi32>
      %eq3A_274 = arith.constant 0 : i32
      %eq3A_275 = vector.broadcast %eq3A_274 : i32 to vector<16xi32>
      %eq3A_276 = arith.cmpi eq, %and3A_273, %eq3A_275 : vector<16xi32>
      %xor3A_277 = arith.constant 2 : i32
      %xor3A_278 = vector.broadcast %xor3A_277 : i32 to vector<16xi32>
      %xor3A_279 = arith.xori %iota3A, %xor3A_278 : vector<16xi32>
      %broadcast_in_dim3A_280 = vector.shape_cast %xor3A_279 : vector<16xi32> to vector<16x1xi32>
      %gather3A_281 = vector.shape_cast %broadcast_in_dim3A_280 : vector<16x1xi32> to vector<16xi32>
      %gather3A_282 = tpu.dynamic_gather %select_n3A_225[%gather3A_281] in [0] : vector<16xf32>, vector<16xi32> -> vector<16xf32>
      %add3A_283 = arith.addf %select_n3A_225, %gather3A_282 : vector<16xf32>
      %xor3A_284 = arith.constant 2 : i32
      %xor3A_285 = vector.broadcast %xor3A_284 : i32 to vector<16xi32>
      %xor3A_286 = arith.xori %iota3A, %xor3A_285 : vector<16xi32>
      %broadcast_in_dim3A_287 = vector.shape_cast %xor3A_286 : vector<16xi32> to vector<16x1xi32>
      %gather3A_288 = vector.shape_cast %broadcast_in_dim3A_287 : vector<16x1xi32> to vector<16xi32>
      %gather3A_289 = tpu.dynamic_gather %select_n3A_240[%gather3A_288] in [0] : vector<16xf32>, vector<16xi32> -> vector<16xf32>
      %add3A_290 = arith.addf %select_n3A_240, %gather3A_289 : vector<16xf32>
      %select_n3A_291 = arith.select %eq3A_276, %add3A_283, %add3A_290 : vector<16xi1>, vector<16xf32>
      %xor3A_292 = arith.constant 2 : i32
      %xor3A_293 = vector.broadcast %xor3A_292 : i32 to vector<16xi32>
      %xor3A_294 = arith.xori %iota3A, %xor3A_293 : vector<16xi32>
      %broadcast_in_dim3A_295 = vector.shape_cast %xor3A_294 : vector<16xi32> to vector<16x1xi32>
      %gather3A_296 = vector.shape_cast %broadcast_in_dim3A_295 : vector<16x1xi32> to vector<16xi32>
      %gather3A_297 = tpu.dynamic_gather %select_n3A_255[%gather3A_296] in [0] : vector<16xf32>, vector<16xi32> -> vector<16xf32>
      %add3A_298 = arith.addf %select_n3A_255, %gather3A_297 : vector<16xf32>
      %xor3A_299 = arith.constant 2 : i32
      %xor3A_300 = vector.broadcast %xor3A_299 : i32 to vector<16xi32>
      %xor3A_301 = arith.xori %iota3A, %xor3A_300 : vector<16xi32>
      %broadcast_in_dim3A_302 = vector.shape_cast %xor3A_301 : vector<16xi32> to vector<16x1xi32>
      %gather3A_303 = vector.shape_cast %broadcast_in_dim3A_302 : vector<16x1xi32> to vector<16xi32>
      %gather3A_304 = tpu.dynamic_gather %select_n3A_270[%gather3A_303] in [0] : vector<16xf32>, vector<16xi32> -> vector<16xf32>
      %add3A_305 = arith.addf %select_n3A_270, %gather3A_304 : vector<16xf32>
      %select_n3A_306 = arith.select %eq3A_276, %add3A_298, %add3A_305 : vector<16xi1>, vector<16xf32>
      %and3A_307 = arith.constant 1 : i32
      %and3A_308 = vector.broadcast %and3A_307 : i32 to vector<16xi32>
      %and3A_309 = arith.andi %iota3A, %and3A_308 : vector<16xi32>
      %eq3A_310 = arith.constant 0 : i32
      %eq3A_311 = vector.broadcast %eq3A_310 : i32 to vector<16xi32>
      %eq3A_312 = arith.cmpi eq, %and3A_309, %eq3A_311 : vector<16xi32>
      %xor3A_313 = arith.constant 1 : i32
      %xor3A_314 = vector.broadcast %xor3A_313 : i32 to vector<16xi32>
      %xor3A_315 = arith.xori %iota3A, %xor3A_314 : vector<16xi32>
      %broadcast_in_dim3A_316 = vector.shape_cast %xor3A_315 : vector<16xi32> to vector<16x1xi32>
      %gather3A_317 = vector.shape_cast %broadcast_in_dim3A_316 : vector<16x1xi32> to vector<16xi32>
      %gather3A_318 = tpu.dynamic_gather %select_n3A_291[%gather3A_317] in [0] : vector<16xf32>, vector<16xi32> -> vector<16xf32>
      %add3A_319 = arith.addf %select_n3A_291, %gather3A_318 : vector<16xf32>
      %xor3A_320 = arith.constant 1 : i32
      %xor3A_321 = vector.broadcast %xor3A_320 : i32 to vector<16xi32>
      %xor3A_322 = arith.xori %iota3A, %xor3A_321 : vector<16xi32>
      %broadcast_in_dim3A_323 = vector.shape_cast %xor3A_322 : vector<16xi32> to vector<16x1xi32>
      %gather3A_324 = vector.shape_cast %broadcast_in_dim3A_323 : vector<16x1xi32> to vector<16xi32>
      %gather3A_325 = tpu.dynamic_gather %select_n3A_306[%gather3A_324] in [0] : vector<16xf32>, vector<16xi32> -> vector<16xf32>
      %add3A_326 = arith.addf %select_n3A_306, %gather3A_325 : vector<16xf32>
      %select_n3A_327 = arith.select %eq3A_312, %add3A_319, %add3A_326 : vector<16xi1>, vector<16xf32>
      %add3A_328 = arith.addf %select_n3A_327, %get3A_6 : vector<16xf32>
      %xor3A_329 = arith.constant 8 : i32
      %xor3A_330 = vector.broadcast %xor3A_329 : i32 to vector<16xi32>
      %xor3A_331 = arith.xori %iota3A, %xor3A_330 : vector<16xi32>
      %broadcast_in_dim3A_332 = vector.shape_cast %xor3A_331 : vector<16xi32> to vector<16x1xi32>
      %gather3A_333 = vector.shape_cast %broadcast_in_dim3A_332 : vector<16x1xi32> to vector<16xi32>
      %gather3A_334 = tpu.dynamic_gather %add3A_328[%gather3A_333] in [0] : vector<16xf32>, vector<16xi32> -> vector<16xf32>
      %max3A = arith.maximumf %add3A_328, %gather3A_334 : vector<16xf32>
      %xor3A_335 = arith.constant 4 : i32
      %xor3A_336 = vector.broadcast %xor3A_335 : i32 to vector<16xi32>
      %xor3A_337 = arith.xori %iota3A, %xor3A_336 : vector<16xi32>
      %broadcast_in_dim3A_338 = vector.shape_cast %xor3A_337 : vector<16xi32> to vector<16x1xi32>
      %gather3A_339 = vector.shape_cast %broadcast_in_dim3A_338 : vector<16x1xi32> to vector<16xi32>
      %gather3A_340 = tpu.dynamic_gather %max3A[%gather3A_339] in [0] : vector<16xf32>, vector<16xi32> -> vector<16xf32>
      %max3A_341 = arith.maximumf %max3A, %gather3A_340 : vector<16xf32>
      %xor3A_342 = arith.constant 2 : i32
      %xor3A_343 = vector.broadcast %xor3A_342 : i32 to vector<16xi32>
      %xor3A_344 = arith.xori %iota3A, %xor3A_343 : vector<16xi32>
      %broadcast_in_dim3A_345 = vector.shape_cast %xor3A_344 : vector<16xi32> to vector<16x1xi32>
      %gather3A_346 = vector.shape_cast %broadcast_in_dim3A_345 : vector<16x1xi32> to vector<16xi32>
      %gather3A_347 = tpu.dynamic_gather %max3A_341[%gather3A_346] in [0] : vector<16xf32>, vector<16xi32> -> vector<16xf32>
      %max3A_348 = arith.maximumf %max3A_341, %gather3A_347 : vector<16xf32>
      %xor3A_349 = arith.constant 1 : i32
      %xor3A_350 = vector.broadcast %xor3A_349 : i32 to vector<16xi32>
      %xor3A_351 = arith.xori %iota3A, %xor3A_350 : vector<16xi32>
      %broadcast_in_dim3A_352 = vector.shape_cast %xor3A_351 : vector<16xi32> to vector<16x1xi32>
      %gather3A_353 = vector.shape_cast %broadcast_in_dim3A_352 : vector<16x1xi32> to vector<16xi32>
      %gather3A_354 = tpu.dynamic_gather %max3A_348[%gather3A_353] in [0] : vector<16xf32>, vector<16xi32> -> vector<16xf32>
      %max3A_355 = arith.maximumf %max3A_348, %gather3A_354 : vector<16xf32>
      %eq3A_356 = arith.cmpf oeq, %add3A_328, %max3A_355 : vector<16xf32>
      %jit3A = arith.constant 16 : i32
      %broadcast_in_dim3A_357 = vector.broadcast %jit3A : i32 to vector<16xi32>
      %select_n3A_358 = arith.select %eq3A_356, %iota3A, %broadcast_in_dim3A_357 : vector<16xi1>, vector<16xi32>
      %xor3A_359 = arith.constant 8 : i32
      %xor3A_360 = vector.broadcast %xor3A_359 : i32 to vector<16xi32>
      %xor3A_361 = arith.xori %iota3A, %xor3A_360 : vector<16xi32>
      %broadcast_in_dim3A_362 = vector.shape_cast %xor3A_361 : vector<16xi32> to vector<16x1xi32>
      %gather3A_363 = vector.shape_cast %broadcast_in_dim3A_362 : vector<16x1xi32> to vector<16xi32>
      %gather3A_364 = tpu.dynamic_gather %select_n3A_358[%gather3A_363] in [0] : vector<16xi32>, vector<16xi32> -> vector<16xi32>
      %min3A = arith.minsi %select_n3A_358, %gather3A_364 : vector<16xi32>
      %xor3A_365 = arith.constant 4 : i32
      %xor3A_366 = vector.broadcast %xor3A_365 : i32 to vector<16xi32>
      %xor3A_367 = arith.xori %iota3A, %xor3A_366 : vector<16xi32>
      %broadcast_in_dim3A_368 = vector.shape_cast %xor3A_367 : vector<16xi32> to vector<16x1xi32>
      %gather3A_369 = vector.shape_cast %broadcast_in_dim3A_368 : vector<16x1xi32> to vector<16xi32>
      %gather3A_370 = tpu.dynamic_gather %min3A[%gather3A_369] in [0] : vector<16xi32>, vector<16xi32> -> vector<16xi32>
      %min3A_371 = arith.minsi %min3A, %gather3A_370 : vector<16xi32>
      %xor3A_372 = arith.constant 2 : i32
      %xor3A_373 = vector.broadcast %xor3A_372 : i32 to vector<16xi32>
      %xor3A_374 = arith.xori %iota3A, %xor3A_373 : vector<16xi32>
      %broadcast_in_dim3A_375 = vector.shape_cast %xor3A_374 : vector<16xi32> to vector<16x1xi32>
      %gather3A_376 = vector.shape_cast %broadcast_in_dim3A_375 : vector<16x1xi32> to vector<16xi32>
      %gather3A_377 = tpu.dynamic_gather %min3A_371[%gather3A_376] in [0] : vector<16xi32>, vector<16xi32> -> vector<16xi32>
      %min3A_378 = arith.minsi %min3A_371, %gather3A_377 : vector<16xi32>
      %xor3A_379 = arith.constant 1 : i32
      %xor3A_380 = vector.broadcast %xor3A_379 : i32 to vector<16xi32>
      %xor3A_381 = arith.xori %iota3A, %xor3A_380 : vector<16xi32>
      %broadcast_in_dim3A_382 = vector.shape_cast %xor3A_381 : vector<16xi32> to vector<16x1xi32>
      %gather3A_383 = vector.shape_cast %broadcast_in_dim3A_382 : vector<16x1xi32> to vector<16xi32>
      %gather3A_384 = tpu.dynamic_gather %min3A_378[%gather3A_383] in [0] : vector<16xi32>, vector<16xi32> -> vector<16xi32>
      %min3A_385 = arith.minsi %min3A_378, %gather3A_384 : vector<16xi32>
      %eq3A_386 = arith.cmpi eq, %iota3A, %min3A_385 : vector<16xi32>
      %jit3A_387 = arith.constant 0xFF800000 : f32
      %broadcast_in_dim3A_388 = vector.broadcast %jit3A_387 : f32 to vector<16xf32>
      %select_n3A_389 = arith.select %eq3A_386, %broadcast_in_dim3A_388, %add3A_328 : vector<16xi1>, vector<16xf32>
      %xor3A_390 = arith.constant 8 : i32
      %xor3A_391 = vector.broadcast %xor3A_390 : i32 to vector<16xi32>
      %xor3A_392 = arith.xori %iota3A, %xor3A_391 : vector<16xi32>
      %broadcast_in_dim3A_393 = vector.shape_cast %xor3A_392 : vector<16xi32> to vector<16x1xi32>
      %gather3A_394 = vector.shape_cast %broadcast_in_dim3A_393 : vector<16x1xi32> to vector<16xi32>
      %gather3A_395 = tpu.dynamic_gather %select_n3A_389[%gather3A_394] in [0] : vector<16xf32>, vector<16xi32> -> vector<16xf32>
      %max3A_396 = arith.maximumf %select_n3A_389, %gather3A_395 : vector<16xf32>
      %xor3A_397 = arith.constant 4 : i32
      %xor3A_398 = vector.broadcast %xor3A_397 : i32 to vector<16xi32>
      %xor3A_399 = arith.xori %iota3A, %xor3A_398 : vector<16xi32>
      %broadcast_in_dim3A_400 = vector.shape_cast %xor3A_399 : vector<16xi32> to vector<16x1xi32>
      %gather3A_401 = vector.shape_cast %broadcast_in_dim3A_400 : vector<16x1xi32> to vector<16xi32>
      %gather3A_402 = tpu.dynamic_gather %max3A_396[%gather3A_401] in [0] : vector<16xf32>, vector<16xi32> -> vector<16xf32>
      %max3A_403 = arith.maximumf %max3A_396, %gather3A_402 : vector<16xf32>
      %xor3A_404 = arith.constant 2 : i32
      %xor3A_405 = vector.broadcast %xor3A_404 : i32 to vector<16xi32>
      %xor3A_406 = arith.xori %iota3A, %xor3A_405 : vector<16xi32>
      %broadcast_in_dim3A_407 = vector.shape_cast %xor3A_406 : vector<16xi32> to vector<16x1xi32>
      %gather3A_408 = vector.shape_cast %broadcast_in_dim3A_407 : vector<16x1xi32> to vector<16xi32>
      %gather3A_409 = tpu.dynamic_gather %max3A_403[%gather3A_408] in [0] : vector<16xf32>, vector<16xi32> -> vector<16xf32>
      %max3A_410 = arith.maximumf %max3A_403, %gather3A_409 : vector<16xf32>
      %xor3A_411 = arith.constant 1 : i32
      %xor3A_412 = vector.broadcast %xor3A_411 : i32 to vector<16xi32>
      %xor3A_413 = arith.xori %iota3A, %xor3A_412 : vector<16xi32>
      %broadcast_in_dim3A_414 = vector.shape_cast %xor3A_413 : vector<16xi32> to vector<16x1xi32>
      %gather3A_415 = vector.shape_cast %broadcast_in_dim3A_414 : vector<16x1xi32> to vector<16xi32>
      %gather3A_416 = tpu.dynamic_gather %max3A_410[%gather3A_415] in [0] : vector<16xf32>, vector<16xi32> -> vector<16xf32>
      %max3A_417 = arith.maximumf %max3A_410, %gather3A_416 : vector<16xf32>
      %eq3A_418 = arith.cmpf oeq, %select_n3A_389, %max3A_417 : vector<16xf32>
      %jit3A_419 = arith.constant 16 : i32
      %broadcast_in_dim3A_420 = vector.broadcast %jit3A_419 : i32 to vector<16xi32>
      %select_n3A_421 = arith.select %eq3A_418, %iota3A, %broadcast_in_dim3A_420 : vector<16xi1>, vector<16xi32>
      %xor3A_422 = arith.constant 8 : i32
      %xor3A_423 = vector.broadcast %xor3A_422 : i32 to vector<16xi32>
      %xor3A_424 = arith.xori %iota3A, %xor3A_423 : vector<16xi32>
      %broadcast_in_dim3A_425 = vector.shape_cast %xor3A_424 : vector<16xi32> to vector<16x1xi32>
      %gather3A_426 = vector.shape_cast %broadcast_in_dim3A_425 : vector<16x1xi32> to vector<16xi32>
      %gather3A_427 = tpu.dynamic_gather %select_n3A_421[%gather3A_426] in [0] : vector<16xi32>, vector<16xi32> -> vector<16xi32>
      %min3A_428 = arith.minsi %select_n3A_421, %gather3A_427 : vector<16xi32>
      %xor3A_429 = arith.constant 4 : i32
      %xor3A_430 = vector.broadcast %xor3A_429 : i32 to vector<16xi32>
      %xor3A_431 = arith.xori %iota3A, %xor3A_430 : vector<16xi32>
      %broadcast_in_dim3A_432 = vector.shape_cast %xor3A_431 : vector<16xi32> to vector<16x1xi32>
      %gather3A_433 = vector.shape_cast %broadcast_in_dim3A_432 : vector<16x1xi32> to vector<16xi32>
      %gather3A_434 = tpu.dynamic_gather %min3A_428[%gather3A_433] in [0] : vector<16xi32>, vector<16xi32> -> vector<16xi32>
      %min3A_435 = arith.minsi %min3A_428, %gather3A_434 : vector<16xi32>
      %xor3A_436 = arith.constant 2 : i32
      %xor3A_437 = vector.broadcast %xor3A_436 : i32 to vector<16xi32>
      %xor3A_438 = arith.xori %iota3A, %xor3A_437 : vector<16xi32>
      %broadcast_in_dim3A_439 = vector.shape_cast %xor3A_438 : vector<16xi32> to vector<16x1xi32>
      %gather3A_440 = vector.shape_cast %broadcast_in_dim3A_439 : vector<16x1xi32> to vector<16xi32>
      %gather3A_441 = tpu.dynamic_gather %min3A_435[%gather3A_440] in [0] : vector<16xi32>, vector<16xi32> -> vector<16xi32>
      %min3A_442 = arith.minsi %min3A_435, %gather3A_441 : vector<16xi32>
      %xor3A_443 = arith.constant 1 : i32
      %xor3A_444 = vector.broadcast %xor3A_443 : i32 to vector<16xi32>
      %xor3A_445 = arith.xori %iota3A, %xor3A_444 : vector<16xi32>
      %broadcast_in_dim3A_446 = vector.shape_cast %xor3A_445 : vector<16xi32> to vector<16x1xi32>
      %gather3A_447 = vector.shape_cast %broadcast_in_dim3A_446 : vector<16x1xi32> to vector<16xi32>
      %gather3A_448 = tpu.dynamic_gather %min3A_442[%gather3A_447] in [0] : vector<16xi32>, vector<16xi32> -> vector<16xi32>
      %min3A_449 = arith.minsi %min3A_442, %gather3A_448 : vector<16xi32>
      %sub3A = arith.subf %max3A_417, %max3A_355 : vector<16xf32>
      %exp3A = math.exp %sub3A : vector<16xf32>
      %add3A_450 = arith.constant 1.000000e+00 : f32
      %add3A_451 = vector.broadcast %add3A_450 : f32 to vector<16xf32>
      %add3A_452 = arith.addf %add3A_451, %exp3A : vector<16xf32>
      %div3A = arith.constant 1.000000e+00 : f32
      %div3A_453 = vector.broadcast %div3A : f32 to vector<16xf32>
      %div3A_454 = arith.divf %div3A_453, %add3A_452 : vector<16xf32>
      %add3A_455 = arith.constant 0 : i32
      %add3A_456 = arith.addi %mul3A_77, %add3A_455 : i32
      %eq3A_457 = vector.broadcast %add3A_456 : i32 to vector<16xi32>
      %eq3A_458 = arith.cmpi eq, %iota3A, %eq3A_457 : vector<16xi32>
      %select_n3A_459 = arith.select %eq3A_458, %div3A_454, %scan3A_72 : vector<16xi1>, vector<16xf32>
      %mul3A_460 = arith.mulf %exp3A, %div3A_454 : vector<16xf32>
      %select_n3A_461 = arith.select %eq3A_458, %mul3A_460, %scan3A_73 : vector<16xi1>, vector<16xf32>
      %select_n3A_462 = arith.select %eq3A_458, %min3A_385, %scan3A_74 : vector<16xi1>, vector<16xi32>
      %select_n3A_463 = arith.select %eq3A_458, %min3A_449, %scan3A_75 : vector<16xi1>, vector<16xi32>
      %and3A_464 = arith.constant 8 : i32
      %and3A_465 = vector.broadcast %and3A_464 : i32 to vector<16xi32>
      %and3A_466 = arith.andi %iota3A, %and3A_465 : vector<16xi32>
      %eq3A_467 = arith.constant 0 : i32
      %eq3A_468 = vector.broadcast %eq3A_467 : i32 to vector<16xi32>
      %eq3A_469 = arith.cmpi eq, %and3A_466, %eq3A_468 : vector<16xi32>
      %xor3A_470 = arith.constant 8 : i32
      %xor3A_471 = vector.broadcast %xor3A_470 : i32 to vector<16xi32>
      %xor3A_472 = arith.xori %iota3A, %xor3A_471 : vector<16xi32>
      %broadcast_in_dim3A_473 = vector.shape_cast %xor3A_472 : vector<16xi32> to vector<16x1xi32>
      %gather3A_474 = vector.shape_cast %broadcast_in_dim3A_473 : vector<16x1xi32> to vector<16xi32>
      %gather3A_475 = tpu.dynamic_gather %scan3A_82#16[%gather3A_474] in [0] : vector<16xf32>, vector<16xi32> -> vector<16xf32>
      %add3A_476 = arith.addf %scan3A_82#16, %gather3A_475 : vector<16xf32>
      %xor3A_477 = arith.constant 8 : i32
      %xor3A_478 = vector.broadcast %xor3A_477 : i32 to vector<16xi32>
      %xor3A_479 = arith.xori %iota3A, %xor3A_478 : vector<16xi32>
      %broadcast_in_dim3A_480 = vector.shape_cast %xor3A_479 : vector<16xi32> to vector<16x1xi32>
      %gather3A_481 = vector.shape_cast %broadcast_in_dim3A_480 : vector<16x1xi32> to vector<16xi32>
      %gather3A_482 = tpu.dynamic_gather %scan3A_82#24[%gather3A_481] in [0] : vector<16xf32>, vector<16xi32> -> vector<16xf32>
      %add3A_483 = arith.addf %scan3A_82#24, %gather3A_482 : vector<16xf32>
      %select_n3A_484 = arith.select %eq3A_469, %add3A_476, %add3A_483 : vector<16xi1>, vector<16xf32>
      %xor3A_485 = arith.constant 8 : i32
      %xor3A_486 = vector.broadcast %xor3A_485 : i32 to vector<16xi32>
      %xor3A_487 = arith.xori %iota3A, %xor3A_486 : vector<16xi32>
      %broadcast_in_dim3A_488 = vector.shape_cast %xor3A_487 : vector<16xi32> to vector<16x1xi32>
      %gather3A_489 = vector.shape_cast %broadcast_in_dim3A_488 : vector<16x1xi32> to vector<16xi32>
      %gather3A_490 = tpu.dynamic_gather %scan3A_82#20[%gather3A_489] in [0] : vector<16xf32>, vector<16xi32> -> vector<16xf32>
      %add3A_491 = arith.addf %scan3A_82#20, %gather3A_490 : vector<16xf32>
      %xor3A_492 = arith.constant 8 : i32
      %xor3A_493 = vector.broadcast %xor3A_492 : i32 to vector<16xi32>
      %xor3A_494 = arith.xori %iota3A, %xor3A_493 : vector<16xi32>
      %broadcast_in_dim3A_495 = vector.shape_cast %xor3A_494 : vector<16xi32> to vector<16x1xi32>
      %gather3A_496 = vector.shape_cast %broadcast_in_dim3A_495 : vector<16x1xi32> to vector<16xi32>
      %gather3A_497 = tpu.dynamic_gather %scan3A_82#28[%gather3A_496] in [0] : vector<16xf32>, vector<16xi32> -> vector<16xf32>
      %add3A_498 = arith.addf %scan3A_82#28, %gather3A_497 : vector<16xf32>
      %select_n3A_499 = arith.select %eq3A_469, %add3A_491, %add3A_498 : vector<16xi1>, vector<16xf32>
      %xor3A_500 = arith.constant 8 : i32
      %xor3A_501 = vector.broadcast %xor3A_500 : i32 to vector<16xi32>
      %xor3A_502 = arith.xori %iota3A, %xor3A_501 : vector<16xi32>
      %broadcast_in_dim3A_503 = vector.shape_cast %xor3A_502 : vector<16xi32> to vector<16x1xi32>
      %gather3A_504 = vector.shape_cast %broadcast_in_dim3A_503 : vector<16x1xi32> to vector<16xi32>
      %gather3A_505 = tpu.dynamic_gather %scan3A_82#18[%gather3A_504] in [0] : vector<16xf32>, vector<16xi32> -> vector<16xf32>
      %add3A_506 = arith.addf %scan3A_82#18, %gather3A_505 : vector<16xf32>
      %xor3A_507 = arith.constant 8 : i32
      %xor3A_508 = vector.broadcast %xor3A_507 : i32 to vector<16xi32>
      %xor3A_509 = arith.xori %iota3A, %xor3A_508 : vector<16xi32>
      %broadcast_in_dim3A_510 = vector.shape_cast %xor3A_509 : vector<16xi32> to vector<16x1xi32>
      %gather3A_511 = vector.shape_cast %broadcast_in_dim3A_510 : vector<16x1xi32> to vector<16xi32>
      %gather3A_512 = tpu.dynamic_gather %scan3A_82#26[%gather3A_511] in [0] : vector<16xf32>, vector<16xi32> -> vector<16xf32>
      %add3A_513 = arith.addf %scan3A_82#26, %gather3A_512 : vector<16xf32>
      %select_n3A_514 = arith.select %eq3A_469, %add3A_506, %add3A_513 : vector<16xi1>, vector<16xf32>
      %xor3A_515 = arith.constant 8 : i32
      %xor3A_516 = vector.broadcast %xor3A_515 : i32 to vector<16xi32>
      %xor3A_517 = arith.xori %iota3A, %xor3A_516 : vector<16xi32>
      %broadcast_in_dim3A_518 = vector.shape_cast %xor3A_517 : vector<16xi32> to vector<16x1xi32>
      %gather3A_519 = vector.shape_cast %broadcast_in_dim3A_518 : vector<16x1xi32> to vector<16xi32>
      %gather3A_520 = tpu.dynamic_gather %scan3A_82#22[%gather3A_519] in [0] : vector<16xf32>, vector<16xi32> -> vector<16xf32>
      %add3A_521 = arith.addf %scan3A_82#22, %gather3A_520 : vector<16xf32>
      %xor3A_522 = arith.constant 8 : i32
      %xor3A_523 = vector.broadcast %xor3A_522 : i32 to vector<16xi32>
      %xor3A_524 = arith.xori %iota3A, %xor3A_523 : vector<16xi32>
      %broadcast_in_dim3A_525 = vector.shape_cast %xor3A_524 : vector<16xi32> to vector<16x1xi32>
      %gather3A_526 = vector.shape_cast %broadcast_in_dim3A_525 : vector<16x1xi32> to vector<16xi32>
      %gather3A_527 = tpu.dynamic_gather %scan3A_82#30[%gather3A_526] in [0] : vector<16xf32>, vector<16xi32> -> vector<16xf32>
      %add3A_528 = arith.addf %scan3A_82#30, %gather3A_527 : vector<16xf32>
      %select_n3A_529 = arith.select %eq3A_469, %add3A_521, %add3A_528 : vector<16xi1>, vector<16xf32>
      %xor3A_530 = arith.constant 8 : i32
      %xor3A_531 = vector.broadcast %xor3A_530 : i32 to vector<16xi32>
      %xor3A_532 = arith.xori %iota3A, %xor3A_531 : vector<16xi32>
      %broadcast_in_dim3A_533 = vector.shape_cast %xor3A_532 : vector<16xi32> to vector<16x1xi32>
      %gather3A_534 = vector.shape_cast %broadcast_in_dim3A_533 : vector<16x1xi32> to vector<16xi32>
      %gather3A_535 = tpu.dynamic_gather %scan3A_82#17[%gather3A_534] in [0] : vector<16xf32>, vector<16xi32> -> vector<16xf32>
      %add3A_536 = arith.addf %scan3A_82#17, %gather3A_535 : vector<16xf32>
      %xor3A_537 = arith.constant 8 : i32
      %xor3A_538 = vector.broadcast %xor3A_537 : i32 to vector<16xi32>
      %xor3A_539 = arith.xori %iota3A, %xor3A_538 : vector<16xi32>
      %broadcast_in_dim3A_540 = vector.shape_cast %xor3A_539 : vector<16xi32> to vector<16x1xi32>
      %gather3A_541 = vector.shape_cast %broadcast_in_dim3A_540 : vector<16x1xi32> to vector<16xi32>
      %gather3A_542 = tpu.dynamic_gather %scan3A_82#25[%gather3A_541] in [0] : vector<16xf32>, vector<16xi32> -> vector<16xf32>
      %add3A_543 = arith.addf %scan3A_82#25, %gather3A_542 : vector<16xf32>
      %select_n3A_544 = arith.select %eq3A_469, %add3A_536, %add3A_543 : vector<16xi1>, vector<16xf32>
      %xor3A_545 = arith.constant 8 : i32
      %xor3A_546 = vector.broadcast %xor3A_545 : i32 to vector<16xi32>
      %xor3A_547 = arith.xori %iota3A, %xor3A_546 : vector<16xi32>
      %broadcast_in_dim3A_548 = vector.shape_cast %xor3A_547 : vector<16xi32> to vector<16x1xi32>
      %gather3A_549 = vector.shape_cast %broadcast_in_dim3A_548 : vector<16x1xi32> to vector<16xi32>
      %gather3A_550 = tpu.dynamic_gather %scan3A_82#21[%gather3A_549] in [0] : vector<16xf32>, vector<16xi32> -> vector<16xf32>
      %add3A_551 = arith.addf %scan3A_82#21, %gather3A_550 : vector<16xf32>
      %xor3A_552 = arith.constant 8 : i32
      %xor3A_553 = vector.broadcast %xor3A_552 : i32 to vector<16xi32>
      %xor3A_554 = arith.xori %iota3A, %xor3A_553 : vector<16xi32>
      %broadcast_in_dim3A_555 = vector.shape_cast %xor3A_554 : vector<16xi32> to vector<16x1xi32>
      %gather3A_556 = vector.shape_cast %broadcast_in_dim3A_555 : vector<16x1xi32> to vector<16xi32>
      %gather3A_557 = tpu.dynamic_gather %scan3A_82#29[%gather3A_556] in [0] : vector<16xf32>, vector<16xi32> -> vector<16xf32>
      %add3A_558 = arith.addf %scan3A_82#29, %gather3A_557 : vector<16xf32>
      %select_n3A_559 = arith.select %eq3A_469, %add3A_551, %add3A_558 : vector<16xi1>, vector<16xf32>
      %xor3A_560 = arith.constant 8 : i32
      %xor3A_561 = vector.broadcast %xor3A_560 : i32 to vector<16xi32>
      %xor3A_562 = arith.xori %iota3A, %xor3A_561 : vector<16xi32>
      %broadcast_in_dim3A_563 = vector.shape_cast %xor3A_562 : vector<16xi32> to vector<16x1xi32>
      %gather3A_564 = vector.shape_cast %broadcast_in_dim3A_563 : vector<16x1xi32> to vector<16xi32>
      %gather3A_565 = tpu.dynamic_gather %scan3A_82#19[%gather3A_564] in [0] : vector<16xf32>, vector<16xi32> -> vector<16xf32>
      %add3A_566 = arith.addf %scan3A_82#19, %gather3A_565 : vector<16xf32>
      %xor3A_567 = arith.constant 8 : i32
      %xor3A_568 = vector.broadcast %xor3A_567 : i32 to vector<16xi32>
      %xor3A_569 = arith.xori %iota3A, %xor3A_568 : vector<16xi32>
      %broadcast_in_dim3A_570 = vector.shape_cast %xor3A_569 : vector<16xi32> to vector<16x1xi32>
      %gather3A_571 = vector.shape_cast %broadcast_in_dim3A_570 : vector<16x1xi32> to vector<16xi32>
      %gather3A_572 = tpu.dynamic_gather %scan3A_82#27[%gather3A_571] in [0] : vector<16xf32>, vector<16xi32> -> vector<16xf32>
      %add3A_573 = arith.addf %scan3A_82#27, %gather3A_572 : vector<16xf32>
      %select_n3A_574 = arith.select %eq3A_469, %add3A_566, %add3A_573 : vector<16xi1>, vector<16xf32>
      %xor3A_575 = arith.constant 8 : i32
      %xor3A_576 = vector.broadcast %xor3A_575 : i32 to vector<16xi32>
      %xor3A_577 = arith.xori %iota3A, %xor3A_576 : vector<16xi32>
      %broadcast_in_dim3A_578 = vector.shape_cast %xor3A_577 : vector<16xi32> to vector<16x1xi32>
      %gather3A_579 = vector.shape_cast %broadcast_in_dim3A_578 : vector<16x1xi32> to vector<16xi32>
      %gather3A_580 = tpu.dynamic_gather %scan3A_82#23[%gather3A_579] in [0] : vector<16xf32>, vector<16xi32> -> vector<16xf32>
      %add3A_581 = arith.addf %scan3A_82#23, %gather3A_580 : vector<16xf32>
      %xor3A_582 = arith.constant 8 : i32
      %xor3A_583 = vector.broadcast %xor3A_582 : i32 to vector<16xi32>
      %xor3A_584 = arith.xori %iota3A, %xor3A_583 : vector<16xi32>
      %broadcast_in_dim3A_585 = vector.shape_cast %xor3A_584 : vector<16xi32> to vector<16x1xi32>
      %gather3A_586 = vector.shape_cast %broadcast_in_dim3A_585 : vector<16x1xi32> to vector<16xi32>
      %gather3A_587 = tpu.dynamic_gather %scan3A_82#31[%gather3A_586] in [0] : vector<16xf32>, vector<16xi32> -> vector<16xf32>
      %add3A_588 = arith.addf %scan3A_82#31, %gather3A_587 : vector<16xf32>
      %select_n3A_589 = arith.select %eq3A_469, %add3A_581, %add3A_588 : vector<16xi1>, vector<16xf32>
      %and3A_590 = arith.constant 4 : i32
      %and3A_591 = vector.broadcast %and3A_590 : i32 to vector<16xi32>
      %and3A_592 = arith.andi %iota3A, %and3A_591 : vector<16xi32>
      %eq3A_593 = arith.constant 0 : i32
      %eq3A_594 = vector.broadcast %eq3A_593 : i32 to vector<16xi32>
      %eq3A_595 = arith.cmpi eq, %and3A_592, %eq3A_594 : vector<16xi32>
      %xor3A_596 = arith.constant 4 : i32
      %xor3A_597 = vector.broadcast %xor3A_596 : i32 to vector<16xi32>
      %xor3A_598 = arith.xori %iota3A, %xor3A_597 : vector<16xi32>
      %broadcast_in_dim3A_599 = vector.shape_cast %xor3A_598 : vector<16xi32> to vector<16x1xi32>
      %gather3A_600 = vector.shape_cast %broadcast_in_dim3A_599 : vector<16x1xi32> to vector<16xi32>
      %gather3A_601 = tpu.dynamic_gather %select_n3A_484[%gather3A_600] in [0] : vector<16xf32>, vector<16xi32> -> vector<16xf32>
      %add3A_602 = arith.addf %select_n3A_484, %gather3A_601 : vector<16xf32>
      %xor3A_603 = arith.constant 4 : i32
      %xor3A_604 = vector.broadcast %xor3A_603 : i32 to vector<16xi32>
      %xor3A_605 = arith.xori %iota3A, %xor3A_604 : vector<16xi32>
      %broadcast_in_dim3A_606 = vector.shape_cast %xor3A_605 : vector<16xi32> to vector<16x1xi32>
      %gather3A_607 = vector.shape_cast %broadcast_in_dim3A_606 : vector<16x1xi32> to vector<16xi32>
      %gather3A_608 = tpu.dynamic_gather %select_n3A_499[%gather3A_607] in [0] : vector<16xf32>, vector<16xi32> -> vector<16xf32>
      %add3A_609 = arith.addf %select_n3A_499, %gather3A_608 : vector<16xf32>
      %select_n3A_610 = arith.select %eq3A_595, %add3A_602, %add3A_609 : vector<16xi1>, vector<16xf32>
      %xor3A_611 = arith.constant 4 : i32
      %xor3A_612 = vector.broadcast %xor3A_611 : i32 to vector<16xi32>
      %xor3A_613 = arith.xori %iota3A, %xor3A_612 : vector<16xi32>
      %broadcast_in_dim3A_614 = vector.shape_cast %xor3A_613 : vector<16xi32> to vector<16x1xi32>
      %gather3A_615 = vector.shape_cast %broadcast_in_dim3A_614 : vector<16x1xi32> to vector<16xi32>
      %gather3A_616 = tpu.dynamic_gather %select_n3A_514[%gather3A_615] in [0] : vector<16xf32>, vector<16xi32> -> vector<16xf32>
      %add3A_617 = arith.addf %select_n3A_514, %gather3A_616 : vector<16xf32>
      %xor3A_618 = arith.constant 4 : i32
      %xor3A_619 = vector.broadcast %xor3A_618 : i32 to vector<16xi32>
      %xor3A_620 = arith.xori %iota3A, %xor3A_619 : vector<16xi32>
      %broadcast_in_dim3A_621 = vector.shape_cast %xor3A_620 : vector<16xi32> to vector<16x1xi32>
      %gather3A_622 = vector.shape_cast %broadcast_in_dim3A_621 : vector<16x1xi32> to vector<16xi32>
      %gather3A_623 = tpu.dynamic_gather %select_n3A_529[%gather3A_622] in [0] : vector<16xf32>, vector<16xi32> -> vector<16xf32>
      %add3A_624 = arith.addf %select_n3A_529, %gather3A_623 : vector<16xf32>
      %select_n3A_625 = arith.select %eq3A_595, %add3A_617, %add3A_624 : vector<16xi1>, vector<16xf32>
      %xor3A_626 = arith.constant 4 : i32
      %xor3A_627 = vector.broadcast %xor3A_626 : i32 to vector<16xi32>
      %xor3A_628 = arith.xori %iota3A, %xor3A_627 : vector<16xi32>
      %broadcast_in_dim3A_629 = vector.shape_cast %xor3A_628 : vector<16xi32> to vector<16x1xi32>
      %gather3A_630 = vector.shape_cast %broadcast_in_dim3A_629 : vector<16x1xi32> to vector<16xi32>
      %gather3A_631 = tpu.dynamic_gather %select_n3A_544[%gather3A_630] in [0] : vector<16xf32>, vector<16xi32> -> vector<16xf32>
      %add3A_632 = arith.addf %select_n3A_544, %gather3A_631 : vector<16xf32>
      %xor3A_633 = arith.constant 4 : i32
      %xor3A_634 = vector.broadcast %xor3A_633 : i32 to vector<16xi32>
      %xor3A_635 = arith.xori %iota3A, %xor3A_634 : vector<16xi32>
      %broadcast_in_dim3A_636 = vector.shape_cast %xor3A_635 : vector<16xi32> to vector<16x1xi32>
      %gather3A_637 = vector.shape_cast %broadcast_in_dim3A_636 : vector<16x1xi32> to vector<16xi32>
      %gather3A_638 = tpu.dynamic_gather %select_n3A_559[%gather3A_637] in [0] : vector<16xf32>, vector<16xi32> -> vector<16xf32>
      %add3A_639 = arith.addf %select_n3A_559, %gather3A_638 : vector<16xf32>
      %select_n3A_640 = arith.select %eq3A_595, %add3A_632, %add3A_639 : vector<16xi1>, vector<16xf32>
      %xor3A_641 = arith.constant 4 : i32
      %xor3A_642 = vector.broadcast %xor3A_641 : i32 to vector<16xi32>
      %xor3A_643 = arith.xori %iota3A, %xor3A_642 : vector<16xi32>
      %broadcast_in_dim3A_644 = vector.shape_cast %xor3A_643 : vector<16xi32> to vector<16x1xi32>
      %gather3A_645 = vector.shape_cast %broadcast_in_dim3A_644 : vector<16x1xi32> to vector<16xi32>
      %gather3A_646 = tpu.dynamic_gather %select_n3A_574[%gather3A_645] in [0] : vector<16xf32>, vector<16xi32> -> vector<16xf32>
      %add3A_647 = arith.addf %select_n3A_574, %gather3A_646 : vector<16xf32>
      %xor3A_648 = arith.constant 4 : i32
      %xor3A_649 = vector.broadcast %xor3A_648 : i32 to vector<16xi32>
      %xor3A_650 = arith.xori %iota3A, %xor3A_649 : vector<16xi32>
      %broadcast_in_dim3A_651 = vector.shape_cast %xor3A_650 : vector<16xi32> to vector<16x1xi32>
      %gather3A_652 = vector.shape_cast %broadcast_in_dim3A_651 : vector<16x1xi32> to vector<16xi32>
      %gather3A_653 = tpu.dynamic_gather %select_n3A_589[%gather3A_652] in [0] : vector<16xf32>, vector<16xi32> -> vector<16xf32>
      %add3A_654 = arith.addf %select_n3A_589, %gather3A_653 : vector<16xf32>
      %select_n3A_655 = arith.select %eq3A_595, %add3A_647, %add3A_654 : vector<16xi1>, vector<16xf32>
      %and3A_656 = arith.constant 2 : i32
      %and3A_657 = vector.broadcast %and3A_656 : i32 to vector<16xi32>
      %and3A_658 = arith.andi %iota3A, %and3A_657 : vector<16xi32>
      %eq3A_659 = arith.constant 0 : i32
      %eq3A_660 = vector.broadcast %eq3A_659 : i32 to vector<16xi32>
      %eq3A_661 = arith.cmpi eq, %and3A_658, %eq3A_660 : vector<16xi32>
      %xor3A_662 = arith.constant 2 : i32
      %xor3A_663 = vector.broadcast %xor3A_662 : i32 to vector<16xi32>
      %xor3A_664 = arith.xori %iota3A, %xor3A_663 : vector<16xi32>
      %broadcast_in_dim3A_665 = vector.shape_cast %xor3A_664 : vector<16xi32> to vector<16x1xi32>
      %gather3A_666 = vector.shape_cast %broadcast_in_dim3A_665 : vector<16x1xi32> to vector<16xi32>
      %gather3A_667 = tpu.dynamic_gather %select_n3A_610[%gather3A_666] in [0] : vector<16xf32>, vector<16xi32> -> vector<16xf32>
      %add3A_668 = arith.addf %select_n3A_610, %gather3A_667 : vector<16xf32>
      %xor3A_669 = arith.constant 2 : i32
      %xor3A_670 = vector.broadcast %xor3A_669 : i32 to vector<16xi32>
      %xor3A_671 = arith.xori %iota3A, %xor3A_670 : vector<16xi32>
      %broadcast_in_dim3A_672 = vector.shape_cast %xor3A_671 : vector<16xi32> to vector<16x1xi32>
      %gather3A_673 = vector.shape_cast %broadcast_in_dim3A_672 : vector<16x1xi32> to vector<16xi32>
      %gather3A_674 = tpu.dynamic_gather %select_n3A_625[%gather3A_673] in [0] : vector<16xf32>, vector<16xi32> -> vector<16xf32>
      %add3A_675 = arith.addf %select_n3A_625, %gather3A_674 : vector<16xf32>
      %select_n3A_676 = arith.select %eq3A_661, %add3A_668, %add3A_675 : vector<16xi1>, vector<16xf32>
      %xor3A_677 = arith.constant 2 : i32
      %xor3A_678 = vector.broadcast %xor3A_677 : i32 to vector<16xi32>
      %xor3A_679 = arith.xori %iota3A, %xor3A_678 : vector<16xi32>
      %broadcast_in_dim3A_680 = vector.shape_cast %xor3A_679 : vector<16xi32> to vector<16x1xi32>
      %gather3A_681 = vector.shape_cast %broadcast_in_dim3A_680 : vector<16x1xi32> to vector<16xi32>
      %gather3A_682 = tpu.dynamic_gather %select_n3A_640[%gather3A_681] in [0] : vector<16xf32>, vector<16xi32> -> vector<16xf32>
      %add3A_683 = arith.addf %select_n3A_640, %gather3A_682 : vector<16xf32>
      %xor3A_684 = arith.constant 2 : i32
      %xor3A_685 = vector.broadcast %xor3A_684 : i32 to vector<16xi32>
      %xor3A_686 = arith.xori %iota3A, %xor3A_685 : vector<16xi32>
      %broadcast_in_dim3A_687 = vector.shape_cast %xor3A_686 : vector<16xi32> to vector<16x1xi32>
      %gather3A_688 = vector.shape_cast %broadcast_in_dim3A_687 : vector<16x1xi32> to vector<16xi32>
      %gather3A_689 = tpu.dynamic_gather %select_n3A_655[%gather3A_688] in [0] : vector<16xf32>, vector<16xi32> -> vector<16xf32>
      %add3A_690 = arith.addf %select_n3A_655, %gather3A_689 : vector<16xf32>
      %select_n3A_691 = arith.select %eq3A_661, %add3A_683, %add3A_690 : vector<16xi1>, vector<16xf32>
      %and3A_692 = arith.constant 1 : i32
      %and3A_693 = vector.broadcast %and3A_692 : i32 to vector<16xi32>
      %and3A_694 = arith.andi %iota3A, %and3A_693 : vector<16xi32>
      %eq3A_695 = arith.constant 0 : i32
      %eq3A_696 = vector.broadcast %eq3A_695 : i32 to vector<16xi32>
      %eq3A_697 = arith.cmpi eq, %and3A_694, %eq3A_696 : vector<16xi32>
      %xor3A_698 = arith.constant 1 : i32
      %xor3A_699 = vector.broadcast %xor3A_698 : i32 to vector<16xi32>
      %xor3A_700 = arith.xori %iota3A, %xor3A_699 : vector<16xi32>
      %broadcast_in_dim3A_701 = vector.shape_cast %xor3A_700 : vector<16xi32> to vector<16x1xi32>
      %gather3A_702 = vector.shape_cast %broadcast_in_dim3A_701 : vector<16x1xi32> to vector<16xi32>
      %gather3A_703 = tpu.dynamic_gather %select_n3A_676[%gather3A_702] in [0] : vector<16xf32>, vector<16xi32> -> vector<16xf32>
      %add3A_704 = arith.addf %select_n3A_676, %gather3A_703 : vector<16xf32>
      %xor3A_705 = arith.constant 1 : i32
      %xor3A_706 = vector.broadcast %xor3A_705 : i32 to vector<16xi32>
      %xor3A_707 = arith.xori %iota3A, %xor3A_706 : vector<16xi32>
      %broadcast_in_dim3A_708 = vector.shape_cast %xor3A_707 : vector<16xi32> to vector<16x1xi32>
      %gather3A_709 = vector.shape_cast %broadcast_in_dim3A_708 : vector<16x1xi32> to vector<16xi32>
      %gather3A_710 = tpu.dynamic_gather %select_n3A_691[%gather3A_709] in [0] : vector<16xf32>, vector<16xi32> -> vector<16xf32>
      %add3A_711 = arith.addf %select_n3A_691, %gather3A_710 : vector<16xf32>
      %select_n3A_712 = arith.select %eq3A_697, %add3A_704, %add3A_711 : vector<16xi1>, vector<16xf32>
      %add3A_713 = arith.addf %select_n3A_712, %get3A_6 : vector<16xf32>
      %xor3A_714 = arith.constant 8 : i32
      %xor3A_715 = vector.broadcast %xor3A_714 : i32 to vector<16xi32>
      %xor3A_716 = arith.xori %iota3A, %xor3A_715 : vector<16xi32>
      %broadcast_in_dim3A_717 = vector.shape_cast %xor3A_716 : vector<16xi32> to vector<16x1xi32>
      %gather3A_718 = vector.shape_cast %broadcast_in_dim3A_717 : vector<16x1xi32> to vector<16xi32>
      %gather3A_719 = tpu.dynamic_gather %add3A_713[%gather3A_718] in [0] : vector<16xf32>, vector<16xi32> -> vector<16xf32>
      %max3A_720 = arith.maximumf %add3A_713, %gather3A_719 : vector<16xf32>
      %xor3A_721 = arith.constant 4 : i32
      %xor3A_722 = vector.broadcast %xor3A_721 : i32 to vector<16xi32>
      %xor3A_723 = arith.xori %iota3A, %xor3A_722 : vector<16xi32>
      %broadcast_in_dim3A_724 = vector.shape_cast %xor3A_723 : vector<16xi32> to vector<16x1xi32>
      %gather3A_725 = vector.shape_cast %broadcast_in_dim3A_724 : vector<16x1xi32> to vector<16xi32>
      %gather3A_726 = tpu.dynamic_gather %max3A_720[%gather3A_725] in [0] : vector<16xf32>, vector<16xi32> -> vector<16xf32>
      %max3A_727 = arith.maximumf %max3A_720, %gather3A_726 : vector<16xf32>
      %xor3A_728 = arith.constant 2 : i32
      %xor3A_729 = vector.broadcast %xor3A_728 : i32 to vector<16xi32>
      %xor3A_730 = arith.xori %iota3A, %xor3A_729 : vector<16xi32>
      %broadcast_in_dim3A_731 = vector.shape_cast %xor3A_730 : vector<16xi32> to vector<16x1xi32>
      %gather3A_732 = vector.shape_cast %broadcast_in_dim3A_731 : vector<16x1xi32> to vector<16xi32>
      %gather3A_733 = tpu.dynamic_gather %max3A_727[%gather3A_732] in [0] : vector<16xf32>, vector<16xi32> -> vector<16xf32>
      %max3A_734 = arith.maximumf %max3A_727, %gather3A_733 : vector<16xf32>
      %xor3A_735 = arith.constant 1 : i32
      %xor3A_736 = vector.broadcast %xor3A_735 : i32 to vector<16xi32>
      %xor3A_737 = arith.xori %iota3A, %xor3A_736 : vector<16xi32>
      %broadcast_in_dim3A_738 = vector.shape_cast %xor3A_737 : vector<16xi32> to vector<16x1xi32>
      %gather3A_739 = vector.shape_cast %broadcast_in_dim3A_738 : vector<16x1xi32> to vector<16xi32>
      %gather3A_740 = tpu.dynamic_gather %max3A_734[%gather3A_739] in [0] : vector<16xf32>, vector<16xi32> -> vector<16xf32>
      %max3A_741 = arith.maximumf %max3A_734, %gather3A_740 : vector<16xf32>
      %eq3A_742 = arith.cmpf oeq, %add3A_713, %max3A_741 : vector<16xf32>
      %jit3A_743 = arith.constant 16 : i32
      %broadcast_in_dim3A_744 = vector.broadcast %jit3A_743 : i32 to vector<16xi32>
      %select_n3A_745 = arith.select %eq3A_742, %iota3A, %broadcast_in_dim3A_744 : vector<16xi1>, vector<16xi32>
      %xor3A_746 = arith.constant 8 : i32
      %xor3A_747 = vector.broadcast %xor3A_746 : i32 to vector<16xi32>
      %xor3A_748 = arith.xori %iota3A, %xor3A_747 : vector<16xi32>
      %broadcast_in_dim3A_749 = vector.shape_cast %xor3A_748 : vector<16xi32> to vector<16x1xi32>
      %gather3A_750 = vector.shape_cast %broadcast_in_dim3A_749 : vector<16x1xi32> to vector<16xi32>
      %gather3A_751 = tpu.dynamic_gather %select_n3A_745[%gather3A_750] in [0] : vector<16xi32>, vector<16xi32> -> vector<16xi32>
      %min3A_752 = arith.minsi %select_n3A_745, %gather3A_751 : vector<16xi32>
      %xor3A_753 = arith.constant 4 : i32
      %xor3A_754 = vector.broadcast %xor3A_753 : i32 to vector<16xi32>
      %xor3A_755 = arith.xori %iota3A, %xor3A_754 : vector<16xi32>
      %broadcast_in_dim3A_756 = vector.shape_cast %xor3A_755 : vector<16xi32> to vector<16x1xi32>
      %gather3A_757 = vector.shape_cast %broadcast_in_dim3A_756 : vector<16x1xi32> to vector<16xi32>
      %gather3A_758 = tpu.dynamic_gather %min3A_752[%gather3A_757] in [0] : vector<16xi32>, vector<16xi32> -> vector<16xi32>
      %min3A_759 = arith.minsi %min3A_752, %gather3A_758 : vector<16xi32>
      %xor3A_760 = arith.constant 2 : i32
      %xor3A_761 = vector.broadcast %xor3A_760 : i32 to vector<16xi32>
      %xor3A_762 = arith.xori %iota3A, %xor3A_761 : vector<16xi32>
      %broadcast_in_dim3A_763 = vector.shape_cast %xor3A_762 : vector<16xi32> to vector<16x1xi32>
      %gather3A_764 = vector.shape_cast %broadcast_in_dim3A_763 : vector<16x1xi32> to vector<16xi32>
      %gather3A_765 = tpu.dynamic_gather %min3A_759[%gather3A_764] in [0] : vector<16xi32>, vector<16xi32> -> vector<16xi32>
      %min3A_766 = arith.minsi %min3A_759, %gather3A_765 : vector<16xi32>
      %xor3A_767 = arith.constant 1 : i32
      %xor3A_768 = vector.broadcast %xor3A_767 : i32 to vector<16xi32>
      %xor3A_769 = arith.xori %iota3A, %xor3A_768 : vector<16xi32>
      %broadcast_in_dim3A_770 = vector.shape_cast %xor3A_769 : vector<16xi32> to vector<16x1xi32>
      %gather3A_771 = vector.shape_cast %broadcast_in_dim3A_770 : vector<16x1xi32> to vector<16xi32>
      %gather3A_772 = tpu.dynamic_gather %min3A_766[%gather3A_771] in [0] : vector<16xi32>, vector<16xi32> -> vector<16xi32>
      %min3A_773 = arith.minsi %min3A_766, %gather3A_772 : vector<16xi32>
      %eq3A_774 = arith.cmpi eq, %iota3A, %min3A_773 : vector<16xi32>
      %jit3A_775 = arith.constant 0xFF800000 : f32
      %broadcast_in_dim3A_776 = vector.broadcast %jit3A_775 : f32 to vector<16xf32>
      %select_n3A_777 = arith.select %eq3A_774, %broadcast_in_dim3A_776, %add3A_713 : vector<16xi1>, vector<16xf32>
      %xor3A_778 = arith.constant 8 : i32
      %xor3A_779 = vector.broadcast %xor3A_778 : i32 to vector<16xi32>
      %xor3A_780 = arith.xori %iota3A, %xor3A_779 : vector<16xi32>
      %broadcast_in_dim3A_781 = vector.shape_cast %xor3A_780 : vector<16xi32> to vector<16x1xi32>
      %gather3A_782 = vector.shape_cast %broadcast_in_dim3A_781 : vector<16x1xi32> to vector<16xi32>
      %gather3A_783 = tpu.dynamic_gather %select_n3A_777[%gather3A_782] in [0] : vector<16xf32>, vector<16xi32> -> vector<16xf32>
      %max3A_784 = arith.maximumf %select_n3A_777, %gather3A_783 : vector<16xf32>
      %xor3A_785 = arith.constant 4 : i32
      %xor3A_786 = vector.broadcast %xor3A_785 : i32 to vector<16xi32>
      %xor3A_787 = arith.xori %iota3A, %xor3A_786 : vector<16xi32>
      %broadcast_in_dim3A_788 = vector.shape_cast %xor3A_787 : vector<16xi32> to vector<16x1xi32>
      %gather3A_789 = vector.shape_cast %broadcast_in_dim3A_788 : vector<16x1xi32> to vector<16xi32>
      %gather3A_790 = tpu.dynamic_gather %max3A_784[%gather3A_789] in [0] : vector<16xf32>, vector<16xi32> -> vector<16xf32>
      %max3A_791 = arith.maximumf %max3A_784, %gather3A_790 : vector<16xf32>
      %xor3A_792 = arith.constant 2 : i32
      %xor3A_793 = vector.broadcast %xor3A_792 : i32 to vector<16xi32>
      %xor3A_794 = arith.xori %iota3A, %xor3A_793 : vector<16xi32>
      %broadcast_in_dim3A_795 = vector.shape_cast %xor3A_794 : vector<16xi32> to vector<16x1xi32>
      %gather3A_796 = vector.shape_cast %broadcast_in_dim3A_795 : vector<16x1xi32> to vector<16xi32>
      %gather3A_797 = tpu.dynamic_gather %max3A_791[%gather3A_796] in [0] : vector<16xf32>, vector<16xi32> -> vector<16xf32>
      %max3A_798 = arith.maximumf %max3A_791, %gather3A_797 : vector<16xf32>
      %xor3A_799 = arith.constant 1 : i32
      %xor3A_800 = vector.broadcast %xor3A_799 : i32 to vector<16xi32>
      %xor3A_801 = arith.xori %iota3A, %xor3A_800 : vector<16xi32>
      %broadcast_in_dim3A_802 = vector.shape_cast %xor3A_801 : vector<16xi32> to vector<16x1xi32>
      %gather3A_803 = vector.shape_cast %broadcast_in_dim3A_802 : vector<16x1xi32> to vector<16xi32>
      %gather3A_804 = tpu.dynamic_gather %max3A_798[%gather3A_803] in [0] : vector<16xf32>, vector<16xi32> -> vector<16xf32>
      %max3A_805 = arith.maximumf %max3A_798, %gather3A_804 : vector<16xf32>
      %eq3A_806 = arith.cmpf oeq, %select_n3A_777, %max3A_805 : vector<16xf32>
      %jit3A_807 = arith.constant 16 : i32
      %broadcast_in_dim3A_808 = vector.broadcast %jit3A_807 : i32 to vector<16xi32>
      %select_n3A_809 = arith.select %eq3A_806, %iota3A, %broadcast_in_dim3A_808 : vector<16xi1>, vector<16xi32>
      %xor3A_810 = arith.constant 8 : i32
      %xor3A_811 = vector.broadcast %xor3A_810 : i32 to vector<16xi32>
      %xor3A_812 = arith.xori %iota3A, %xor3A_811 : vector<16xi32>
      %broadcast_in_dim3A_813 = vector.shape_cast %xor3A_812 : vector<16xi32> to vector<16x1xi32>
      %gather3A_814 = vector.shape_cast %broadcast_in_dim3A_813 : vector<16x1xi32> to vector<16xi32>
      %gather3A_815 = tpu.dynamic_gather %select_n3A_809[%gather3A_814] in [0] : vector<16xi32>, vector<16xi32> -> vector<16xi32>
      %min3A_816 = arith.minsi %select_n3A_809, %gather3A_815 : vector<16xi32>
      %xor3A_817 = arith.constant 4 : i32
      %xor3A_818 = vector.broadcast %xor3A_817 : i32 to vector<16xi32>
      %xor3A_819 = arith.xori %iota3A, %xor3A_818 : vector<16xi32>
      %broadcast_in_dim3A_820 = vector.shape_cast %xor3A_819 : vector<16xi32> to vector<16x1xi32>
      %gather3A_821 = vector.shape_cast %broadcast_in_dim3A_820 : vector<16x1xi32> to vector<16xi32>
      %gather3A_822 = tpu.dynamic_gather %min3A_816[%gather3A_821] in [0] : vector<16xi32>, vector<16xi32> -> vector<16xi32>
      %min3A_823 = arith.minsi %min3A_816, %gather3A_822 : vector<16xi32>
      %xor3A_824 = arith.constant 2 : i32
      %xor3A_825 = vector.broadcast %xor3A_824 : i32 to vector<16xi32>
      %xor3A_826 = arith.xori %iota3A, %xor3A_825 : vector<16xi32>
      %broadcast_in_dim3A_827 = vector.shape_cast %xor3A_826 : vector<16xi32> to vector<16x1xi32>
      %gather3A_828 = vector.shape_cast %broadcast_in_dim3A_827 : vector<16x1xi32> to vector<16xi32>
      %gather3A_829 = tpu.dynamic_gather %min3A_823[%gather3A_828] in [0] : vector<16xi32>, vector<16xi32> -> vector<16xi32>
      %min3A_830 = arith.minsi %min3A_823, %gather3A_829 : vector<16xi32>
      %xor3A_831 = arith.constant 1 : i32
      %xor3A_832 = vector.broadcast %xor3A_831 : i32 to vector<16xi32>
      %xor3A_833 = arith.xori %iota3A, %xor3A_832 : vector<16xi32>
      %broadcast_in_dim3A_834 = vector.shape_cast %xor3A_833 : vector<16xi32> to vector<16x1xi32>
      %gather3A_835 = vector.shape_cast %broadcast_in_dim3A_834 : vector<16x1xi32> to vector<16xi32>
      %gather3A_836 = tpu.dynamic_gather %min3A_830[%gather3A_835] in [0] : vector<16xi32>, vector<16xi32> -> vector<16xi32>
      %min3A_837 = arith.minsi %min3A_830, %gather3A_836 : vector<16xi32>
      %sub3A_838 = arith.subf %max3A_805, %max3A_741 : vector<16xf32>
      %exp3A_839 = math.exp %sub3A_838 : vector<16xf32>
      %add3A_840 = arith.constant 1.000000e+00 : f32
      %add3A_841 = vector.broadcast %add3A_840 : f32 to vector<16xf32>
      %add3A_842 = arith.addf %add3A_841, %exp3A_839 : vector<16xf32>
      %div3A_843 = arith.constant 1.000000e+00 : f32
      %div3A_844 = vector.broadcast %div3A_843 : f32 to vector<16xf32>
      %div3A_845 = arith.divf %div3A_844, %add3A_842 : vector<16xf32>
      %add3A_846 = arith.constant 1 : i32
      %add3A_847 = arith.addi %mul3A_77, %add3A_846 : i32
      %eq3A_848 = vector.broadcast %add3A_847 : i32 to vector<16xi32>
      %eq3A_849 = arith.cmpi eq, %iota3A, %eq3A_848 : vector<16xi32>
      %select_n3A_850 = arith.select %eq3A_849, %div3A_845, %select_n3A_459 : vector<16xi1>, vector<16xf32>
      %mul3A_851 = arith.mulf %exp3A_839, %div3A_845 : vector<16xf32>
      %select_n3A_852 = arith.select %eq3A_849, %mul3A_851, %select_n3A_461 : vector<16xi1>, vector<16xf32>
      %select_n3A_853 = arith.select %eq3A_849, %min3A_773, %select_n3A_462 : vector<16xi1>, vector<16xi32>
      %select_n3A_854 = arith.select %eq3A_849, %min3A_837, %select_n3A_463 : vector<16xi1>, vector<16xi32>
      scf.yield %select_n3A_850, %select_n3A_852, %select_n3A_853, %select_n3A_854 : vector<16xf32>, vector<16xf32>, vector<16xi32>, vector<16xi32>
    }
    %scan3A_46 = arith.constant 8 : i32
    %swap3A_47 = arith.constant 16 : index
    %swap3A_48 = tpu.vector_load %arg11[%swap3A_47] {strides = array<i32>} : memref<32xf32, #tpu.memory_space<vmem>>, vector<16xf32>,
    %swap3A_49 = vector.shape_cast %swap3A_48 : vector<16xf32> to vector<16xf32>
    %swap3A_50 = vector.shape_cast %scan3A_45#0 : vector<16xf32> to vector<16xf32>
    tpu.vector_store %arg11[%swap3A_47], %swap3A_50 {strides = array<i32>} : memref<32xf32, #tpu.memory_space<vmem>>, vector<16xf32>,
    %swap3A_51 = arith.constant 16 : index
    %swap3A_52 = tpu.vector_load %arg12[%swap3A_51] {strides = array<i32>} : memref<32xf32, #tpu.memory_space<vmem>>, vector<16xf32>,
    %swap3A_53 = vector.shape_cast %swap3A_52 : vector<16xf32> to vector<16xf32>
    %swap3A_54 = vector.shape_cast %scan3A_45#1 : vector<16xf32> to vector<16xf32>
    tpu.vector_store %arg12[%swap3A_51], %swap3A_54 {strides = array<i32>} : memref<32xf32, #tpu.memory_space<vmem>>, vector<16xf32>,
    %swap3A_55 = arith.constant 16 : index
    %swap3A_56 = tpu.vector_load %arg13[%swap3A_55] {strides = array<i32>} : memref<32xi32, #tpu.memory_space<vmem>>, vector<16xi32>,
    %swap3A_57 = vector.shape_cast %swap3A_56 : vector<16xi32> to vector<16xi32>
    %swap3A_58 = vector.shape_cast %scan3A_45#2 : vector<16xi32> to vector<16xi32>
    tpu.vector_store %arg13[%swap3A_55], %swap3A_58 {strides = array<i32>} : memref<32xi32, #tpu.memory_space<vmem>>, vector<16xi32>,
    %swap3A_59 = arith.constant 16 : index
    %swap3A_60 = tpu.vector_load %arg14[%swap3A_59] {strides = array<i32>} : memref<32xi32, #tpu.memory_space<vmem>>, vector<16xi32>,
    %swap3A_61 = vector.shape_cast %swap3A_60 : vector<16xi32> to vector<16xi32>
    %swap3A_62 = vector.shape_cast %scan3A_45#3 : vector<16xi32> to vector<16xi32>
    tpu.vector_store %arg14[%swap3A_59], %swap3A_62 {strides = array<i32>} : memref<32xi32, #tpu.memory_space<vmem>>, vector<16xi32>,
    %mul3A_63 = arith.constant 32 : i32
    %mul3A_64 = arith.muli %add3A, %mul3A_63 : i32
    "tpu.region"() ({
      %run_scoped3A = tpu.sem_alloc : memref<!tpu.dma_semaphore, #tpu.memory_space<semaphore_mem>>
      %dma_start3A = tpu.memref_slice %arg5[%mul3A_64] : memref<1024xf32, #tpu.memory_space<hbm>> -> memref<32xf32, #tpu.memory_space<hbm>>
      %dma_start3A_71 = tpu.memref_slice %arg5[%mul3A_64] : memref<1024xf32, #tpu.memory_space<hbm>> -> memref<32xf32, #tpu.memory_space<hbm>>
      tpu.enqueue_dma source(%arg11 : memref<32xf32, #tpu.memory_space<vmem>>) target(%dma_start3A_71 : memref<32xf32, #tpu.memory_space<hbm>>) target_semaphore(%run_scoped3A : memref<!tpu.dma_semaphore, #tpu.memory_space<semaphore_mem>>)
      %dma_wait3A = tpu.memref_slice %arg5[%mul3A_64] : memref<1024xf32, #tpu.memory_space<hbm>> -> memref<32xf32, #tpu.memory_space<hbm>>
      %dma_wait3A_72 = tpu.memref_slice %arg5[%mul3A_64] : memref<1024xf32, #tpu.memory_space<hbm>> -> memref<32xf32, #tpu.memory_space<hbm>>
      tpu.wait_dma2 semaphore(%run_scoped3A : memref<!tpu.dma_semaphore, #tpu.memory_space<semaphore_mem>>) src(%arg11 : memref<32xf32, #tpu.memory_space<vmem>>) dst(%dma_wait3A_72 : memref<32xf32, #tpu.memory_space<hbm>>)
      tpu.yield
    }) : () -> ()
    %mul3A_65 = arith.constant 32 : i32
    %mul3A_66 = arith.muli %add3A, %mul3A_65 : i32
    "tpu.region"() ({
      %run_scoped3A = tpu.sem_alloc : memref<!tpu.dma_semaphore, #tpu.memory_space<semaphore_mem>>
      %dma_start3A = tpu.memref_slice %arg6[%mul3A_66] : memref<1024xf32, #tpu.memory_space<hbm>> -> memref<32xf32, #tpu.memory_space<hbm>>
      %dma_start3A_71 = tpu.memref_slice %arg6[%mul3A_66] : memref<1024xf32, #tpu.memory_space<hbm>> -> memref<32xf32, #tpu.memory_space<hbm>>
      tpu.enqueue_dma source(%arg12 : memref<32xf32, #tpu.memory_space<vmem>>) target(%dma_start3A_71 : memref<32xf32, #tpu.memory_space<hbm>>) target_semaphore(%run_scoped3A : memref<!tpu.dma_semaphore, #tpu.memory_space<semaphore_mem>>)
      %dma_wait3A = tpu.memref_slice %arg6[%mul3A_66] : memref<1024xf32, #tpu.memory_space<hbm>> -> memref<32xf32, #tpu.memory_space<hbm>>
      %dma_wait3A_72 = tpu.memref_slice %arg6[%mul3A_66] : memref<1024xf32, #tpu.memory_space<hbm>> -> memref<32xf32, #tpu.memory_space<hbm>>
      tpu.wait_dma2 semaphore(%run_scoped3A : memref<!tpu.dma_semaphore, #tpu.memory_space<semaphore_mem>>) src(%arg12 : memref<32xf32, #tpu.memory_space<vmem>>) dst(%dma_wait3A_72 : memref<32xf32, #tpu.memory_space<hbm>>)
      tpu.yield
    }) : () -> ()
    %mul3A_67 = arith.constant 32 : i32
    %mul3A_68 = arith.muli %add3A, %mul3A_67 : i32
    "tpu.region"() ({
      %run_scoped3A = tpu.sem_alloc : memref<!tpu.dma_semaphore, #tpu.memory_space<semaphore_mem>>
      %dma_start3A = tpu.memref_slice %arg7[%mul3A_68] : memref<1024xi32, #tpu.memory_space<hbm>> -> memref<32xi32, #tpu.memory_space<hbm>>
      %dma_start3A_71 = tpu.memref_slice %arg7[%mul3A_68] : memref<1024xi32, #tpu.memory_space<hbm>> -> memref<32xi32, #tpu.memory_space<hbm>>
      tpu.enqueue_dma source(%arg13 : memref<32xi32, #tpu.memory_space<vmem>>) target(%dma_start3A_71 : memref<32xi32, #tpu.memory_space<hbm>>) target_semaphore(%run_scoped3A : memref<!tpu.dma_semaphore, #tpu.memory_space<semaphore_mem>>)
      %dma_wait3A = tpu.memref_slice %arg7[%mul3A_68] : memref<1024xi32, #tpu.memory_space<hbm>> -> memref<32xi32, #tpu.memory_space<hbm>>
      %dma_wait3A_72 = tpu.memref_slice %arg7[%mul3A_68] : memref<1024xi32, #tpu.memory_space<hbm>> -> memref<32xi32, #tpu.memory_space<hbm>>
      tpu.wait_dma2 semaphore(%run_scoped3A : memref<!tpu.dma_semaphore, #tpu.memory_space<semaphore_mem>>) src(%arg13 : memref<32xi32, #tpu.memory_space<vmem>>) dst(%dma_wait3A_72 : memref<32xi32, #tpu.memory_space<hbm>>)
      tpu.yield
    }) : () -> ()
    %mul3A_69 = arith.constant 32 : i32
    %mul3A_70 = arith.muli %add3A, %mul3A_69 : i32
    "tpu.region"() ({
      %run_scoped3A = tpu.sem_alloc : memref<!tpu.dma_semaphore, #tpu.memory_space<semaphore_mem>>
      %dma_start3A = tpu.memref_slice %arg8[%mul3A_70] : memref<1024xi32, #tpu.memory_space<hbm>> -> memref<32xi32, #tpu.memory_space<hbm>>
      %dma_start3A_71 = tpu.memref_slice %arg8[%mul3A_70] : memref<1024xi32, #tpu.memory_space<hbm>> -> memref<32xi32, #tpu.memory_space<hbm>>
      tpu.enqueue_dma source(%arg14 : memref<32xi32, #tpu.memory_space<vmem>>) target(%dma_start3A_71 : memref<32xi32, #tpu.memory_space<hbm>>) target_semaphore(%run_scoped3A : memref<!tpu.dma_semaphore, #tpu.memory_space<semaphore_mem>>)
      %dma_wait3A = tpu.memref_slice %arg8[%mul3A_70] : memref<1024xi32, #tpu.memory_space<hbm>> -> memref<32xi32, #tpu.memory_space<hbm>>
      %dma_wait3A_72 = tpu.memref_slice %arg8[%mul3A_70] : memref<1024xi32, #tpu.memory_space<hbm>> -> memref<32xi32, #tpu.memory_space<hbm>>
      tpu.wait_dma2 semaphore(%run_scoped3A : memref<!tpu.dma_semaphore, #tpu.memory_space<semaphore_mem>>) src(%arg14 : memref<32xi32, #tpu.memory_space<vmem>>) dst(%dma_wait3A_72 : memref<32xi32, #tpu.memory_space<hbm>>)
      tpu.yield
    }) : () -> ()
    return
  }
}

module attributes {stable_mosaic.version = 14 : i64} {
  func.func @_tc_gate_kernel(%arg0: i32, %arg1: memref<1024x2048xf32, #tpu.memory_space<vmem>>, %arg2: memref<16x2048xf32, #tpu.memory_space<vmem>>, %arg3: memref<16x1xf32, #tpu.memory_space<vmem>>, %arg4: memref<1024xf32, #tpu.memory_space<vmem>>, %arg5: memref<1024xf32, #tpu.memory_space<vmem>>, %arg6: memref<1024xi32, #tpu.memory_space<vmem>>, %arg7: memref<1024xi32, #tpu.memory_space<vmem>>) attributes {dimension_semantics = [#tpu.dimension_semantics<arbitrary>], iteration_bounds = array<i64: 15>, scalar_prefetch = 0 : i64, scratch_operands = 0 : i64, tpu.core_type = #tpu.core_type<tc>, window_params = [{transform_indices = @transform_0, window_bounds = array<i64: 1024, 2048>}, {pipeline_mode = #tpu.pipeline_mode<synchronous>, transform_indices = @transform_1, window_bounds = array<i64: 16, 2048>}, {pipeline_mode = #tpu.pipeline_mode<synchronous>, transform_indices = @transform_2, window_bounds = array<i64: 16, 1>}, {transform_indices = @transform_3, window_bounds = array<i64: 1024>}, {transform_indices = @transform_4, window_bounds = array<i64: 1024>}, {transform_indices = @transform_5, window_bounds = array<i64: 1024>}, {transform_indices = @transform_6, window_bounds = array<i64: 1024>}]} {
    %get3A = arith.constant 0 : index
    %get3A_0 = arith.constant 0 : index
    %get3A_1 = vector.load %arg1[%get3A, %get3A_0] : memref<1024x2048xf32, #tpu.memory_space<vmem>>, vector<1024x2048xf32>
    %get3A_2 = arith.constant 0 : index
    %get3A_3 = arith.constant 0 : index
    %get3A_4 = vector.load %arg2[%get3A_2, %get3A_3] : memref<16x2048xf32, #tpu.memory_space<vmem>>, vector<16x2048xf32>
    %dot_general3A = arith.constant dense<0.000000e+00> : vector<16x1024xf32>
    %dot_general3A_5 = tpu.matmul %get3A_4, %get3A_1, %dot_general3A {dimension_numbers = #tpu.dot_dimension_numbers<[1], [1], [0], [0], [0, 0, 1, 0], [], []>, transpose_lhs_hint = false} : vector<16x2048xf32>, vector<1024x2048xf32>, vector<16x1024xf32> -> vector<16x1024xf32>
    %get3A_6 = arith.constant 0 : index
    %get3A_7 = arith.constant 0 : index
    %get3A_8 = vector.load %arg3[%get3A_6, %get3A_7] : memref<16x1xf32, #tpu.memory_space<vmem>>, vector<16x1xf32>
    %add3A = vector.broadcast %get3A_8 : vector<16x1xf32> to vector<16x1024xf32>
    %add3A_9 = arith.addf %dot_general3A_5, %add3A : vector<16x1024xf32>
    %slice3A = vector.extract_strided_slice %add3A_9 {offsets = [0, 0], sizes = [1, 1024], strides = [1, 1]} : vector<16x1024xf32> to vector<1x1024xf32>
    %squeeze3A = vector.shape_cast %slice3A : vector<1x1024xf32> to vector<1024xf32>
    %broadcast_in_dim3A = arith.constant 0 : i32
    %broadcast_in_dim3A_10 = vector.broadcast %broadcast_in_dim3A : i32 to vector<1024xi32>
    %broadcast_in_dim3A_11 = arith.constant 0xFF800000 : f32
    %broadcast_in_dim3A_12 = vector.broadcast %broadcast_in_dim3A_11 : f32 to vector<1024xf32>
    %broadcast_in_dim3A_13 = arith.constant 0 : i32
    %broadcast_in_dim3A_14 = vector.broadcast %broadcast_in_dim3A_13 : i32 to vector<1024xi32>
    %slice3A_15 = vector.extract_strided_slice %add3A_9 {offsets = [1, 0], sizes = [1, 1024], strides = [1, 1]} : vector<16x1024xf32> to vector<1x1024xf32>
    %squeeze3A_16 = vector.shape_cast %slice3A_15 : vector<1x1024xf32> to vector<1024xf32>
    %gt3A = arith.cmpf ogt, %squeeze3A_16, %squeeze3A : vector<1024xf32>
    %not3A = arith.constant dense<true> : vector<1024xi1>
    %not3A_17 = arith.xori %gt3A, %not3A : vector<1024xi1>
    %gt3A_18 = arith.cmpf ogt, %squeeze3A_16, %broadcast_in_dim3A_12 : vector<1024xf32>
    %and3A = arith.andi %not3A_17, %gt3A_18 : vector<1024xi1>
    %select_n3A = arith.select %and3A, %squeeze3A_16, %broadcast_in_dim3A_12 : vector<1024xi1>, vector<1024xf32>
    %select_n3A_19 = arith.select %gt3A, %squeeze3A, %select_n3A : vector<1024xi1>, vector<1024xf32>
    %jit3A = arith.constant 1 : i32
    %broadcast_in_dim3A_20 = vector.broadcast %jit3A : i32 to vector<1024xi32>
    %select_n3A_21 = arith.select %and3A, %broadcast_in_dim3A_20, %broadcast_in_dim3A_14 : vector<1024xi1>, vector<1024xi32>
    %select_n3A_22 = arith.select %gt3A, %broadcast_in_dim3A_10, %select_n3A_21 : vector<1024xi1>, vector<1024xi32>
    %select_n3A_23 = arith.select %gt3A, %squeeze3A_16, %squeeze3A : vector<1024xi1>, vector<1024xf32>
    %jit3A_24 = arith.constant 1 : i32
    %broadcast_in_dim3A_25 = vector.broadcast %jit3A_24 : i32 to vector<1024xi32>
    %select_n3A_26 = arith.select %gt3A, %broadcast_in_dim3A_25, %broadcast_in_dim3A_10 : vector<1024xi1>, vector<1024xi32>
    %slice3A_27 = vector.extract_strided_slice %add3A_9 {offsets = [2, 0], sizes = [1, 1024], strides = [1, 1]} : vector<16x1024xf32> to vector<1x1024xf32>
    %squeeze3A_28 = vector.shape_cast %slice3A_27 : vector<1x1024xf32> to vector<1024xf32>
    %gt3A_29 = arith.cmpf ogt, %squeeze3A_28, %select_n3A_23 : vector<1024xf32>
    %not3A_30 = arith.constant dense<true> : vector<1024xi1>
    %not3A_31 = arith.xori %gt3A_29, %not3A_30 : vector<1024xi1>
    %gt3A_32 = arith.cmpf ogt, %squeeze3A_28, %select_n3A_19 : vector<1024xf32>
    %and3A_33 = arith.andi %not3A_31, %gt3A_32 : vector<1024xi1>
    %select_n3A_34 = arith.select %and3A_33, %squeeze3A_28, %select_n3A_19 : vector<1024xi1>, vector<1024xf32>
    %select_n3A_35 = arith.select %gt3A_29, %select_n3A_23, %select_n3A_34 : vector<1024xi1>, vector<1024xf32>
    %jit3A_36 = arith.constant 2 : i32
    %broadcast_in_dim3A_37 = vector.broadcast %jit3A_36 : i32 to vector<1024xi32>
    %select_n3A_38 = arith.select %and3A_33, %broadcast_in_dim3A_37, %select_n3A_22 : vector<1024xi1>, vector<1024xi32>
    %select_n3A_39 = arith.select %gt3A_29, %select_n3A_26, %select_n3A_38 : vector<1024xi1>, vector<1024xi32>
    %select_n3A_40 = arith.select %gt3A_29, %squeeze3A_28, %select_n3A_23 : vector<1024xi1>, vector<1024xf32>
    %jit3A_41 = arith.constant 2 : i32
    %broadcast_in_dim3A_42 = vector.broadcast %jit3A_41 : i32 to vector<1024xi32>
    %select_n3A_43 = arith.select %gt3A_29, %broadcast_in_dim3A_42, %select_n3A_26 : vector<1024xi1>, vector<1024xi32>
    %slice3A_44 = vector.extract_strided_slice %add3A_9 {offsets = [3, 0], sizes = [1, 1024], strides = [1, 1]} : vector<16x1024xf32> to vector<1x1024xf32>
    %squeeze3A_45 = vector.shape_cast %slice3A_44 : vector<1x1024xf32> to vector<1024xf32>
    %gt3A_46 = arith.cmpf ogt, %squeeze3A_45, %select_n3A_40 : vector<1024xf32>
    %not3A_47 = arith.constant dense<true> : vector<1024xi1>
    %not3A_48 = arith.xori %gt3A_46, %not3A_47 : vector<1024xi1>
    %gt3A_49 = arith.cmpf ogt, %squeeze3A_45, %select_n3A_35 : vector<1024xf32>
    %and3A_50 = arith.andi %not3A_48, %gt3A_49 : vector<1024xi1>
    %select_n3A_51 = arith.select %and3A_50, %squeeze3A_45, %select_n3A_35 : vector<1024xi1>, vector<1024xf32>
    %select_n3A_52 = arith.select %gt3A_46, %select_n3A_40, %select_n3A_51 : vector<1024xi1>, vector<1024xf32>
    %jit3A_53 = arith.constant 3 : i32
    %broadcast_in_dim3A_54 = vector.broadcast %jit3A_53 : i32 to vector<1024xi32>
    %select_n3A_55 = arith.select %and3A_50, %broadcast_in_dim3A_54, %select_n3A_39 : vector<1024xi1>, vector<1024xi32>
    %select_n3A_56 = arith.select %gt3A_46, %select_n3A_43, %select_n3A_55 : vector<1024xi1>, vector<1024xi32>
    %select_n3A_57 = arith.select %gt3A_46, %squeeze3A_45, %select_n3A_40 : vector<1024xi1>, vector<1024xf32>
    %jit3A_58 = arith.constant 3 : i32
    %broadcast_in_dim3A_59 = vector.broadcast %jit3A_58 : i32 to vector<1024xi32>
    %select_n3A_60 = arith.select %gt3A_46, %broadcast_in_dim3A_59, %select_n3A_43 : vector<1024xi1>, vector<1024xi32>
    %slice3A_61 = vector.extract_strided_slice %add3A_9 {offsets = [4, 0], sizes = [1, 1024], strides = [1, 1]} : vector<16x1024xf32> to vector<1x1024xf32>
    %squeeze3A_62 = vector.shape_cast %slice3A_61 : vector<1x1024xf32> to vector<1024xf32>
    %gt3A_63 = arith.cmpf ogt, %squeeze3A_62, %select_n3A_57 : vector<1024xf32>
    %not3A_64 = arith.constant dense<true> : vector<1024xi1>
    %not3A_65 = arith.xori %gt3A_63, %not3A_64 : vector<1024xi1>
    %gt3A_66 = arith.cmpf ogt, %squeeze3A_62, %select_n3A_52 : vector<1024xf32>
    %and3A_67 = arith.andi %not3A_65, %gt3A_66 : vector<1024xi1>
    %select_n3A_68 = arith.select %and3A_67, %squeeze3A_62, %select_n3A_52 : vector<1024xi1>, vector<1024xf32>
    %select_n3A_69 = arith.select %gt3A_63, %select_n3A_57, %select_n3A_68 : vector<1024xi1>, vector<1024xf32>
    %jit3A_70 = arith.constant 4 : i32
    %broadcast_in_dim3A_71 = vector.broadcast %jit3A_70 : i32 to vector<1024xi32>
    %select_n3A_72 = arith.select %and3A_67, %broadcast_in_dim3A_71, %select_n3A_56 : vector<1024xi1>, vector<1024xi32>
    %select_n3A_73 = arith.select %gt3A_63, %select_n3A_60, %select_n3A_72 : vector<1024xi1>, vector<1024xi32>
    %select_n3A_74 = arith.select %gt3A_63, %squeeze3A_62, %select_n3A_57 : vector<1024xi1>, vector<1024xf32>
    %jit3A_75 = arith.constant 4 : i32
    %broadcast_in_dim3A_76 = vector.broadcast %jit3A_75 : i32 to vector<1024xi32>
    %select_n3A_77 = arith.select %gt3A_63, %broadcast_in_dim3A_76, %select_n3A_60 : vector<1024xi1>, vector<1024xi32>
    %slice3A_78 = vector.extract_strided_slice %add3A_9 {offsets = [5, 0], sizes = [1, 1024], strides = [1, 1]} : vector<16x1024xf32> to vector<1x1024xf32>
    %squeeze3A_79 = vector.shape_cast %slice3A_78 : vector<1x1024xf32> to vector<1024xf32>
    %gt3A_80 = arith.cmpf ogt, %squeeze3A_79, %select_n3A_74 : vector<1024xf32>
    %not3A_81 = arith.constant dense<true> : vector<1024xi1>
    %not3A_82 = arith.xori %gt3A_80, %not3A_81 : vector<1024xi1>
    %gt3A_83 = arith.cmpf ogt, %squeeze3A_79, %select_n3A_69 : vector<1024xf32>
    %and3A_84 = arith.andi %not3A_82, %gt3A_83 : vector<1024xi1>
    %select_n3A_85 = arith.select %and3A_84, %squeeze3A_79, %select_n3A_69 : vector<1024xi1>, vector<1024xf32>
    %select_n3A_86 = arith.select %gt3A_80, %select_n3A_74, %select_n3A_85 : vector<1024xi1>, vector<1024xf32>
    %jit3A_87 = arith.constant 5 : i32
    %broadcast_in_dim3A_88 = vector.broadcast %jit3A_87 : i32 to vector<1024xi32>
    %select_n3A_89 = arith.select %and3A_84, %broadcast_in_dim3A_88, %select_n3A_73 : vector<1024xi1>, vector<1024xi32>
    %select_n3A_90 = arith.select %gt3A_80, %select_n3A_77, %select_n3A_89 : vector<1024xi1>, vector<1024xi32>
    %select_n3A_91 = arith.select %gt3A_80, %squeeze3A_79, %select_n3A_74 : vector<1024xi1>, vector<1024xf32>
    %jit3A_92 = arith.constant 5 : i32
    %broadcast_in_dim3A_93 = vector.broadcast %jit3A_92 : i32 to vector<1024xi32>
    %select_n3A_94 = arith.select %gt3A_80, %broadcast_in_dim3A_93, %select_n3A_77 : vector<1024xi1>, vector<1024xi32>
    %slice3A_95 = vector.extract_strided_slice %add3A_9 {offsets = [6, 0], sizes = [1, 1024], strides = [1, 1]} : vector<16x1024xf32> to vector<1x1024xf32>
    %squeeze3A_96 = vector.shape_cast %slice3A_95 : vector<1x1024xf32> to vector<1024xf32>
    %gt3A_97 = arith.cmpf ogt, %squeeze3A_96, %select_n3A_91 : vector<1024xf32>
    %not3A_98 = arith.constant dense<true> : vector<1024xi1>
    %not3A_99 = arith.xori %gt3A_97, %not3A_98 : vector<1024xi1>
    %gt3A_100 = arith.cmpf ogt, %squeeze3A_96, %select_n3A_86 : vector<1024xf32>
    %and3A_101 = arith.andi %not3A_99, %gt3A_100 : vector<1024xi1>
    %select_n3A_102 = arith.select %and3A_101, %squeeze3A_96, %select_n3A_86 : vector<1024xi1>, vector<1024xf32>
    %select_n3A_103 = arith.select %gt3A_97, %select_n3A_91, %select_n3A_102 : vector<1024xi1>, vector<1024xf32>
    %jit3A_104 = arith.constant 6 : i32
    %broadcast_in_dim3A_105 = vector.broadcast %jit3A_104 : i32 to vector<1024xi32>
    %select_n3A_106 = arith.select %and3A_101, %broadcast_in_dim3A_105, %select_n3A_90 : vector<1024xi1>, vector<1024xi32>
    %select_n3A_107 = arith.select %gt3A_97, %select_n3A_94, %select_n3A_106 : vector<1024xi1>, vector<1024xi32>
    %select_n3A_108 = arith.select %gt3A_97, %squeeze3A_96, %select_n3A_91 : vector<1024xi1>, vector<1024xf32>
    %jit3A_109 = arith.constant 6 : i32
    %broadcast_in_dim3A_110 = vector.broadcast %jit3A_109 : i32 to vector<1024xi32>
    %select_n3A_111 = arith.select %gt3A_97, %broadcast_in_dim3A_110, %select_n3A_94 : vector<1024xi1>, vector<1024xi32>
    %slice3A_112 = vector.extract_strided_slice %add3A_9 {offsets = [7, 0], sizes = [1, 1024], strides = [1, 1]} : vector<16x1024xf32> to vector<1x1024xf32>
    %squeeze3A_113 = vector.shape_cast %slice3A_112 : vector<1x1024xf32> to vector<1024xf32>
    %gt3A_114 = arith.cmpf ogt, %squeeze3A_113, %select_n3A_108 : vector<1024xf32>
    %not3A_115 = arith.constant dense<true> : vector<1024xi1>
    %not3A_116 = arith.xori %gt3A_114, %not3A_115 : vector<1024xi1>
    %gt3A_117 = arith.cmpf ogt, %squeeze3A_113, %select_n3A_103 : vector<1024xf32>
    %and3A_118 = arith.andi %not3A_116, %gt3A_117 : vector<1024xi1>
    %select_n3A_119 = arith.select %and3A_118, %squeeze3A_113, %select_n3A_103 : vector<1024xi1>, vector<1024xf32>
    %select_n3A_120 = arith.select %gt3A_114, %select_n3A_108, %select_n3A_119 : vector<1024xi1>, vector<1024xf32>
    %jit3A_121 = arith.constant 7 : i32
    %broadcast_in_dim3A_122 = vector.broadcast %jit3A_121 : i32 to vector<1024xi32>
    %select_n3A_123 = arith.select %and3A_118, %broadcast_in_dim3A_122, %select_n3A_107 : vector<1024xi1>, vector<1024xi32>
    %select_n3A_124 = arith.select %gt3A_114, %select_n3A_111, %select_n3A_123 : vector<1024xi1>, vector<1024xi32>
    %select_n3A_125 = arith.select %gt3A_114, %squeeze3A_113, %select_n3A_108 : vector<1024xi1>, vector<1024xf32>
    %jit3A_126 = arith.constant 7 : i32
    %broadcast_in_dim3A_127 = vector.broadcast %jit3A_126 : i32 to vector<1024xi32>
    %select_n3A_128 = arith.select %gt3A_114, %broadcast_in_dim3A_127, %select_n3A_111 : vector<1024xi1>, vector<1024xi32>
    %slice3A_129 = vector.extract_strided_slice %add3A_9 {offsets = [8, 0], sizes = [1, 1024], strides = [1, 1]} : vector<16x1024xf32> to vector<1x1024xf32>
    %squeeze3A_130 = vector.shape_cast %slice3A_129 : vector<1x1024xf32> to vector<1024xf32>
    %gt3A_131 = arith.cmpf ogt, %squeeze3A_130, %select_n3A_125 : vector<1024xf32>
    %not3A_132 = arith.constant dense<true> : vector<1024xi1>
    %not3A_133 = arith.xori %gt3A_131, %not3A_132 : vector<1024xi1>
    %gt3A_134 = arith.cmpf ogt, %squeeze3A_130, %select_n3A_120 : vector<1024xf32>
    %and3A_135 = arith.andi %not3A_133, %gt3A_134 : vector<1024xi1>
    %select_n3A_136 = arith.select %and3A_135, %squeeze3A_130, %select_n3A_120 : vector<1024xi1>, vector<1024xf32>
    %select_n3A_137 = arith.select %gt3A_131, %select_n3A_125, %select_n3A_136 : vector<1024xi1>, vector<1024xf32>
    %jit3A_138 = arith.constant 8 : i32
    %broadcast_in_dim3A_139 = vector.broadcast %jit3A_138 : i32 to vector<1024xi32>
    %select_n3A_140 = arith.select %and3A_135, %broadcast_in_dim3A_139, %select_n3A_124 : vector<1024xi1>, vector<1024xi32>
    %select_n3A_141 = arith.select %gt3A_131, %select_n3A_128, %select_n3A_140 : vector<1024xi1>, vector<1024xi32>
    %select_n3A_142 = arith.select %gt3A_131, %squeeze3A_130, %select_n3A_125 : vector<1024xi1>, vector<1024xf32>
    %jit3A_143 = arith.constant 8 : i32
    %broadcast_in_dim3A_144 = vector.broadcast %jit3A_143 : i32 to vector<1024xi32>
    %select_n3A_145 = arith.select %gt3A_131, %broadcast_in_dim3A_144, %select_n3A_128 : vector<1024xi1>, vector<1024xi32>
    %slice3A_146 = vector.extract_strided_slice %add3A_9 {offsets = [9, 0], sizes = [1, 1024], strides = [1, 1]} : vector<16x1024xf32> to vector<1x1024xf32>
    %squeeze3A_147 = vector.shape_cast %slice3A_146 : vector<1x1024xf32> to vector<1024xf32>
    %gt3A_148 = arith.cmpf ogt, %squeeze3A_147, %select_n3A_142 : vector<1024xf32>
    %not3A_149 = arith.constant dense<true> : vector<1024xi1>
    %not3A_150 = arith.xori %gt3A_148, %not3A_149 : vector<1024xi1>
    %gt3A_151 = arith.cmpf ogt, %squeeze3A_147, %select_n3A_137 : vector<1024xf32>
    %and3A_152 = arith.andi %not3A_150, %gt3A_151 : vector<1024xi1>
    %select_n3A_153 = arith.select %and3A_152, %squeeze3A_147, %select_n3A_137 : vector<1024xi1>, vector<1024xf32>
    %select_n3A_154 = arith.select %gt3A_148, %select_n3A_142, %select_n3A_153 : vector<1024xi1>, vector<1024xf32>
    %jit3A_155 = arith.constant 9 : i32
    %broadcast_in_dim3A_156 = vector.broadcast %jit3A_155 : i32 to vector<1024xi32>
    %select_n3A_157 = arith.select %and3A_152, %broadcast_in_dim3A_156, %select_n3A_141 : vector<1024xi1>, vector<1024xi32>
    %select_n3A_158 = arith.select %gt3A_148, %select_n3A_145, %select_n3A_157 : vector<1024xi1>, vector<1024xi32>
    %select_n3A_159 = arith.select %gt3A_148, %squeeze3A_147, %select_n3A_142 : vector<1024xi1>, vector<1024xf32>
    %jit3A_160 = arith.constant 9 : i32
    %broadcast_in_dim3A_161 = vector.broadcast %jit3A_160 : i32 to vector<1024xi32>
    %select_n3A_162 = arith.select %gt3A_148, %broadcast_in_dim3A_161, %select_n3A_145 : vector<1024xi1>, vector<1024xi32>
    %slice3A_163 = vector.extract_strided_slice %add3A_9 {offsets = [10, 0], sizes = [1, 1024], strides = [1, 1]} : vector<16x1024xf32> to vector<1x1024xf32>
    %squeeze3A_164 = vector.shape_cast %slice3A_163 : vector<1x1024xf32> to vector<1024xf32>
    %gt3A_165 = arith.cmpf ogt, %squeeze3A_164, %select_n3A_159 : vector<1024xf32>
    %not3A_166 = arith.constant dense<true> : vector<1024xi1>
    %not3A_167 = arith.xori %gt3A_165, %not3A_166 : vector<1024xi1>
    %gt3A_168 = arith.cmpf ogt, %squeeze3A_164, %select_n3A_154 : vector<1024xf32>
    %and3A_169 = arith.andi %not3A_167, %gt3A_168 : vector<1024xi1>
    %select_n3A_170 = arith.select %and3A_169, %squeeze3A_164, %select_n3A_154 : vector<1024xi1>, vector<1024xf32>
    %select_n3A_171 = arith.select %gt3A_165, %select_n3A_159, %select_n3A_170 : vector<1024xi1>, vector<1024xf32>
    %jit3A_172 = arith.constant 10 : i32
    %broadcast_in_dim3A_173 = vector.broadcast %jit3A_172 : i32 to vector<1024xi32>
    %select_n3A_174 = arith.select %and3A_169, %broadcast_in_dim3A_173, %select_n3A_158 : vector<1024xi1>, vector<1024xi32>
    %select_n3A_175 = arith.select %gt3A_165, %select_n3A_162, %select_n3A_174 : vector<1024xi1>, vector<1024xi32>
    %select_n3A_176 = arith.select %gt3A_165, %squeeze3A_164, %select_n3A_159 : vector<1024xi1>, vector<1024xf32>
    %jit3A_177 = arith.constant 10 : i32
    %broadcast_in_dim3A_178 = vector.broadcast %jit3A_177 : i32 to vector<1024xi32>
    %select_n3A_179 = arith.select %gt3A_165, %broadcast_in_dim3A_178, %select_n3A_162 : vector<1024xi1>, vector<1024xi32>
    %slice3A_180 = vector.extract_strided_slice %add3A_9 {offsets = [11, 0], sizes = [1, 1024], strides = [1, 1]} : vector<16x1024xf32> to vector<1x1024xf32>
    %squeeze3A_181 = vector.shape_cast %slice3A_180 : vector<1x1024xf32> to vector<1024xf32>
    %gt3A_182 = arith.cmpf ogt, %squeeze3A_181, %select_n3A_176 : vector<1024xf32>
    %not3A_183 = arith.constant dense<true> : vector<1024xi1>
    %not3A_184 = arith.xori %gt3A_182, %not3A_183 : vector<1024xi1>
    %gt3A_185 = arith.cmpf ogt, %squeeze3A_181, %select_n3A_171 : vector<1024xf32>
    %and3A_186 = arith.andi %not3A_184, %gt3A_185 : vector<1024xi1>
    %select_n3A_187 = arith.select %and3A_186, %squeeze3A_181, %select_n3A_171 : vector<1024xi1>, vector<1024xf32>
    %select_n3A_188 = arith.select %gt3A_182, %select_n3A_176, %select_n3A_187 : vector<1024xi1>, vector<1024xf32>
    %jit3A_189 = arith.constant 11 : i32
    %broadcast_in_dim3A_190 = vector.broadcast %jit3A_189 : i32 to vector<1024xi32>
    %select_n3A_191 = arith.select %and3A_186, %broadcast_in_dim3A_190, %select_n3A_175 : vector<1024xi1>, vector<1024xi32>
    %select_n3A_192 = arith.select %gt3A_182, %select_n3A_179, %select_n3A_191 : vector<1024xi1>, vector<1024xi32>
    %select_n3A_193 = arith.select %gt3A_182, %squeeze3A_181, %select_n3A_176 : vector<1024xi1>, vector<1024xf32>
    %jit3A_194 = arith.constant 11 : i32
    %broadcast_in_dim3A_195 = vector.broadcast %jit3A_194 : i32 to vector<1024xi32>
    %select_n3A_196 = arith.select %gt3A_182, %broadcast_in_dim3A_195, %select_n3A_179 : vector<1024xi1>, vector<1024xi32>
    %slice3A_197 = vector.extract_strided_slice %add3A_9 {offsets = [12, 0], sizes = [1, 1024], strides = [1, 1]} : vector<16x1024xf32> to vector<1x1024xf32>
    %squeeze3A_198 = vector.shape_cast %slice3A_197 : vector<1x1024xf32> to vector<1024xf32>
    %gt3A_199 = arith.cmpf ogt, %squeeze3A_198, %select_n3A_193 : vector<1024xf32>
    %not3A_200 = arith.constant dense<true> : vector<1024xi1>
    %not3A_201 = arith.xori %gt3A_199, %not3A_200 : vector<1024xi1>
    %gt3A_202 = arith.cmpf ogt, %squeeze3A_198, %select_n3A_188 : vector<1024xf32>
    %and3A_203 = arith.andi %not3A_201, %gt3A_202 : vector<1024xi1>
    %select_n3A_204 = arith.select %and3A_203, %squeeze3A_198, %select_n3A_188 : vector<1024xi1>, vector<1024xf32>
    %select_n3A_205 = arith.select %gt3A_199, %select_n3A_193, %select_n3A_204 : vector<1024xi1>, vector<1024xf32>
    %jit3A_206 = arith.constant 12 : i32
    %broadcast_in_dim3A_207 = vector.broadcast %jit3A_206 : i32 to vector<1024xi32>
    %select_n3A_208 = arith.select %and3A_203, %broadcast_in_dim3A_207, %select_n3A_192 : vector<1024xi1>, vector<1024xi32>
    %select_n3A_209 = arith.select %gt3A_199, %select_n3A_196, %select_n3A_208 : vector<1024xi1>, vector<1024xi32>
    %select_n3A_210 = arith.select %gt3A_199, %squeeze3A_198, %select_n3A_193 : vector<1024xi1>, vector<1024xf32>
    %jit3A_211 = arith.constant 12 : i32
    %broadcast_in_dim3A_212 = vector.broadcast %jit3A_211 : i32 to vector<1024xi32>
    %select_n3A_213 = arith.select %gt3A_199, %broadcast_in_dim3A_212, %select_n3A_196 : vector<1024xi1>, vector<1024xi32>
    %slice3A_214 = vector.extract_strided_slice %add3A_9 {offsets = [13, 0], sizes = [1, 1024], strides = [1, 1]} : vector<16x1024xf32> to vector<1x1024xf32>
    %squeeze3A_215 = vector.shape_cast %slice3A_214 : vector<1x1024xf32> to vector<1024xf32>
    %gt3A_216 = arith.cmpf ogt, %squeeze3A_215, %select_n3A_210 : vector<1024xf32>
    %not3A_217 = arith.constant dense<true> : vector<1024xi1>
    %not3A_218 = arith.xori %gt3A_216, %not3A_217 : vector<1024xi1>
    %gt3A_219 = arith.cmpf ogt, %squeeze3A_215, %select_n3A_205 : vector<1024xf32>
    %and3A_220 = arith.andi %not3A_218, %gt3A_219 : vector<1024xi1>
    %select_n3A_221 = arith.select %and3A_220, %squeeze3A_215, %select_n3A_205 : vector<1024xi1>, vector<1024xf32>
    %select_n3A_222 = arith.select %gt3A_216, %select_n3A_210, %select_n3A_221 : vector<1024xi1>, vector<1024xf32>
    %jit3A_223 = arith.constant 13 : i32
    %broadcast_in_dim3A_224 = vector.broadcast %jit3A_223 : i32 to vector<1024xi32>
    %select_n3A_225 = arith.select %and3A_220, %broadcast_in_dim3A_224, %select_n3A_209 : vector<1024xi1>, vector<1024xi32>
    %select_n3A_226 = arith.select %gt3A_216, %select_n3A_213, %select_n3A_225 : vector<1024xi1>, vector<1024xi32>
    %select_n3A_227 = arith.select %gt3A_216, %squeeze3A_215, %select_n3A_210 : vector<1024xi1>, vector<1024xf32>
    %jit3A_228 = arith.constant 13 : i32
    %broadcast_in_dim3A_229 = vector.broadcast %jit3A_228 : i32 to vector<1024xi32>
    %select_n3A_230 = arith.select %gt3A_216, %broadcast_in_dim3A_229, %select_n3A_213 : vector<1024xi1>, vector<1024xi32>
    %slice3A_231 = vector.extract_strided_slice %add3A_9 {offsets = [14, 0], sizes = [1, 1024], strides = [1, 1]} : vector<16x1024xf32> to vector<1x1024xf32>
    %squeeze3A_232 = vector.shape_cast %slice3A_231 : vector<1x1024xf32> to vector<1024xf32>
    %gt3A_233 = arith.cmpf ogt, %squeeze3A_232, %select_n3A_227 : vector<1024xf32>
    %not3A_234 = arith.constant dense<true> : vector<1024xi1>
    %not3A_235 = arith.xori %gt3A_233, %not3A_234 : vector<1024xi1>
    %gt3A_236 = arith.cmpf ogt, %squeeze3A_232, %select_n3A_222 : vector<1024xf32>
    %and3A_237 = arith.andi %not3A_235, %gt3A_236 : vector<1024xi1>
    %select_n3A_238 = arith.select %and3A_237, %squeeze3A_232, %select_n3A_222 : vector<1024xi1>, vector<1024xf32>
    %select_n3A_239 = arith.select %gt3A_233, %select_n3A_227, %select_n3A_238 : vector<1024xi1>, vector<1024xf32>
    %jit3A_240 = arith.constant 14 : i32
    %broadcast_in_dim3A_241 = vector.broadcast %jit3A_240 : i32 to vector<1024xi32>
    %select_n3A_242 = arith.select %and3A_237, %broadcast_in_dim3A_241, %select_n3A_226 : vector<1024xi1>, vector<1024xi32>
    %select_n3A_243 = arith.select %gt3A_233, %select_n3A_230, %select_n3A_242 : vector<1024xi1>, vector<1024xi32>
    %select_n3A_244 = arith.select %gt3A_233, %squeeze3A_232, %select_n3A_227 : vector<1024xi1>, vector<1024xf32>
    %jit3A_245 = arith.constant 14 : i32
    %broadcast_in_dim3A_246 = vector.broadcast %jit3A_245 : i32 to vector<1024xi32>
    %select_n3A_247 = arith.select %gt3A_233, %broadcast_in_dim3A_246, %select_n3A_230 : vector<1024xi1>, vector<1024xi32>
    %slice3A_248 = vector.extract_strided_slice %add3A_9 {offsets = [15, 0], sizes = [1, 1024], strides = [1, 1]} : vector<16x1024xf32> to vector<1x1024xf32>
    %squeeze3A_249 = vector.shape_cast %slice3A_248 : vector<1x1024xf32> to vector<1024xf32>
    %gt3A_250 = arith.cmpf ogt, %squeeze3A_249, %select_n3A_244 : vector<1024xf32>
    %not3A_251 = arith.constant dense<true> : vector<1024xi1>
    %not3A_252 = arith.xori %gt3A_250, %not3A_251 : vector<1024xi1>
    %gt3A_253 = arith.cmpf ogt, %squeeze3A_249, %select_n3A_239 : vector<1024xf32>
    %and3A_254 = arith.andi %not3A_252, %gt3A_253 : vector<1024xi1>
    %select_n3A_255 = arith.select %and3A_254, %squeeze3A_249, %select_n3A_239 : vector<1024xi1>, vector<1024xf32>
    %select_n3A_256 = arith.select %gt3A_250, %select_n3A_244, %select_n3A_255 : vector<1024xi1>, vector<1024xf32>
    %jit3A_257 = arith.constant 15 : i32
    %broadcast_in_dim3A_258 = vector.broadcast %jit3A_257 : i32 to vector<1024xi32>
    %select_n3A_259 = arith.select %and3A_254, %broadcast_in_dim3A_258, %select_n3A_243 : vector<1024xi1>, vector<1024xi32>
    %select_n3A_260 = arith.select %gt3A_250, %select_n3A_247, %select_n3A_259 : vector<1024xi1>, vector<1024xi32>
    %select_n3A_261 = arith.select %gt3A_250, %squeeze3A_249, %select_n3A_244 : vector<1024xi1>, vector<1024xf32>
    %jit3A_262 = arith.constant 15 : i32
    %broadcast_in_dim3A_263 = vector.broadcast %jit3A_262 : i32 to vector<1024xi32>
    %select_n3A_264 = arith.select %gt3A_250, %broadcast_in_dim3A_263, %select_n3A_247 : vector<1024xi1>, vector<1024xi32>
    %sub3A = arith.subf %select_n3A_256, %select_n3A_261 : vector<1024xf32>
    %exp3A = math.exp %sub3A : vector<1024xf32>
    %add3A_265 = arith.constant 1.000000e+00 : f32
    %add3A_266 = vector.broadcast %add3A_265 : f32 to vector<1024xf32>
    %add3A_267 = arith.addf %add3A_266, %exp3A : vector<1024xf32>
    %div3A = arith.constant 1.000000e+00 : f32
    %div3A_268 = vector.broadcast %div3A : f32 to vector<1024xf32>
    %div3A_269 = arith.divf %div3A_268, %add3A_267 : vector<1024xf32>
    %swap3A = arith.constant 0 : index
    %swap3A_270 = vector.load %arg4[%swap3A] : memref<1024xf32, #tpu.memory_space<vmem>>, vector<1024xf32>
    tpu.vector_store %arg4[%swap3A], %div3A_269 {strides = array<i32>} : memref<1024xf32, #tpu.memory_space<vmem>>, vector<1024xf32>,
    %mul3A = arith.mulf %exp3A, %div3A_269 : vector<1024xf32>
    %swap3A_271 = arith.constant 0 : index
    %swap3A_272 = vector.load %arg5[%swap3A_271] : memref<1024xf32, #tpu.memory_space<vmem>>, vector<1024xf32>
    tpu.vector_store %arg5[%swap3A_271], %mul3A {strides = array<i32>} : memref<1024xf32, #tpu.memory_space<vmem>>, vector<1024xf32>,
    %swap3A_273 = arith.constant 0 : index
    %swap3A_274 = vector.load %arg6[%swap3A_273] : memref<1024xi32, #tpu.memory_space<vmem>>, vector<1024xi32>
    tpu.vector_store %arg6[%swap3A_273], %select_n3A_264 {strides = array<i32>} : memref<1024xi32, #tpu.memory_space<vmem>>, vector<1024xi32>,
    %swap3A_275 = arith.constant 0 : index
    %swap3A_276 = vector.load %arg7[%swap3A_275] : memref<1024xi32, #tpu.memory_space<vmem>>, vector<1024xi32>
    tpu.vector_store %arg7[%swap3A_275], %select_n3A_260 {strides = array<i32>} : memref<1024xi32, #tpu.memory_space<vmem>>, vector<1024xi32>,
    return
  }
  func.func @transform_0(%arg0: i32) -> (i32, i32) {
    %c0_i32 = arith.constant 0 : i32
    %c0_i32_0 = arith.constant 0 : i32
    return %arg0, %c0_i32 : i32, i32
  }
  func.func @transform_1(%arg0: i32) -> (i32, i32) {
    %c0_i32 = arith.constant 0 : i32
    %c0_i32_0 = arith.constant 0 : i32
    %c0_i32_1 = arith.constant 0 : i32
    return %c0_i32, %c0_i32_0 : i32, i32
  }
  func.func @transform_2(%arg0: i32) -> (i32, i32) {
    %c0_i32 = arith.constant 0 : i32
    %c0_i32_0 = arith.constant 0 : i32
    %c0_i32_1 = arith.constant 0 : i32
    return %c0_i32, %c0_i32_0 : i32, i32
  }
  func.func @transform_3(%arg0: i32) -> i32 {
    %c0_i32 = arith.constant 0 : i32
    return %arg0 : i32
  }
  func.func @transform_4(%arg0: i32) -> i32 {
    %c0_i32 = arith.constant 0 : i32
    return %arg0 : i32
  }
  func.func @transform_5(%arg0: i32) -> i32 {
    %c0_i32 = arith.constant 0 : i32
    return %arg0 : i32
  }
  func.func @transform_6(%arg0: i32) -> i32 {
    %c0_i32 = arith.constant 0 : i32
    return %arg0 : i32
  }
}

</mosaic_0001>

<sc_bundles>
// kernel: kernel.4.cloned.1.call-start
scs
__scs_entry_jumppad:
0x0: {  	(pc) =	sbr.rel $0x88, $3  }
0x1: {  	(tag) =	ssettag $0x0;
	lr =	simm.s32 $0x1  }
0x2: {  	[smem:$0x3F9E] =	sst lr;
	_ =	strace $0xD0000000  }
0x3: {  	_ = 	snop  }
0x4: {  	_ = 	snop  }
0x5: {  	_ = 	snop  }
0x6: {  	_ = 	snop  }
0x7: {  	_ = 	snop  }
__scs_overlays_trampoline_lowered:
0x8: {  	[smem:$0x3FAD] =	sst s0  }
0x9: {  	[smem:$0x3FAE] =	sst s1  }
0xa: {  	[smem:$0x3FAF] =	sst s2  }
0xb: {  	[smem:$0x3FB0] =	sst s3  }
0xc: {  	[smem:$0x3FB1] =	sst s4  }
0xd: {  	[smem:$0x3FB2] =	sst s5  }
0xe: {  	[smem:$0x3FB3] =	sst s6  }
0xf: {  	[smem:$0x3FB4] =	sst s7  }
0x10: {  	[smem:$0x3FB5] =	sst s8  }
0x11: {  	[smem:$0x3FB6] =	sst s9;
	s0 =	simm.s32 @!p0 $0x0  }
0x12: {  	s1 =	sld [smem:$0x3F9C];
	s0 =	simm.s32 @p0 $0x1  }
0x13: {  	[smem:$0x3FB7] =	sst s0;
	s0 =	simm.s32 @!p1 $0x0  }
0x14: {  	s2 =	sld [smem:$0x3F9B];
	s0 =	simm.s32 @p1 $0x1  }
0x15: {  	[smem:$0x3FB8] =	sst s0;
	s0 =	simm.s32 @!p2 $0x0  }
0x16: {  	s3 =	sld [smem:$0x3FDB];
	s0 =	simm.s32 @p2 $0x1  }
0x17: {  	s4 =	simm.s32 $0x1BF5;
	[smem:$0x3FBA] =	sst s0  }
0x18: {  	s0 =	sld [smem:$0x3F9D];
	_ =	swait.ge [sflag:s4], $0x0  }
0x19: {  	s7 =	sld [smem:$0x3F9E]  }
0x1a: {  	s8 =	sadd.s32 $0xFFFFE003, lr  }
0x1b: {  	s9 =	sadd.s32 $0xFFFFFEF7, lr;
	s5 =	simm.s32 $0xFFFFFFFF;
	p2 =	slt.u32 s8, $0xFFFFF086  }
0x1c: {  	p1 =	slt.u32 s9, $0xF7A;
	s5 =	simm.s32 @!p2 $0x0  }
0x1d: {  	s5 =	simm.s32 @p1 $0x1;
	p0 =	seq.s32 s7, s2  }
0x1e: {  	s7 =	smul.u32 @!p0 $0xF7A, s2;
	p2 =	seq.s32 @!p0 s5, $0x0  }
0x1f: {  	s9 =	smul.u32 $0xF7A, s1;
	s8 =	simm.s32 @!p0 $0x1BF5;
	p2 =	por !p2, p0  }
0x20: {  	[sflag:s8] =	ssyncset.s32 @!p0 $0xFFFFF086;
	s6 =	sadd.s32 @!p0 s3, s7;
	s7 =	simm.s32 @!p0 $0x108  }
0x21: {  	s3 =	sadd.s32 s3, s9;
	s6 =	sadd.s32 @!p0 $0x88, s6;
	s7 =	simm.s32 @p2 $0x1082  }
0x22: {  	[simem:s7], [sflag:s8] =	dma.local @!p0 [hbm:s6], $0xF7A  }
0x23: {  	s9 =	sor.u32 $0xD0000000, s2;
	s6 =	simm.s32 $0x108;
	_ =	swait.ge @!p0 [sflag:s8], $0x0  }
0x24: {  	s3 =	sadd.s32 $0x88, s3;
	s6 =	simm.s32 @!p1 $0x1082;
	[sflag:s4] =	ssyncset.s32 $0xFFFFF086  }
0x25: {  	[simem:s6], [sflag:s4] =	dma.local [hbm:s3], $0xF7A  }
0x26: {  	[smem:$0x3F9E] =	sst s1;
	(tag) =	ssettag s2;
	_ =	strace s9  }
0x27: {  	s1 =	sld [smem:$0x3FAE]  }
0x28: {  	s2 =	sld [smem:$0x3FAF]  }
0x29: {  	s4 =	sld [smem:$0x3FB1]  }
0x2a: {  	p0 =	seq.s32 s5, $0x0;
	s5 =	sld [smem:$0x3FB2]  }
0x2b: {  	s6 =	sld [smem:$0x3FB3]  }
0x2c: {  	s7 =	sld [smem:$0x3FB4]  }
0x2d: {  	s3 =	simm.s32 $0x108;
	s8 =	sld [smem:$0x3FB5]  }
0x2e: {  	s3 =	simm.s32 @!p0 $0x1082;
	s9 =	sld [smem:$0x3FB6]  }
0x2f: {  	lr =	sadd.s32 s0, s3;
	s0 =	sld [smem:$0x3FAD]  }
0x30: {  	s3 =	sld [smem:$0x3FB0]  }
0x31: {  	[smem:$0x3FB9] =	sst s10  }
0x32: {  	s10 =	sld [smem:$0x3FB7];
	_ =	sdelay $0x3  }
0x33: {  	p0 =	seq.s32 s10, $0x1;
	s10 =	sld [smem:$0x3FB9];
	_ =	sdelay $0x3  }
0x34: {  	[smem:$0x3FB9] =	sst s10  }
0x35: {  	s10 =	sld [smem:$0x3FB8];
	_ =	sdelay $0x3  }
0x36: {  	p1 =	seq.s32 s10, $0x1;
	s10 =	sld [smem:$0x3FB9];
	_ =	sdelay $0x3  }
0x37: {  	[smem:$0x3FB9] =	sst s10  }
0x38: {  	s10 =	sld [smem:$0x3FBA]  }
0x39: {  	_ = 	snop;
	(pc) =	sbr.ind lr, $3  }
0x3a: {  	_ = 	snop  }
0x3b: {  	_ = 	snop  }
0x3c: {  	p2 =	seq.s32 s10, $0x1;
	s10 =	sld [smem:$0x3FB9]  }
0x3d: {  	_ =	shalt  }
0x3e: {  	_ =	shalt  }
0x3f: {  	_ =	shalt  }
0x40: {  	_ =	shalt  }
0x41: {  	_ =	shalt  }
0x42: {  	_ =	shalt  }
0x43: {  	_ =	shalt  }
0x44: {  	_ =	shalt  }
0x45: {  	_ =	shalt  }
0x46: {  	_ =	shalt  }
0x47: {  	_ =	shalt  }
0x48: {  	_ =	shalt  }
0x49: {  	_ =	shalt  }
0x4a: {  	_ =	shalt  }
0x4b: {  	_ =	shalt  }
0x4c: {  	_ =	shalt  }
0x4d: {  	_ =	shalt  }
0x4e: {  	_ =	shalt  }
0x4f: {  	_ =	shalt  }
0x50: {  	_ =	shalt  }
0x51: {  	_ =	shalt  }
0x52: {  	_ =	shalt  }
0x53: {  	_ =	shalt  }
0x54: {  	_ =	shalt  }
0x55: {  	_ =	shalt  }
0x56: {  	_ =	shalt  }
0x57: {  	_ =	shalt  }
0x58: {  	_ =	shalt  }
0x59: {  	_ =	shalt  }
0x5a: {  	_ =	shalt  }
0x5b: {  	_ =	shalt  }
0x5c: {  	_ =	shalt  }
0x5d: {  	_ =	shalt  }
0x5e: {  	_ =	shalt  }
0x5f: {  	_ =	shalt  }
0x60: {  	_ =	shalt  }
0x61: {  	_ =	shalt  }
0x62: {  	_ =	shalt  }
0x63: {  	_ =	shalt  }
0x64: {  	_ =	shalt  }
0x65: {  	_ =	shalt  }
0x66: {  	_ =	shalt  }
0x67: {  	_ =	shalt  }
0x68: {  	_ =	shalt  }
0x69: {  	_ =	shalt  }
0x6a: {  	_ =	shalt  }
0x6b: {  	_ =	shalt  }
0x6c: {  	_ =	shalt  }
0x6d: {  	_ =	shalt  }
0x6e: {  	_ =	shalt  }
0x6f: {  	_ =	shalt  }
0x70: {  	_ =	shalt  }
0x71: {  	_ =	shalt  }
0x72: {  	_ =	shalt  }
0x73: {  	_ =	shalt  }
0x74: {  	_ =	shalt  }
0x75: {  	_ =	shalt  }
0x76: {  	_ =	shalt  }
0x77: {  	_ =	shalt  }
0x78: {  	_ =	shalt  }
0x79: {  	_ =	shalt  }
0x7a: {  	_ =	shalt  }
0x7b: {  	_ =	shalt  }
0x7c: {  	_ =	shalt  }
0x7d: {  	_ =	shalt  }
0x7e: {  	_ =	shalt  }
0x7f: {  	_ =	shalt  }
0x80: {  	_ =	shalt  }
0x81: {  	_ =	shalt  }
0x82: {  	_ =	shalt  }
0x83: {  	_ =	shalt  }
0x84: {  	_ =	shalt  }
0x85: {  	_ =	shalt  }
0x86: {  	_ =	shalt  }
0x87: {  	_ =	shalt  }
.Lfunc_end0:
.L_simem_size_0:
called_computation_lowered:
.L_overlay_start_0:
0x88: {  	s2 =	sld [smem:$0x3FD9]  }
0x89: {  	s3 =	sld [smem:$0x3FFE];
	_ =	sdelay $0x1  }
0x8a: {  	s1 =	srdreg.scid  }
0x8b: {  	s0 =	sand.u32 $0x1, s1  }
0x8c: {  	s14 =	sshll.u32 s0, $0xA;
	s2 =	sadd.s32 s3, s2  }
0x8d: {  	s2 =	sadd.s32 s2, s14  }
0x8e: {  	[smem:$0x3FC5] =	sst s2  }
0x8f: {  	_ = 	snop  }
0x90: {  	s2 =	sld [smem:$0x3FD0]  }
0x91: {  	s15 =	sld [smem:$0x3FC9]  }
0x92: {  	s4 =	sld [smem:$0x3FC8]  }
0x93: {  	s6 =	simm.s32 $0xA;
	s7 =	simm.s32 $0x10;
	s5 =	sld [smem:$0x3FC7]  }
0x94: {  	[smem:s7], [sflag:s6] =	dma.local [hbm:s2], $0x1  }
0x95: {  	_ =	swait.eq [sflag:s6], $0x1  }
0x96: {  	[sflag:s6] =	ssyncset.done $0x0  }
0x97: {  	s16 =	sld [smem:$0x10];
	[sflag:s6] =	ssyncadd.s32 $0xFFFFFFFF  }
0x98: {  	s17 =	sld [smem:$0x11];
	(tm) =	ssettm $0x1  }
0x99: {  	s18 =	sld [smem:$0x3FFB];
	_ =	sdelay $0x3  }
0x9a: {  	_ =	strace s18  }
0x9b: {  	s7 =	sld [smem:$0x3FFC];
	_ =	sdelay $0x3  }
0x9c: {  	_ =	strace s7  }
0x9d: {  	s7 =	sld [smem:$0x3FFD];
	_ =	sdelay $0x3  }
0x9e: {  	_ =	strace s7  }
0x9f: {  	_ =	strace $0x8FFFFFFF  }
0xa0: {  	s19 =	sld [smem:$0x3FDB];
	_ =	sdelay $0x1  }
0xa1: {  	s8 =	simm.s32 $_scs_section_size  }
0xa2: {  	s9 =	simm.s32 $_size__tile_overlayer_lowered;
	s10 =	simm.s32 $_tile_overlayer_lowered  }
0xa3: {  	s22 =	simm.s32 $0x1BFF;
	s21 =	sshll.u32 s10, $0x1;
	s7 =	sadd.s32 s8, s19  }
0xa4: {  	s11 =	simm.s32 $0x0;
	s20 =	sshll.u32 s9, $0x1;
	s9 =	sadd.s32 s21, s7  }
0xa5: {  	[timem:s11], [sflag:s22] =	dma.local [hbm:s9], s20  }
0xa6: {  	_ =	swait.ge [sflag:s22], s20  }
0xa7: {  	s8 =	ssub.s32 $0x0, s20;
	[sflag:s22] =	ssyncset.done $0x0  }
0xa8: {  	[sflag:s22] =	ssyncadd.s32 s8;
	_ =	sdelay $0x1  }
0xa9: {  	s23 =	simm.s32 $0x1B8B  }
0xaa: {  	_ =	swait.ge [sflag:s23], $0x1  }
0xab: {  	[sflag:s23] =	ssyncset.done $0x0  }
0xac: {  	s25 =	simm.s32 $0x1B8E;
	s24 =	sld [smem:$0x3FFE];
	[sflag:s23] =	ssyncadd.s32 $0xFFFFFFFF  }
0xad: {  	s26 =	simm.s32 $execute0_lowered;
	[smem:$0x3FD2] =	sst s25  }
0xae: {  	s9 =	sshll.u32 s26, $0x1;
	_ =	strace $0x80000046;
	[dreg:$0x1] =	wrdreg $0xFFFFFFFF  }
0xaf: {  	s28 =	simm.s32 $_size_execute0_lowered;
	s7 =	sadd.s32 s7, s9;
	[dreg:$0x0] =	wrdreg $0x0  }
0xb0: {  	s9 =	sshll.u32 s28, $0x1;
	[dreg:$0x2] =	wrdreg s7  }
0xb1: {  	[dreg:$0x3] =	wrdreg s9  }
0xb2: {  	[dreg:$0x4] =	wrdreg $0xC0  }
0xb3: {  	_ =	task [dreg:s11], $0x5FFFF  }
0xb4: {  	[dreg:$0x1] =	wrdreg $0xFFFFFFFF  }
0xb5: {  	[dreg:$0x0] =	wrdreg $0x60  }
0xb6: {  	[dreg:$0x2] =	wrdreg s15  }
0xb7: {  	[dreg:$0x3] =	wrdreg s4  }
0xb8: {  	[dreg:$0x4] =	wrdreg s5  }
0xb9: {  	[dreg:$0x5] =	wrdreg s17  }
0xba: {  	[dreg:$0x6] =	wrdreg s16  }
0xbb: {  	[dreg:$0x7] =	wrdreg s24  }
0xbc: {  	[dreg:$0x8] =	wrdreg $0x9  }
0xbd: {  	_ =	task.clear_ibuf [dreg:s11], $0x9FFFF;
	_ =	strace $0x90000046  }
0xbe: {  	s29 =	simm.s32 $0x9;
	_ =	strace $0x80000048  }
0xbf: {  	_ =	swait.ge [sflag:s29], $0x1  }
0xc0: {  	[sflag:s29] =	ssyncadd.s32 $0xFFFFFFFF  }
0xc1: {  	_ =	strace $0x90000048  }
0xc2: {  	_ =	sfence  }
0xc3: {  	s30 =	sld [smem:$0x0];
	_ =	sdelay $0x2  }
0xc4: {  	s31 =	sshll.u32 s1, $0xD;
	s1 =	sshrl.u32 s1, $0x2  }
0xc5: {  	s3 =	sand.u32 $0x4000, s31;
	s1 =	sadd.s32 s1, s30  }
0xc6: {  	s0 =	sor.u32 s3, s0;
	s1 =	sshll.u32 s1, $0x11  }
0xc7: {  	s0 =	sor.u32 s1, s0  }
0xc8: {  	s0 =	sadd.s32 $0x8F2B, s0  }
0xc9: {  	[sflag:s0] =	ssyncadd.remote.s32 $0x1  }
0xca: {  	_ =	sfence.sel $0xFFFF  }
0xcb: {  	[dreg:$0x0] =	wrdreg $0xFFFFFFFF;
	(pc) =	sbr.abs _section_cstart, $3  }
0xcc: {  	[dreg:$0x1] =	wrdreg $0xFFFFFFFF  }
0xcd: {  	_ =	task.clear_ibuf [dreg:s11], $0x2FFFF;
	_ =	strace $0x9FFFFFFF  }
0xce: {  	(tm) =	ssettm $0x7FFFFFFF  }
0xcf: {  	_ =	shalt  }
tec
execute0_lowered:
.L_overlay_start_1:
0x0: {  	(tag) =	ssettag $0x1  }
0x1: {  	v0 =	vimm.s32 $0x76543210  }
0x2: {  	v1 =	vimm.s32 $0xFEDCBA98;
	v2 =	vimm.s32 $0xBA98FEDC;
	v3 =	vimm.s32 $0x32107654  }
0x3: {  	v4 =	vimm.s32 $0xDCFE98BA;
	v5 =	vimm.s32 $0x54761032;
	vm0 =	vcmask $0x2F20  }
0x4: {  	s5 =	rddreg [dreg:$0x0];
	vm1 =	vcmask $0xF00;
	vm2 =	vcmask $0x700;
	vm3 =	vcmask $0xB08  }
0x5: {  	s0 =	rddreg [dreg:$0x1];
	vm4 =	vcmask $0x300;
	v0 =	vunpack.c.l.s4.s8 v0;
	v1 =	vunpack.c.l.s4.s8 v1  }
0x6: {  	s1 =	rddreg [dreg:$0x2];
	v2 =	vunpack.c.l.s4.s8 v2;
	v3 =	vunpack.c.l.s4.s8 v3;
	v4 =	vunpack.c.l.s4.s8 v4  }
0x7: {  	s7 =	rddreg [dreg:$0x3];
	v5 =	vunpack.c.l.s4.s8 v5;
	vm0 =	vmor vm1, vm0;
	v1 =	vunpack.c.0.s8.s32 v1  }
0x8: {  	s8 =	rddreg [dreg:$0x4];
	vm1 =	vcmask $0x1710;
	vm3 =	vmor vm4, vm3;
	v0 =	vunpack.c.0.s8.s32 v0  }
0x9: {  	s6 =	rddreg [dreg:$0x5];
	v2 =	vunpack.c.0.s8.s32 v2;
	v3 =	vunpack.c.0.s8.s32 v3;
	v1 =	vand.u32 $0xF, v1  }
0xa: {  	s2 =	rddreg [dreg:$0x6];
	s9 =	srdreg.scid;
	vm1 =	vmor vm2, vm1;
	vm2 =	vcmask $0x2720;
	v0 =	vcombine.low v1, v0  }
0xb: {  	s4 =	simm.s32 $0x0;
	s3 =	stileid.u32;
	s14 =	simm.s32 $0x8000;
	v1 =	vcombine.low v3, v2;
	v2 =	vunpack.c.0.s8.s32 v4;
	v3 =	vunpack.c.0.s8.s32 v5  }
0xc: {  	s15 =	simm.s32 $0x10000;
	s16 =	simm.s32 $0x10080;
	s17 =	simm.s32 $0x10100;
	vm4 =	vcmask $0x1310;
	vm1 =	vmor vm1, vm2;
	vm2 =	vcmask $0x3730  }
0xd: {  	s18 =	simm.s32 $0x10180;
	s19 =	simm.s32 $0x0;
	s9 =	sand.u32 $0x1, s9;
	v4 =	vimm.s32 $0x67452301;
	v2 =	vcombine.low v3, v2;
	v3 =	vimm.s32 $0xEFCDAB89  }
0xe: {  	[smem:$0x7FF] =	sst s4;
	s10 =	sshll.u32 s3, $0x6;
	s11 =	sshll.u32 s9, $0x5;
	vm1 =	vmor vm1, vm2;
	v4 =	vunpack.c.l.s4.s8 v4;
	v3 =	vunpack.c.l.s4.s8 v3  }
0xf: {  	_ =	strace $0x80000047;
	s9 =	ssub.s32 $0x2, s9;
	s10 =	sor.u32 s11, s10;
	vm2 =	vmor vm3, vm4;
	vm3 =	vcmask $0x1B18;
	vm4 =	vcmask $0x2320  }
0x10: {  	s12 =	sshrl.u32 s9, $0x1;
	s11 =	sshrl.u32 s10, $0x3;
	s10 =	sshll.u32 s10, $0x8;
	vm3 =	vmor vm2, vm3;
	v4 =	vunpack.c.0.s8.s32 v4;
	v3 =	vunpack.c.0.s8.s32 v3  }
0x11: {  	s12 =	ssub.s32 s9, s12;
	s13 =	sadd.s32 s11, s6;
	s31 =	sadd.s32 s10, s5;
	vm2 =	vmmov $0xff;
	vm3 =	vmor vm3, vm4;
	vm4 =	vcmask $0x2B28  }
0x12: {  	s7 =	sadd.s32 s7, s11;
	s8 =	sadd.s32 s8, s11;
	s11 =	smax.u32 s12, $0x1;
	vm3 =	vmor vm3, vm4;
	vm4 =	vcmask $0x3330;
	v3 =	vcombine.low v4, v3  }
0x13: {  	s12 =	simm.s32 $0x1;
	s5 =	sadd.s32 $0x3C0000, s31;
	s6 =	sadd.s32 $0x3C1000, s31;
	v1 =	vand.u32 $0xF, v1;
	vm3 =	vmor vm3, vm4;
	vm4 =	vcmask $0x3B38  }
0x14: {  	s9 =	sadd.s32 $0x1200, s13;
	s10 =	sadd.s32 $0x1400, s13;
	s13 =	simm.s32 $0x10200;
	vm3 =	vmor vm3, vm4;
	v2 =	vand.u32 $0xF, v2;
	v3 =	vand.u32 $0xF, v3  }
.LBB2_1:
0x15: {  	[tilespmem:s4], [sflag:$0x1] =	stream.linear.gather [hbm4b:s0+s4], $0x8000, $0x38;
	[tilespmem:$0x10280] =	vst v63  }
0x16: {  	_ =	swait.ge [sflag:s12], $0x8000  }
0x17: {  	[sflag:s12] =	ssyncset.done $0x0  }
0x18: {  	[sflag:s12] =	ssyncadd.s32 $0xFFFF8000  }
0x19: {  	[tilespmem:s13], [sflag:$0x1] =	stream.linear.gather [hbm4b:s1+s4], $0x80, $0x38;
	[tilespmem:$0x10280] =	vst v63  }
0x1a: {  	_ =	swait.ge [sflag:s12], $0x80  }
0x1b: {  	s20 =	sand.u32 $0x70, s4;
	s21 =	sand.u32 $0x3C00, s4;
	[sflag:s12] =	ssyncset.done $0x0  }
0x1c: {  	s20 =	sor.u32 s20, s21;
	[sflag:s12] =	ssyncadd.s32 $0xFFFFFF80  }
0x1d: {  	v5 =	vld [tilespmem:s20+$0x300]  }
0x1e: {  	v6 =	vld [tilespmem:s20+$0x280]  }
0x1f: {  	v7 =	vld [tilespmem:s20+$0x180]  }
0x20: {  	v8 =	vld [tilespmem:s20+$0x100]  }
0x21: {  	v9 =	vld [tilespmem:s20+$0x0]  }
0x22: {  	v11 =	vld [tilespmem:s20+$0x200];
	v10 =	vmul.f32 $6.553700000e+04, v5  }
0x23: {  	v12 =	vld [tilespmem:s20+$0x80];
	v13 =	vmul.f32 $6.553700000e+04, v6  }
0x24: {  	v14 =	vmul.f32 $6.553700000e+04, v7;
	v5 =	vsub.f32 v10, v5  }
0x25: {  	v15 =	vmul.f32 $6.553700000e+04, v8;
	v6 =	vsub.f32 v13, v6  }
0x26: {  	v16 =	vmul.f32 $6.553700000e+04, v9;
	v7 =	vsub.f32 v14, v7;
	v10 =	vsub.f32 v10, v5  }
0x27: {  	v17 =	vmul.f32 $6.553700000e+04, v11;
	v8 =	vsub.f32 v15, v8;
	v6 =	vsub.f32 v13, v6  }
0x28: {  	v4 =	vld [tilespmem:$0x10200];
	v63 =	vmul.f32 $6.553700000e+04, v12;
	v9 =	vsub.f32 v16, v9;
	v7 =	vsub.f32 v14, v7;
	[tilespmem:s20+$0x300] =	vst v10  }
0x29: {  	v8 =	vsub.f32 v15, v8;
	v10 =	vsub.f32 v17, v11;
	[tilespmem:s20+$0x280] =	vst v6  }
0x2a: {  	v6 =	vsub.f32 v16, v9;
	v9 =	vsub.f32 v63, v12;
	[tilespmem:s20+$0x180] =	vst v7  }
0x2b: {  	s31 =	sand.u32 $0x7, s4;
	[tilespmem:s20+$0x100] =	vst v8;
	v7 =	vsub.f32 v17, v10  }
0x2c: {  	s21 =	sshll.u32 s31, $0x4;
	[tilespmem:s20+$0x0] =	vst v6;
	v6 =	vsub.f32 v63, v9  }
0x2d: {  	s21 =	sadd.s32 $0x0, s21;
	[tilespmem:s20+$0x200] =	vst v7  }
0x2e: {  	s21 =	sor.u32 $0x380, s21;
	[tilespmem:s20+$0x80] =	vst v6  }
0x2f: {  	v6 =	vld [tilespmem:s21+$0x0];
	_ =	sdelay $0x4  }
0x30: {  	v7 =	vmul.f32 $6.553700000e+04, v6;
	_ =	sdelay $0x1  }
0x31: {  	v6 =	vsub.f32 v7, v6;
	_ =	sdelay $0x1  }
0x32: {  	v6 =	vsub.f32 v7, v6;
	_ =	sdelay $0x1  }
0x33: {  	[tilespmem:s21+$0x0] =	vst v6  }
0x34: {  	v8 =	vld [tilespmem:s20+$0x4000]  }
0x35: {  	v7 =	vld [tilespmem:s20+$0x4300]  }
0x36: {  	s22 =	simm.s32 $0x0;
	s23 =	simm.s32 $0x0;
	[tilespmem:$0x1FFF0] =	vst v4;
	s21 =	simm.s32 $0x10;
	v6 =	vld [tilespmem:s20+$0x4080]  }
.LBB2_2:
0x37: {  	p0 =	sne.s32 s21, $0x7F0;
	v9 =	vld [tilespmem:s20+$0x4100];
	s22 =	sadd.s32 $0x80, s22;
	s23 =	sadd.s32 $0x1, s23  }
0x38: {  	s24 =	smov.u32 s21;
	s21 =	sadd.s32 $0x10, s21;
	v10 =	vld [tilespmem:s20+$0x4180]  }
0x39: {  	v11 =	vmul.f32 $6.553700000e+04, v8;
	v12 =	vld [tilespmem:s20+$0x4200]  }
0x3a: {  	s24 =	sand.u32 $0x70, s24;
	s25 =	sand.u32 $0x3C00, s22;
	v13 =	vld [tilespmem:s20+$0x4280];
	v14 =	vmul.f32 $6.553700000e+04, v7  }
0x3b: {  	s24 =	sor.u32 s24, s25;
	v8 =	vsub.f32 v11, v8;
	v15 =	vmul.f32 $6.553700000e+04, v6;
	v16 =	vld [tilespmem:s20+$0x4380]  }
0x3c: {  	v17 =	vld [tilespmem:s24+$0x300];
	v18 =	vmul.f32 $6.553700000e+04, v9;
	v7 =	vsub.f32 v14, v7  }
0x3d: {  	v19 =	vld [tilespmem:s24+$0x280];
	v8 =	vsub.f32 v11, v8;
	v6 =	vsub.f32 v15, v6;
	v11 =	vmul.f32 $6.553700000e+04, v10  }
0x3e: {  	v20 =	vld [tilespmem:s24+$0x180];
	v9 =	vsub.f32 v18, v9;
	v21 =	vmul.f32 $6.553700000e+04, v12;
	v7 =	vsub.f32 v14, v7  }
0x3f: {  	v14 =	vld [tilespmem:s24+$0x100];
	[tilespmem:s20+$0x4000] =	vst v8;
	v6 =	vsub.f32 v15, v6;
	v8 =	vsub.f32 v11, v10;
	v10 =	vmul.f32 $6.553700000e+04, v13  }
0x40: {  	v15 =	vld [tilespmem:s24+$0x80];
	v9 =	vsub.f32 v18, v9;
	v12 =	vsub.f32 v21, v12;
	[tilespmem:s20+$0x4300] =	vst v7;
	v7 =	vmul.f32 $6.553700000e+04, v16  }
0x41: {  	v18 =	vld [tilespmem:s24+$0x0];
	v22 =	vmul.f32 $6.553700000e+04, v17;
	[tilespmem:s20+$0x4080] =	vst v6;
	v6 =	vsub.f32 v11, v8;
	v8 =	vsub.f32 v10, v13  }
0x42: {  	v11 =	vld [tilespmem:s24+$0x200];
	v13 =	vmul.f32 $6.553700000e+04, v19;
	[tilespmem:s20+$0x4100] =	vst v9;
	v9 =	vsub.f32 v21, v12;
	v12 =	vsub.f32 v7, v16  }
0x43: {  	v16 =	vsub.f32 v22, v17;
	[tilespmem:s20+$0x4180] =	vst v6;
	v6 =	vsub.f32 v10, v8  }
0x44: {  	v8 =	vmul.f32 $6.553700000e+04, v20;
	v10 =	vsub.f32 v13, v19;
	[tilespmem:s20+$0x4200] =	vst v9;
	v7 =	vsub.f32 v7, v12  }
0x45: {  	v9 =	vmul.f32 $6.553700000e+04, v14;
	v12 =	vsub.f32 v22, v16;
	[tilespmem:s20+$0x4280] =	vst v6  }
0x46: {  	v16 =	vmul.f32 $6.553700000e+04, v15;
	v17 =	vsub.f32 v8, v20;
	v6 =	vmul.f32 $6.553700000e+04, v18;
	[tilespmem:s20+$0x4380] =	vst v7;
	s20 =	smov.u32 s24  }
0x47: {  	v7 =	vsub.f32 v9, v14;
	v10 =	vsub.f32 v13, v10;
	v14 =	vmul.f32 $6.553700000e+04, v11;
	[tilespmem:s20+$0x300] =	vst v12  }
0x48: {  	v8 =	vsub.f32 v8, v17;
	v12 =	vsub.f32 v6, v18  }
0x49: {  	v7 =	vsub.f32 v9, v7;
	v9 =	vsub.f32 v14, v11;
	[tilespmem:s20+$0x280] =	vst v10  }
0x4a: {  	v10 =	vsub.f32 v16, v15;
	v6 =	vsub.f32 v6, v12;
	[tilespmem:s20+$0x180] =	vst v8  }
0x4b: {  	[tilespmem:s20+$0x100] =	vst v7;
	v7 =	vsub.f32 v14, v9  }
0x4c: {  	s24 =	sand.u32 $0x7, s23;
	[tilespmem:s20+$0x0] =	vst v6;
	v6 =	vsub.f32 v16, v10  }
0x4d: {  	s24 =	sshll.u32 s24, $0x4;
	[tilespmem:s20+$0x200] =	vst v7  }
0x4e: {  	s24 =	sadd.s32 s24, s22  }
0x4f: {  	s24 =	sor.u32 $0x380, s24;
	[tilespmem:s20+$0x80] =	vst v6  }
0x50: {  	v6 =	vld [tilespmem:s24+$0x0];
	_ =	sdelay $0x4  }
0x51: {  	v7 =	vmul.f32 $6.553700000e+04, v6;
	_ =	sdelay $0x1  }
0x52: {  	v6 =	vsub.f32 v7, v6;
	_ =	sdelay $0x1  }
0x53: {  	v6 =	vsub.f32 v7, v6  }
.Ltmp0:
0x54: {  	(pc) =	sbr.rel @p0 .LBB2_2-.Ltmp0, $4  }
0x55: {  	[tilespmem:s24+$0x0] =	vst v6  }
0x56: {  	v8 =	vld [tilespmem:s20+$0x4000]  }
0x57: {  	v7 =	vld [tilespmem:s20+$0x4300]  }
0x58: {  	v6 =	vld [tilespmem:s20+$0x4080]  }
0x59: {  	v9 =	vld [tilespmem:s20+$0x4100]  }
0x5a: {  	v10 =	vld [tilespmem:s20+$0x4180]  }
0x5b: {  	v12 =	vld [tilespmem:s20+$0x4200];
	v11 =	vmul.f32 $6.553700000e+04, v8  }
0x5c: {  	v13 =	vld [tilespmem:s20+$0x4280];
	v14 =	vmul.f32 $6.553700000e+04, v7  }
0x5d: {  	v16 =	vld [tilespmem:s20+$0x4380];
	v8 =	vsub.f32 v11, v8;
	v15 =	vmul.f32 $6.553700000e+04, v6  }
0x5e: {  	v17 =	vmul.f32 $6.553700000e+04, v9;
	v7 =	vsub.f32 v14, v7  }
0x5f: {  	v8 =	vsub.f32 v11, v8;
	v6 =	vsub.f32 v15, v6;
	v11 =	vmul.f32 $6.553700000e+04, v10  }
0x60: {  	v18 =	vmul.f32 $6.553700000e+04, v12;
	v9 =	vsub.f32 v17, v9;
	v7 =	vsub.f32 v14, v7  }
0x61: {  	[tilespmem:s20+$0x4000] =	vst v8;
	v6 =	vsub.f32 v15, v6;
	v8 =	vsub.f32 v11, v10;
	v10 =	vmul.f32 $6.553700000e+04, v13  }
0x62: {  	v12 =	vsub.f32 v18, v12;
	v9 =	vsub.f32 v17, v9;
	[tilespmem:s20+$0x4300] =	vst v7;
	v7 =	vmul.f32 $6.553700000e+04, v16  }
0x63: {  	[tilespmem:s20+$0x4080] =	vst v6;
	v6 =	vsub.f32 v11, v8;
	v8 =	vsub.f32 v10, v13  }
0x64: {  	[tilespmem:s20+$0x4100] =	vst v9;
	v9 =	vsub.f32 v18, v12;
	v11 =	vsub.f32 v7, v16  }
0x65: {  	[tilespmem:s20+$0x4180] =	vst v6;
	v6 =	vsub.f32 v10, v8  }
0x66: {  	[tilespmem:s20+$0x4200] =	vst v9;
	v7 =	vsub.f32 v7, v11  }
0x67: {  	[tilespmem:s20+$0x4280] =	vst v6  }
0x68: {  	[tilespmem:s20+$0x4380] =	vst v7;
	s20 =	simm.s32 $0x0  }
0x69: {  	[tilespmem:s14], [sflag:$0x1] =	stream.linear.gather [hbm4b:s5+s20], $0x8000, $0x38;
	[tilespmem:$0x10280] =	vst v63  }
0x6a: {  	_ =	swait.ge [sflag:s12], $0x8000  }
0x6b: {  	v8 =	vimm.s32 $0x0;
	[sflag:s12] =	ssyncset.done $0x0  }
0x6c: {  	s21 =	simm.s32 $0x0;
	v10 =	vimm.f32 $0.0e+00;
	v9 =	vimm.f32 $0.0e+00;
	v7 =	vimm.s32 $0x0;
	[sflag:s12] =	ssyncadd.s32 $0xFFFF8000  }
.LBB2_4:
0x6d: {  	s22 =	sshll.u32 s21, $0xC;
	s23 =	sshll.u32 s21, $0x8  }
0x6e: {  	s22 =	sand.u32 $0x4000, s22;
	s23 =	sand.u32 $0x300, s23  }
0x6f: {  	s22 =	sor.u32 s23, s22  }
0x70: {  	s22 =	sor.u32 $0x8000, s22  }
0x71: {  	[dreg:$0x7] =	wrdreg s22  }
0x72: {  	s30 =	sand.u32 $0x3C00, s20;
	s22 =	rddreg [dreg:$0x7]  }
0x73: {  	s24 =	sand.u32 $0x70, s20;
	s22 =	sadd.s32 s30, s22  }
0x74: {  	s25 =	sadd.s32 s24, s22  }
0x75: {  	v11 =	vld [tilespmem:s25+$0x0]  }
0x76: {  	v4 =	vimm.f32 $0.0e+00  }
0x77: {  	v48 =	vimm.f32 $0.0e+00;
	v43 =	vimm.f32 $0.0e+00;
	v44 =	vimm.f32 $0.0e+00;
	s22 =	sor.u32 s24, s30;
	v13 =	vld [tilespmem:s25+$0x80]  }
0x78: {  	v37 =	vimm.f32 $0.0e+00;
	v38 =	vimm.f32 $0.0e+00;
	v36 =	vimm.f32 $0.0e+00;
	v24 =	vld [tilespmem:s22+$0x4300]  }
0x79: {  	v23 =	vimm.f32 $0.0e+00;
	v35 =	vimm.f32 $0.0e+00;
	v20 =	vimm.f32 $0.0e+00;
	v12 =	vld [tilespmem:s22+$0x4380]  }
0x7a: {  	v19 =	vimm.f32 $0.0e+00;
	v39 =	vimm.f32 $0.0e+00;
	v25 =	vld [tilespmem:s22+$0x80];
	v14 =	vmul.f32 $6.553700000e+04, v11  }
0x7b: {  	v40 =	vimm.f32 $0.0e+00;
	v41 =	vimm.f32 $0.0e+00;
	v45 =	vimm.f32 $0.0e+00;
	v15 =	vld [tilespmem:s22+$0x100]  }
0x7c: {  	s31 =	sand.u32 $0x7, s20;
	v49 =	vimm.f32 $0.0e+00;
	v59 =	vld [tilespmem:s22+$0x200];
	v16 =	vmul.f32 $6.553700000e+04, v13;
	v11 =	vsub.f32 v14, v11  }
0x7d: {  	v18 =	vimm.f32 $0.0e+00;
	v46 =	vimm.f32 $0.0e+00;
	v50 =	vimm.f32 $0.0e+00;
	s23 =	sshll.u32 s31, $0x4;
	v33 =	vld [tilespmem:s22+$0x280]  }
0x7e: {  	v47 =	vimm.f32 $0.0e+00;
	s23 =	sadd.s32 $0x0, s23;
	v31 =	vsub.f32 v14, v11;
	v11 =	vsub.f32 v16, v13  }
0x7f: {  	v42 =	vimm.f32 $0.0e+00;
	v51 =	vimm.f32 $0.0e+00;
	v21 =	vimm.f32 $0.0e+00;
	s23 =	sor.u32 $0x380, s23;
	v52 =	vld [tilespmem:s22+$0x180]  }
0x80: {  	v14 =	vld [tilespmem:s23+$0x0];
	v13 =	vmul.f32 v24, v31;
	v11 =	vsub.f32 v16, v11;
	v16 =	vmul.f32 v12, v31  }
0x81: {  	v53 =	vimm.f32 $0.0e+00;
	v56 =	vmul.f32 v15, v31;
	v17 =	vmul.f32 v59, v31  }
0x82: {  	v22 =	vld [tilespmem:s22+$0x300];
	v58 =	vmul.f32 v25, v31;
	v28 =	vadd.f32 v13, v4;
	v13 =	vmul.f32 v33, v31  }
0x83: {  	v34 =	vld [tilespmem:s22+$0x4280];
	v26 =	vadd.f32 v16, v4;
	v30 =	vadd.f32 v17, v4;
	v27 =	vmul.f32 v15, v11  }
0x84: {  	v54 =	vld [tilespmem:s22+$0x0];
	v60 =	vmul.f32 v52, v11;
	v17 =	vimm.f32 $0.0e+00;
	v15 =	vimm.f32 $0.0e+00  }
0x85: {  	v57 =	vld [tilespmem:s22+$0x4000];
	v16 =	vimm.f32 $0.0e+00;
	v32 =	vmul.f32 v14, v31;
	v61 =	vmul.f32 v14, v11  }
0x86: {  	s24 =	simm.s32 $0x0;
	v55 =	vld [tilespmem:s22+$0x4100];
	s25 =	simm.s32 $0x0;
	s23 =	simm.s32 $0x10;
	v14 =	vimm.f32 $0.0e+00;
	v29 =	vadd.f32 v13, v4;
	v13 =	vimm.f32 $0.0e+00  }
.LBB2_5:
0x87: {  	v59 =	vmul.f32 v59, v11  }
0x88: {  	v33 =	vmul.f32 v33, v11;
	s24 =	sadd.s32 $0x80, s24;
	v62 =	vmul.f32 v34, v11  }
0x89: {  	s26 =	rddreg [dreg:$0x7];
	s28 =	smov.u32 s23;
	v24 =	vmul.f32 v24, v11;
	v25 =	vmul.f32 v11, v25;
	s29 =	sand.u32 $0x3C00, s24  }
0x8a: {  	v52 =	vmul.f32 v52, v31;
	v48 =	vadd.f32 v61, v48;
	v43 =	vadd.f32 v60, v43;
	s28 =	sand.u32 $0x70, s28;
	s26 =	sadd.s32 s29, s26  }
0x8b: {  	v4 =	vmul.f32 v22, v31;
	v35 =	vadd.f32 v58, v35;
	v44 =	vadd.f32 v59, v44;
	v59 =	vld [tilespmem:s22+$0x4180];
	s26 =	sadd.s32 s28, s26  }
0x8c: {  	v39 =	vadd.f32 v56, v39;
	v16 =	vadd.f32 v27, v16;
	v60 =	vmul.f32 v57, v11;
	v5 =	vld [tilespmem:s26+$0x0]  }
0x8d: {  	v42 =	vadd.f32 v32, v42;
	v20 =	vadd.f32 v33, v20;
	v61 =	vmul.f32 v11, v54;
	v33 =	vld [tilespmem:s26+$0x80]  }
0x8e: {  	v58 =	vmul.f32 v12, v11;
	v36 =	vadd.f32 v62, v36;
	v38 =	vadd.f32 v60, v38;
	v60 =	vld [tilespmem:s22+$0x4200]  }
0x8f: {  	v23 =	vadd.f32 v24, v23;
	v63 =	vmul.f32 v55, v11;
	v37 =	vadd.f32 v61, v37;
	v61 =	vld [tilespmem:s22+$0x4080];
	s22 =	sor.u32 s28, s29  }
0x90: {  	v12 =	vmul.f32 v22, v11;
	v14 =	vadd.f32 v25, v14;
	v41 =	vadd.f32 v52, v41;
	v62 =	vld [tilespmem:s22+$0x300]  }
0x91: {  	v46 =	vadd.f32 v4, v46;
	v19 =	vadd.f32 v63, v19;
	v63 =	vld [tilespmem:s22+$0x4280]  }
0x92: {  	v13 =	vadd.f32 v12, v13;
	v55 =	vmul.f32 v55, v31;
	v6 =	vmul.f32 v31, v54;
	v24 =	vld [tilespmem:s22+$0x4300]  }
0x93: {  	v18 =	vadd.f32 v58, v18;
	v25 =	vmul.f32 v59, v31;
	v12 =	vld [tilespmem:s22+$0x4380];
	v56 =	vmul.f32 v60, v11  }
0x94: {  	v45 =	vadd.f32 v6, v45;
	v59 =	vmul.f32 v59, v11;
	v27 =	vld [tilespmem:s22+$0x100];
	v6 =	vmul.f32 $6.553700000e+04, v33  }
0x95: {  	s25 =	sadd.s32 $0x1, s25;
	v52 =	vld [tilespmem:s22+$0x180];
	v40 =	vadd.f32 v25, v40;
	v17 =	vadd.f32 v56, v17;
	v56 =	vmul.f32 $6.553700000e+04, v5  }
0x96: {  	s31 =	sand.u32 $0x7, s25;
	v25 =	vld [tilespmem:s22+$0x80];
	v4 =	vmul.f32 v61, v31;
	v22 =	vmovc v62;
	v62 =	vmul.f32 v57, v31;
	v57 =	vsub.f32 v6, v33  }
0x97: {  	s26 =	sshll.u32 s31, $0x4;
	v15 =	vadd.f32 v59, v15;
	v59 =	vld [tilespmem:s22+$0x200];
	v60 =	vmul.f32 v60, v31;
	v5 =	vsub.f32 v56, v5  }
0x98: {  	s26 =	sadd.s32 s26, s24;
	v33 =	vld [tilespmem:s22+$0x280];
	v47 =	vadd.f32 v4, v47;
	v4 =	vmul.f32 v61, v11;
	v11 =	vsub.f32 v6, v57  }
0x99: {  	s26 =	sor.u32 $0x380, s26;
	v50 =	vadd.f32 v62, v50;
	v62 =	vmul.f32 v34, v31;
	v31 =	vsub.f32 v56, v5  }
0x9a: {  	p0 =	sne.s32 s23, $0x7F0;
	v49 =	vadd.f32 v55, v49;
	v53 =	vadd.f32 v60, v53;
	v60 =	vmul.f32 v52, v11;
	v5 =	vld [tilespmem:s26+$0x0]  }
.Ltmp1:
0x9b: {  	v21 =	vadd.f32 v4, v21;
	v6 =	vmul.f32 v24, v31;
	v4 =	vmul.f32 v12, v31;
	(pc) =	sbr.rel @p0 .LBB2_5-.Ltmp1, $4  }
0x9c: {  	v34 =	vmovc v63;
	v51 =	vadd.f32 v62, v51;
	v56 =	vmul.f32 v27, v31;
	v63 =	vmul.f32 v59, v31  }
0x9d: {  	v54 =	vld [tilespmem:s22+$0x0];
	v58 =	vmul.f32 v25, v31;
	v28 =	vadd.f32 v6, v28;
	v6 =	vmul.f32 v33, v31  }
0x9e: {  	v55 =	vld [tilespmem:s22+$0x4100];
	v27 =	vmul.f32 v27, v11;
	v26 =	vadd.f32 v4, v26;
	v30 =	vadd.f32 v63, v30  }
0x9f: {  	s23 =	sadd.s32 $0x10, s23;
	v57 =	vld [tilespmem:s22+$0x4000];
	v32 =	vmul.f32 v5, v31;
	v61 =	vmul.f32 v5, v11;
	v29 =	vadd.f32 v6, v29  }
0xa0: {  	v5 =	vmul.f32 v59, v11;
	v43 =	vadd.f32 v60, v43;
	v52 =	vmul.f32 v52, v31  }
0xa1: {  	v35 =	vadd.f32 v58, v35;
	v33 =	vmul.f32 v33, v11;
	v24 =	vmul.f32 v24, v11  }
0xa2: {  	v39 =	vadd.f32 v56, v39;
	v25 =	vmul.f32 v11, v25;
	v12 =	vmul.f32 v12, v11  }
0xa3: {  	v4 =	vld [tilespmem:s22+$0x4180];
	v48 =	vadd.f32 v61, v48;
	v32 =	vadd.f32 v32, v42;
	v6 =	vmul.f32 v11, v54  }
0xa4: {  	v60 =	vld [tilespmem:s22+$0x4200];
	v44 =	vadd.f32 v5, v44;
	v5 =	vmul.f32 v34, v11;
	v61 =	vmul.f32 v31, v54  }
0xa5: {  	v54 =	vperm.xlane v35, v0;
	v23 =	vadd.f32 v24, v23;
	v20 =	vadd.f32 v33, v20  }
0xa6: {  	v14 =	vadd.f32 v25, v14;
	v12 =	vadd.f32 v12, v18;
	v62 =	vmul.f32 v55, v31  }
0xa7: {  	v59 =	vmul.f32 v57, v11;
	v6 =	vadd.f32 v6, v37;
	v36 =	vadd.f32 v5, v36  }
0xa8: {  	v45 =	vadd.f32 v61, v45;
	v63 =	vmul.f32 v57, v31;
	v5 =	vmul.f32 v4, v31  }
0xa9: {  	v49 =	vadd.f32 v62, v49;
	v62 =	vmul.f32 v60, v31;
	v33 =	vmul.f32 v60, v11  }
0xaa: {  	v35 =	vadd.f32 v54, v35;
	v4 =	vmul.f32 v4, v11;
	v60 =	vperm.xlane v48, v0  }
0xab: {  	v37 =	vadd.f32 v59, v38;
	v63 =	vadd.f32 v63, v50;
	v57 =	vperm.xlane v45, v0  }
0xac: {  	v59 =	vperm.xlane v30, v0;
	v5 =	vadd.f32 v5, v40;
	v40 =	vadd.f32 v52, v41  }
0xad: {  	v41 =	vmul.f32 v22, v31;
	v52 =	vmul.f32 v34, v31;
	v56 =	vadd.f32 v62, v53  }
0xae: {  	v38 =	vld [tilespmem:s22+$0x4080];
	v62 =	vperm.xlane v39, v0;
	v53 =	vperm.xlane v28, v0;
	v17 =	vadd.f32 v33, v17  }
0xaf: {  	v4 =	vadd.f32 v4, v15;
	v58 =	vperm.xlane v63, v0;
	v45 =	vadd.f32 v57, v45  }
0xb0: {  	v30 =	vadd.f32 v59, v30;
	v57 =	vperm.xlane v29, v0;
	v41 =	vadd.f32 v41, v46  }
0xb1: {  	v39 =	vadd.f32 v62, v39;
	v28 =	vadd.f32 v53, v28;
	v59 =	vperm.xlane v40, v0  }
0xb2: {  	v62 =	vperm.xlane v32, v0;
	v46 =	vperm.xlane v17, v0;
	v42 =	vadd.f32 v58, v63  }
0xb3: {  	v63 =	vperm.xlane v49, v0;
	v29 =	vadd.f32 v57, v29;
	v61 =	vmul.f32 v38, v31  }
0xb4: {  	v31 =	vadd.f32 v52, v51;
	v52 =	vperm.xlane v41, v0;
	v40 =	vadd.f32 v59, v40  }
0xb5: {  	v32 =	vadd.f32 v62, v32;
	v17 =	vadd.f32 v46, v17;
	v42 =	vsel vm2, v45, v42  }
0xb6: {  	v51 =	vadd.f32 v63, v49;
	v63 =	vperm.xlane v26, v0;
	v45 =	vperm.xlane v44, v0  }
0xb7: {  	v34 =	vadd.f32 v61, v47;
	v61 =	vperm.xlane v56, v0;
	v41 =	vadd.f32 v52, v41  }
0xb8: {  	v58 =	vperm.xlane v31, v0;
	v49 =	vperm.xlane v42, v1;
	v39 =	vsel vm2, v39, v51  }
0xb9: {  	v26 =	vadd.f32 v63, v26;
	v63 =	vmul.f32 v55, v11;
	v47 =	vadd.f32 v61, v56  }
0xba: {  	v56 =	vperm.xlane v34, v0;
	v61 =	vperm.xlane v5, v0;
	v31 =	vadd.f32 v58, v31  }
0xbb: {  	v28 =	vsel vm2, v41, v28;
	v51 =	vperm.xlane v39, v1;
	v41 =	vperm.xlane v6, v0  }
0xbc: {  	v26 =	vsel vm2, v32, v26;
	v52 =	vperm.xlane v28, v1;
	v19 =	vadd.f32 v63, v19  }
0xbd: {  	v63 =	vadd.f32 v60, v48;
	v30 =	vsel vm2, v30, v47;
	v34 =	vadd.f32 v56, v34  }
0xbe: {  	v5 =	vadd.f32 v61, v5;
	v29 =	vsel vm2, v29, v31;
	v31 =	vadd.f32 v49, v42  }
0xbf: {  	v32 =	vadd.f32 v51, v39;
	v57 =	vperm.xlane v26, v1;
	v42 =	vperm.xlane v37, v0  }
0xc0: {  	v6 =	vadd.f32 v41, v6;
	v50 =	vperm.xlane v30, v1;
	v54 =	vperm.xlane v29, v1  }
0xc1: {  	v28 =	vadd.f32 v52, v28;
	v49 =	vperm.xlane v19, v0;
	v52 =	vperm.xlane v23, v0  }
0xc2: {  	v5 =	vsel vm2, v40, v5;
	v26 =	vadd.f32 v57, v26;
	v40 =	vadd.f32 v27, v16  }
0xc3: {  	v34 =	vsel vm2, v35, v34;
	v18 =	vadd.f32 v42, v37;
	v16 =	vadd.f32 v45, v44  }
0xc4: {  	v57 =	vperm.xlane v36, v0;
	v30 =	vadd.f32 v50, v30;
	v53 =	vperm.xlane v34, v1  }
0xc5: {  	v56 =	vperm.xlane v5, v1;
	v29 =	vadd.f32 v54, v29;
	v28 =	vsel vm0, v32, v28  }
0xc6: {  	v32 =	vmul.f32 v22, v11;
	v11 =	vmul.f32 v38, v11;
	v50 =	vadd.f32 v49, v19  }
0xc7: {  	v55 =	vadd.f32 v52, v23;
	v59 =	vperm.xlane v28, v2;
	v47 =	vperm.xlane v40, v0  }
0xc8: {  	v6 =	vsel vm2, v6, v18;
	v16 =	vsel vm2, v16, v17;
	v18 =	vadd.f32 v57, v36  }
0xc9: {  	v34 =	vadd.f32 v53, v34;
	v5 =	vadd.f32 v56, v5;
	v30 =	vsel vm0, v31, v30  }
0xca: {  	v13 =	vadd.f32 v32, v13;
	v11 =	vadd.f32 v11, v21;
	v53 =	vperm.xlane v14, v0  }
0xcb: {  	v56 =	vperm.xlane v20, v0;
	v58 =	vperm.xlane v30, v2;
	v28 =	vadd.f32 v59, v28  }
0xcc: {  	v15 =	vadd.f32 v47, v40;
	v59 =	vperm.xlane v4, v0;
	v29 =	vsel vm0, v34, v29  }
0xcd: {  	v5 =	vsel vm0, v5, v26;
	v51 =	vperm.xlane v13, v0;
	v54 =	vperm.xlane v11, v0  }
0xce: {  	v14 =	vadd.f32 v53, v14;
	v19 =	vadd.f32 v56, v20;
	v61 =	vperm.xlane v29, v2  }
0xcf: {  	v62 =	vperm.xlane v5, v2;
	v26 =	vadd.f32 v58, v30;
	v15 =	vsel vm2, v15, v50  }
0xd0: {  	v58 =	vperm.xlane v43, v0;
	v4 =	vadd.f32 v59, v4;
	v13 =	vadd.f32 v51, v13  }
0xd1: {  	v11 =	vadd.f32 v54, v11;
	v18 =	vsel vm2, v19, v18;
	v27 =	vperm.xlane v15, v1  }
0xd2: {  	v24 =	vadd.f32 v61, v29;
	v5 =	vadd.f32 v62, v5;
	v26 =	vsel vm1, v26, v28  }
0xd3: {  	v61 =	vperm.xlane v12, v0;
	v62 =	vadd.f32 v58, v43;
	v30 =	vperm.xlane v18, v1  }
0xd4: {  	v34 =	vperm.xlane v26, v3;
	v13 =	vsel vm2, v13, v55;
	v11 =	vsel vm2, v14, v11  }
0xd5: {  	v14 =	vadd.f32 v27, v15;
	v5 =	vsel vm1, v24, v5;
	v12 =	vadd.f32 v61, v12  }
0xd6: {  	v24 =	vperm.xlane v6, v1;
	v4 =	vsel vm2, v62, v4;
	v28 =	vperm.xlane v13, v1  }
0xd7: {  	v25 =	vld [tilespmem:$0x1FFF0];
	v29 =	vperm.xlane v11, v1;
	v33 =	vadd.f32 v30, v18;
	v35 =	vperm.xlane v5, v3  }
0xd8: {  	v39 =	vadd.f32 v34, v26;
	v26 =	vperm.xlane v16, v1;
	v31 =	vperm.xlane v4, v1  }
0xd9: {  	v12 =	vsel vm2, v63, v12;
	v6 =	vadd.f32 v24, v6;
	v5 =	vadd.f32 v35, v5  }
0xda: {  	v13 =	vadd.f32 v28, v13;
	v11 =	vadd.f32 v29, v11;
	v32 =	vperm.xlane v12, v1  }
0xdb: {  	v16 =	vadd.f32 v26, v16;
	v4 =	vadd.f32 v31, v4;
	v5 =	vsel vm3, v39, v5  }
0xdc: {  	v13 =	vsel vm0, v14, v13;
	v12 =	vadd.f32 v32, v12;
	v5 =	vadd.f32 v5, v25  }
0xdd: {  	v11 =	vsel vm0, v11, v33;
	v6 =	vsel vm0, v6, v16;
	v14 =	vperm.xlane v13, v2  }
0xde: {  	v35 =	vperm.xlane v6, v2;
	v4 =	vsel vm0, v4, v12;
	v34 =	vperm.xlane v5, v0  }
0xdf: {  	v37 =	vperm.xlane v11, v2;
	v38 =	vperm.xlane v4, v2  }
0xe0: {  	v39 =	vadd.f32 v14, v13;
	v6 =	vadd.f32 v35, v6;
	v36 =	vmax.f32 v5, v34  }
0xe1: {  	v11 =	vadd.f32 v37, v11;
	v4 =	vadd.f32 v38, v4;
	v18 =	vperm.xlane v36, v1  }
0xe2: {  	v6 =	vsel vm1, v6, v39  }
0xe3: {  	v4 =	vsel vm1, v11, v4;
	v11 =	vperm.xlane v6, v3;
	v40 =	vmax.f32 v36, v18  }
0xe4: {  	v42 =	vperm.xlane v4, v3;
	v41 =	vperm.xlane v40, v2;
	_ =	sdelay $0x1  }
0xe5: {  	v6 =	vadd.f32 v11, v6;
	v4 =	vadd.f32 v42, v4;
	v13 =	vmax.f32 v40, v41  }
0xe6: {  	v11 =	vperm.xlane v13, v3  }
0xe7: {  	v4 =	vsel vm3, v6, v4  }
0xe8: {  	v4 =	vadd.f32 v4, v25;
	v6 =	vmax.f32 v13, v11  }
0xe9: {  	v43 =	vlaneseq.u32;
	vm4 =	veq.f32 v5, v6  }
0xea: {  	v44 =	vperm.xlane v4, v0;
	v11 =	vnsel vm4, $0x10, v43  }
0xeb: {  	v45 =	vperm.xlane v11, v0  }
0xec: {  	v12 =	vmax.f32 v4, v44  }
0xed: {  	v46 =	vperm.xlane v12, v1;
	vm4 =	vlt.s32 v11, v45  }
0xee: {  	v11 =	vsel vm4, v11, v45  }
0xef: {  	v12 =	vmax.f32 v12, v46;
	v13 =	vperm.xlane v11, v1  }
0xf0: {  	v14 =	vperm.xlane v12, v2  }
0xf1: {  	vm4 =	vlt.s32 v11, v13  }
0xf2: {  	v12 =	vmax.f32 v12, v14;
	v11 =	vsel vm4, v11, v13  }
0xf3: {  	v14 =	vperm.xlane v12, v3;
	v13 =	vperm.xlane v11, v2;
	_ =	sdelay $0x1  }
0xf4: {  	v12 =	vmax.f32 v12, v14;
	vm4 =	vlt.s32 v11, v13  }
0xf5: {  	v11 =	vsel vm4, v11, v13;
	vm4 =	veq.f32 v4, v12  }
0xf6: {  	v13 =	vperm.xlane v11, v3;
	v47 =	vnsel vm4, $0x10, v43  }
0xf7: {  	v48 =	vperm.xlane v47, v0  }
0xf8: {  	vm4 =	vlt.s32 v11, v13  }
0xf9: {  	v11 =	vsel vm4, v11, v13;
	vm4 =	vlt.s32 v47, v48  }
0xfa: {  	vm5 =	veq.s32 v11, v43;
	v49 =	vsel vm4, v47, v48  }
0xfb: {  	v5 =	vsel vm5, $0xFF800000, v5;
	v14 =	vperm.xlane v49, v1  }
0xfc: {  	v50 =	vperm.xlane v5, v0  }
0xfd: {  	vm4 =	vlt.s32 v49, v14  }
0xfe: {  	v15 =	vmax.f32 v5, v50;
	v13 =	vsel vm4, v49, v14  }
0xff: {  	v51 =	vperm.xlane v15, v1;
	v52 =	vperm.xlane v13, v2;
	_ =	sdelay $0x1  }
0x100: {  	v14 =	vmax.f32 v15, v51;
	vm4 =	vlt.s32 v13, v52  }
0x101: {  	v15 =	vperm.xlane v14, v2;
	v13 =	vsel vm4, v13, v52  }
0x102: {  	v16 =	vperm.xlane v13, v3  }
0x103: {  	v14 =	vmax.f32 v14, v15  }
0x104: {  	v15 =	vperm.xlane v14, v3;
	vm4 =	vlt.s32 v13, v16  }
0x105: {  	v13 =	vsel vm4, v13, v16  }
0x106: {  	v14 =	vmax.f32 v14, v15;
	vm4 =	veq.s32 v13, v43  }
0x107: {  	v6 =	vsub.f32 v14, v6;
	v4 =	vsel vm4, $0xFF800000, v4  }
0x108: {  	v53 =	vperm.xlane v4, v0  }
0x109: {  	v6 =	vmul.f32 $1.442695020e+00, v6  }
0x10a: {  	v15 =	vmax.f32 v4, v53  }
0x10b: {  	(erf) = vpow2.f32 v6;
	v6 =	vperm.xlane v15, v1;
	_ =	sdelay $0x1  }
0x10c: {  	v6 =	vmax.f32 v15, v6  }
0x10d: {  	v15 =	vperm.xlane v6, v2;
	_ =	sdelay $0x1  }
0x10e: {  	v6 =	vmax.f32 v6, v15  }
0x10f: {  	v15 =	vperm.xlane v6, v3;
	_ =	sdelay $0x1  }
0x110: {  	v6 =	vmax.f32 v6, v15  }
0x111: {  	v54 =	vpop (erf);
	v12 =	vsub.f32 v6, v12  }
0x112: {  	v55 =	vadd.f32 $1.000000000e+00, v54  }
0x113: {  	v12 =	vmul.f32 $1.442695020e+00, v12  }
0x114: {  	(erf) = vrcp.f32 v55  }
0x115: {  	(erf) = vpow2.f32 v12  }
0x116: {  	vm4 =	veq.f32 v5, v14  }
0x117: {  	v5 =	vnsel vm4, $0x10, v43  }
0x118: {  	v56 =	vperm.xlane v5, v0;
	_ =	sdelay $0x1  }
0x119: {  	vm4 =	vlt.s32 v5, v56  }
0x11a: {  	v5 =	vsel vm4, v5, v56;
	vm4 =	veq.f32 v4, v6  }
0x11b: {  	v4 =	vperm.xlane v5, v1;
	v6 =	vnsel vm4, $0x10, v43  }
0x11c: {  	v58 =	vperm.xlane v6, v0;
	v57 =	vpop (erf)  }
0x11d: {  	vm4 =	vlt.s32 v5, v4;
	v59 =	vpop (erf)  }
0x11e: {  	v4 =	vsel vm4, v5, v4;
	vm4 =	vlt.s32 v6, v58;
	v5 =	vadd.f32 $1.000000000e+00, v59  }
0x11f: {  	v6 =	vsel vm4, v6, v58  }
0x120: {  	v14 =	vperm.xlane v6, v1;
	(erf) = vrcp.f32 v5  }
0x121: {  	v60 =	vperm.xlane v4, v2  }
0x122: {  	vm5 =	vlt.s32 v6, v14  }
0x123: {  	vm4 =	vlt.s32 v4, v60;
	v5 =	vsel vm5, v6, v14  }
0x124: {  	s30 =	sshll.u32 s21, $0x1;
	v4 =	vsel vm4, v4, v60;
	v14 =	vperm.xlane v5, v2  }
0x125: {  	v61 =	vmov s30;
	v6 =	vperm.xlane v4, v3  }
0x126: {  	s31 =	sshllo.u32 s21, $0x1;
	s21 =	sadd.s32 $0x1, s21;
	vm6 =	veq.s32 v61, v43;
	vm5 =	vlt.s32 v5, v14  }
0x127: {  	p0 =	sne.s32 s21, $0x8;
	v15 =	vmul.f32 v57, v54;
	vm4 =	vlt.s32 v4, v6;
	v5 =	vsel vm5, v5, v14  }
.Ltmp2:
0x128: {  	v4 =	vsel vm4, v4, v6;
	v6 =	vsel vm6, v57, v10;
	v10 =	vperm.xlane v5, v3;
	(pc) =	sbr.rel @p0 .LBB2_4-.Ltmp2, $4  }
0x129: {  	v62 =	vmov s31;
	v8 =	vsel vm6, v11, v8;
	v9 =	vsel vm6, v15, v9;
	v11 =	vpop (erf)  }
0x12a: {  	vm5 =	veq.s32 v62, v43;
	vm4 =	vlt.s32 v5, v10;
	v63 =	vmul.f32 v11, v59  }
0x12b: {  	v4 =	vsel vm6, v4, v7;
	v8 =	vsel vm5, v13, v8;
	v5 =	vsel vm4, v5, v10  }
0x12c: {  	v7 =	vsel vm5, v5, v4;
	v10 =	vsel vm5, v11, v6;
	v9 =	vsel vm5, v63, v9  }
0x12d: {  	[tilespmem:$0x10000] =	vst v10  }
0x12e: {  	[tilespmem:$0x10080] =	vst v9  }
0x12f: {  	[tilespmem:$0x10100] =	vst v8  }
0x130: {  	[tilespmem:$0x10180] =	vst v7;
	s20 =	simm.s32 $0x0  }
0x131: {  	[tilespmem:s14], [sflag:$0x1] =	stream.linear.gather [hbm4b:s6+s20], $0x8000, $0x38;
	[tilespmem:$0x10280] =	vst v63  }
0x132: {  	_ =	swait.ge [sflag:s12], $0x8000  }
0x133: {  	v6 =	vimm.f32 $0.0e+00;
	v7 =	vimm.s32 $0x0;
	[sflag:s12] =	ssyncset.done $0x0  }
0x134: {  	v8 =	vimm.s32 $0x0;
	v9 =	vimm.f32 $0.0e+00;
	v10 =	vimm.f32 $0.0e+00;
	s21 =	simm.s32 $0x0;
	[sflag:s12] =	ssyncadd.s32 $0xFFFF8000  }
.LBB2_8:
0x135: {  	s22 =	sshll.u32 s21, $0xC;
	s23 =	sshll.u32 s21, $0x8  }
0x136: {  	s22 =	sand.u32 $0x4000, s22;
	s23 =	sand.u32 $0x300, s23  }
0x137: {  	s22 =	sor.u32 s23, s22  }
0x138: {  	s22 =	sor.u32 $0x8000, s22  }
0x139: {  	[dreg:$0x8] =	wrdreg s22  }
0x13a: {  	s30 =	sand.u32 $0x3C00, s20;
	s22 =	rddreg [dreg:$0x8]  }
0x13b: {  	s24 =	sand.u32 $0x70, s20;
	s22 =	sadd.s32 s30, s22  }
0x13c: {  	s25 =	sadd.s32 s24, s22  }
0x13d: {  	v4 =	vld [tilespmem:s25+$0x0];
	_ =	sdelay $0x1  }
0x13e: {  	v48 =	vimm.f32 $0.0e+00;
	v43 =	vimm.f32 $0.0e+00;
	v44 =	vimm.f32 $0.0e+00  }
0x13f: {  	v37 =	vimm.f32 $0.0e+00;
	v38 =	vimm.f32 $0.0e+00;
	v36 =	vimm.f32 $0.0e+00;
	s22 =	sor.u32 s24, s30;
	v5 =	vld [tilespmem:s25+$0x80]  }
0x140: {  	v23 =	vimm.f32 $0.0e+00;
	v35 =	vimm.f32 $0.0e+00;
	v20 =	vimm.f32 $0.0e+00;
	v24 =	vld [tilespmem:s22+$0x4300]  }
0x141: {  	v19 =	vimm.f32 $0.0e+00;
	v39 =	vimm.f32 $0.0e+00;
	v12 =	vld [tilespmem:s22+$0x4380];
	v11 =	vmul.f32 $6.553700000e+04, v4  }
0x142: {  	v40 =	vimm.f32 $0.0e+00;
	v41 =	vimm.f32 $0.0e+00;
	v17 =	vimm.f32 $0.0e+00;
	v25 =	vld [tilespmem:s22+$0x80]  }
0x143: {  	s31 =	sand.u32 $0x7, s20;
	v45 =	vimm.f32 $0.0e+00;
	v16 =	vimm.f32 $0.0e+00;
	v13 =	vld [tilespmem:s22+$0x100];
	v4 =	vsub.f32 v11, v4  }
0x144: {  	v49 =	vimm.f32 $0.0e+00;
	v18 =	vimm.f32 $0.0e+00;
	s23 =	sshll.u32 s31, $0x4;
	v59 =	vld [tilespmem:s22+$0x200];
	v14 =	vmul.f32 $6.553700000e+04, v5  }
0x145: {  	v46 =	vimm.f32 $0.0e+00;
	v50 =	vimm.f32 $0.0e+00;
	s23 =	sadd.s32 $0x0, s23;
	v52 =	vld [tilespmem:s22+$0x180];
	v31 =	vsub.f32 v11, v4  }
0x146: {  	v47 =	vimm.f32 $0.0e+00;
	v42 =	vimm.f32 $0.0e+00;
	s23 =	sor.u32 $0x380, s23;
	v33 =	vld [tilespmem:s22+$0x280];
	v5 =	vsub.f32 v14, v5  }
0x147: {  	v51 =	vimm.f32 $0.0e+00;
	v21 =	vimm.f32 $0.0e+00;
	v4 =	vld [tilespmem:s23+$0x0];
	v15 =	vmul.f32 v24, v31  }
0x148: {  	v11 =	vsub.f32 v14, v5;
	v5 =	vmul.f32 v12, v31;
	v56 =	vmul.f32 v13, v31  }
0x149: {  	v53 =	vimm.f32 $0.0e+00;
	v22 =	vld [tilespmem:s22+$0x300];
	v14 =	vmul.f32 v59, v31;
	v58 =	vmul.f32 v25, v31  }
0x14a: {  	v34 =	vld [tilespmem:s22+$0x4280];
	v27 =	vmul.f32 v13, v11;
	v60 =	vmul.f32 v52, v11;
	v13 =	vimm.f32 $0.0e+00  }
0x14b: {  	v54 =	vld [tilespmem:s22+$0x0];
	v28 =	vadd.f32 v15, v6;
	v15 =	vmul.f32 v33, v31;
	v26 =	vadd.f32 v5, v6  }
0x14c: {  	v57 =	vld [tilespmem:s22+$0x4000];
	v30 =	vadd.f32 v14, v6;
	v14 =	vimm.f32 $0.0e+00;
	v32 =	vmul.f32 v4, v31  }
0x14d: {  	s24 =	simm.s32 $0x0;
	v55 =	vld [tilespmem:s22+$0x4100];
	s25 =	simm.s32 $0x0;
	s23 =	simm.s32 $0x10;
	v61 =	vmul.f32 v4, v11;
	v29 =	vadd.f32 v15, v6;
	v15 =	vimm.f32 $0.0e+00  }
.LBB2_9:
0x14e: {  	v4 =	vmul.f32 v59, v11;
	v5 =	vmul.f32 v33, v11  }
0x14f: {  	s24 =	sadd.s32 $0x80, s24;
	v24 =	vmul.f32 v24, v11;
	v25 =	vmul.f32 v11, v25;
	v48 =	vadd.f32 v61, v48  }
0x150: {  	s26 =	rddreg [dreg:$0x8];
	s28 =	smov.u32 s23;
	v43 =	vadd.f32 v60, v43;
	s29 =	sand.u32 $0x3C00, s24;
	v60 =	vmul.f32 v34, v11;
	v35 =	vadd.f32 v58, v35  }
0x151: {  	s28 =	sand.u32 $0x70, s28;
	v61 =	vld [tilespmem:s22+$0x4080];
	v58 =	vmul.f32 v12, v11;
	v39 =	vadd.f32 v56, v39;
	v16 =	vadd.f32 v27, v16;
	s26 =	sadd.s32 s29, s26  }
0x152: {  	v44 =	vadd.f32 v4, v44;
	v4 =	vld [tilespmem:s22+$0x4180];
	s26 =	sadd.s32 s28, s26;
	v33 =	vmul.f32 v11, v54;
	v59 =	vmul.f32 v57, v11  }
0x153: {  	v23 =	vadd.f32 v24, v23;
	v20 =	vadd.f32 v5, v20;
	v5 =	vmul.f32 v22, v11;
	v62 =	vld [tilespmem:s26+$0x0]  }
0x154: {  	v37 =	vadd.f32 v33, v37;
	v38 =	vadd.f32 v59, v38;
	v33 =	vld [tilespmem:s22+$0x4200];
	s22 =	sor.u32 s28, s29;
	v59 =	vmul.f32 v55, v11  }
0x155: {  	v14 =	vadd.f32 v25, v14;
	v25 =	vmul.f32 v52, v31;
	v36 =	vadd.f32 v60, v36;
	v60 =	vld [tilespmem:s22+$0x300]  }
0x156: {  	v13 =	vadd.f32 v5, v13;
	v5 =	vmul.f32 v22, v31;
	v19 =	vadd.f32 v59, v19;
	v59 =	vld [tilespmem:s26+$0x80]  }
0x157: {  	v56 =	vmul.f32 v31, v54;
	v41 =	vadd.f32 v25, v41;
	v55 =	vmul.f32 v55, v31;
	v63 =	vld [tilespmem:s22+$0x4280]  }
0x158: {  	v46 =	vadd.f32 v5, v46;
	v5 =	vmul.f32 v61, v31;
	v12 =	vmul.f32 v4, v31;
	v24 =	vld [tilespmem:s22+$0x4300]  }
0x159: {  	v45 =	vadd.f32 v56, v45;
	v4 =	vmul.f32 v4, v11;
	v25 =	vld [tilespmem:s22+$0x80];
	v49 =	vadd.f32 v55, v49  }
0x15a: {  	s25 =	sadd.s32 $0x1, s25;
	v55 =	vld [tilespmem:s22+$0x100];
	v47 =	vadd.f32 v5, v47;
	v40 =	vadd.f32 v12, v40;
	v22 =	vmovc v60;
	v60 =	vmul.f32 $6.553700000e+04, v62  }
0x15b: {  	s31 =	sand.u32 $0x7, s25;
	v12 =	vld [tilespmem:s22+$0x4380];
	v15 =	vadd.f32 v4, v15;
	v52 =	vmul.f32 v33, v11;
	v4 =	vmul.f32 $6.553700000e+04, v59  }
0x15c: {  	s26 =	sshll.u32 s31, $0x4;
	v56 =	vmul.f32 v33, v31;
	v33 =	vld [tilespmem:s22+$0x280];
	v27 =	vsub.f32 v60, v62;
	v62 =	vmul.f32 v57, v31  }
0x15d: {  	v5 =	vmul.f32 v61, v11;
	s26 =	sadd.s32 s26, s24;
	v17 =	vadd.f32 v52, v17;
	v52 =	vld [tilespmem:s22+$0x180];
	v57 =	vsub.f32 v4, v59  }
0x15e: {  	s26 =	sor.u32 $0x380, s26;
	v59 =	vld [tilespmem:s22+$0x200];
	v50 =	vadd.f32 v62, v50;
	v62 =	vmul.f32 v34, v31;
	v31 =	vsub.f32 v60, v27  }
0x15f: {  	v42 =	vadd.f32 v32, v42;
	v18 =	vadd.f32 v58, v18;
	v27 =	vld [tilespmem:s26+$0x0]  }
0x160: {  	p0 =	sne.s32 s23, $0x7F0;
	v21 =	vadd.f32 v5, v21;
	v11 =	vsub.f32 v4, v57;
	v4 =	vmul.f32 v24, v31  }
.Ltmp3:
0x161: {  	v53 =	vadd.f32 v56, v53;
	v5 =	vmul.f32 v12, v31;
	v56 =	vmul.f32 v55, v31;
	(pc) =	sbr.rel @p0 .LBB2_9-.Ltmp3, $4  }
0x162: {  	v51 =	vadd.f32 v62, v51;
	v58 =	vmul.f32 v25, v31;
	v60 =	vmul.f32 v52, v11  }
0x163: {  	v54 =	vld [tilespmem:s22+$0x0];
	v34 =	vmovc v63;
	v63 =	vmul.f32 v59, v31;
	v28 =	vadd.f32 v4, v28;
	v4 =	vmul.f32 v33, v31  }
0x164: {  	v57 =	vld [tilespmem:s22+$0x4000];
	v26 =	vadd.f32 v5, v26;
	v32 =	vmul.f32 v27, v31;
	v61 =	vmul.f32 v27, v11  }
0x165: {  	s23 =	sadd.s32 $0x10, s23;
	v27 =	vmul.f32 v55, v11;
	v55 =	vld [tilespmem:s22+$0x4100];
	v30 =	vadd.f32 v63, v30;
	v29 =	vadd.f32 v4, v29  }
0x166: {  	v5 =	vmul.f32 v59, v11;
	v48 =	vadd.f32 v61, v48;
	v43 =	vadd.f32 v60, v43  }
0x167: {  	v52 =	vmul.f32 v52, v31;
	v35 =	vadd.f32 v58, v35;
	v33 =	vmul.f32 v33, v11  }
0x168: {  	v39 =	vadd.f32 v56, v39;
	v24 =	vmul.f32 v24, v11;
	v25 =	vmul.f32 v11, v25  }
0x169: {  	v32 =	vadd.f32 v32, v42;
	v12 =	vmul.f32 v12, v11;
	v56 =	vperm.xlane v30, v0  }
0x16a: {  	v59 =	vmul.f32 v11, v54;
	v44 =	vadd.f32 v5, v44;
	v5 =	vmul.f32 v34, v11  }
0x16b: {  	v4 =	vld [tilespmem:s22+$0x4180];
	v62 =	vmul.f32 v31, v54;
	v23 =	vadd.f32 v24, v23;
	v20 =	vadd.f32 v33, v20  }
0x16c: {  	v58 =	vperm.xlane v39, v0;
	v14 =	vadd.f32 v25, v14;
	v12 =	vadd.f32 v12, v18  }
0x16d: {  	v60 =	vld [tilespmem:s22+$0x4200];
	v61 =	vmul.f32 v57, v11;
	v30 =	vadd.f32 v56, v30;
	v56 =	vperm.xlane v29, v0  }
0x16e: {  	v37 =	vadd.f32 v59, v37;
	v36 =	vadd.f32 v5, v36;
	v63 =	vmul.f32 v55, v31  }
0x16f: {  	v45 =	vadd.f32 v62, v45;
	v62 =	vmul.f32 v57, v31;
	v39 =	vadd.f32 v58, v39  }
0x170: {  	v59 =	vld [tilespmem:s22+$0x4080];
	v38 =	vadd.f32 v61, v38;
	v5 =	vmul.f32 v4, v31;
	v61 =	vmul.f32 v22, v31  }
0x171: {  	v29 =	vadd.f32 v56, v29;
	v4 =	vmul.f32 v4, v11;
	v49 =	vadd.f32 v63, v49  }
0x172: {  	v63 =	vmul.f32 v60, v31;
	v5 =	vadd.f32 v5, v40;
	v40 =	vadd.f32 v52, v41  }
0x173: {  	v41 =	vadd.f32 v61, v46;
	v61 =	vadd.f32 v62, v50;
	v62 =	vmul.f32 v34, v31  }
0x174: {  	v52 =	vperm.xlane v28, v0;
	v4 =	vadd.f32 v4, v15;
	v63 =	vadd.f32 v63, v53  }
0x175: {  	v53 =	vperm.xlane v45, v0;
	v54 =	vmul.f32 v59, v31;
	v31 =	vadd.f32 v62, v51  }
0x176: {  	v28 =	vadd.f32 v52, v28;
	v58 =	vperm.xlane v40, v0;
	v57 =	vperm.xlane v63, v0  }
0x177: {  	v45 =	vadd.f32 v53, v45;
	v53 =	vperm.xlane v35, v0;
	v34 =	vadd.f32 v54, v47  }
0x178: {  	v54 =	vperm.xlane v61, v0;
	v40 =	vadd.f32 v58, v40;
	v47 =	vadd.f32 v57, v63  }
0x179: {  	v63 =	vperm.xlane v41, v0;
	v35 =	vadd.f32 v53, v35;
	v57 =	vperm.xlane v31, v0  }
0x17a: {  	v42 =	vadd.f32 v54, v61;
	v61 =	vperm.xlane v49, v0;
	v54 =	vperm.xlane v34, v0  }
0x17b: {  	v30 =	vsel vm2, v30, v47;
	v41 =	vadd.f32 v63, v41;
	v31 =	vadd.f32 v57, v31  }
0x17c: {  	v63 =	vperm.xlane v26, v0;
	v42 =	vsel vm2, v45, v42;
	v62 =	vadd.f32 v61, v49  }
0x17d: {  	v34 =	vadd.f32 v54, v34;
	v61 =	vperm.xlane v5, v0;
	v46 =	vperm.xlane v30, v1  }
0x17e: {  	v28 =	vsel vm2, v41, v28;
	v26 =	vadd.f32 v63, v26;
	v45 =	vperm.xlane v42, v1  }
0x17f: {  	v29 =	vsel vm2, v29, v31;
	v63 =	vmul.f32 v60, v11;
	v41 =	vperm.xlane v44, v0  }
0x180: {  	v39 =	vsel vm2, v39, v62;
	v62 =	vperm.xlane v32, v0;
	v5 =	vadd.f32 v61, v5  }
0x181: {  	v34 =	vsel vm2, v35, v34;
	v30 =	vadd.f32 v46, v30;
	v49 =	vperm.xlane v28, v1  }
0x182: {  	v51 =	vperm.xlane v29, v1;
	v61 =	vmul.f32 v55, v11;
	v35 =	vadd.f32 v27, v16  }
0x183: {  	v55 =	vperm.xlane v36, v0;
	v47 =	vperm.xlane v39, v1;
	v31 =	vadd.f32 v45, v42  }
0x184: {  	v50 =	vperm.xlane v34, v1;
	v17 =	vadd.f32 v63, v17;
	v32 =	vadd.f32 v62, v32  }
0x185: {  	v5 =	vsel vm2, v40, v5;
	v28 =	vadd.f32 v49, v28;
	v62 =	vmul.f32 v22, v11  }
0x186: {  	v29 =	vadd.f32 v51, v29;
	v11 =	vmul.f32 v59, v11;
	v40 =	vperm.xlane v38, v0  }
0x187: {  	v19 =	vadd.f32 v61, v19;
	v45 =	vperm.xlane v35, v0;
	v51 =	vperm.xlane v14, v0  }
0x188: {  	v59 =	vperm.xlane v12, v0;
	v52 =	vperm.xlane v5, v1;
	v34 =	vadd.f32 v50, v34  }
0x189: {  	v30 =	vsel vm0, v31, v30;
	v42 =	vperm.xlane v17, v0;
	v50 =	vperm.xlane v23, v0  }
0x18a: {  	v26 =	vsel vm2, v32, v26;
	v32 =	vadd.f32 v47, v39;
	v13 =	vadd.f32 v62, v13  }
0x18b: {  	v54 =	vperm.xlane v30, v2;
	v11 =	vadd.f32 v11, v21;
	v18 =	vadd.f32 v40, v38  }
0x18c: {  	v39 =	vperm.xlane v37, v0;
	v21 =	vadd.f32 v41, v44;
	v15 =	vadd.f32 v45, v35  }
0x18d: {  	v46 =	vperm.xlane v19, v0;
	v14 =	vadd.f32 v51, v14;
	v12 =	vadd.f32 v59, v12  }
0x18e: {  	v53 =	vperm.xlane v26, v1;
	v5 =	vadd.f32 v52, v5;
	v29 =	vsel vm0, v34, v29  }
0x18f: {  	v17 =	vadd.f32 v42, v17;
	v28 =	vsel vm0, v32, v28;
	v57 =	vperm.xlane v29, v2  }
0x190: {  	v16 =	vadd.f32 v39, v37;
	v47 =	vadd.f32 v46, v19;
	v49 =	vperm.xlane v13, v0  }
0x191: {  	v52 =	vperm.xlane v11, v0;
	v26 =	vadd.f32 v53, v26;
	v56 =	vperm.xlane v28, v2  }
0x192: {  	v17 =	vsel vm2, v21, v17;
	v53 =	vadd.f32 v50, v23;
	v24 =	vadd.f32 v57, v29  }
0x193: {  	v16 =	vsel vm2, v16, v18;
	v15 =	vsel vm2, v15, v47;
	v13 =	vadd.f32 v49, v13  }
0x194: {  	v11 =	vadd.f32 v52, v11;
	v57 =	vperm.xlane v4, v0;
	v18 =	vadd.f32 v55, v36  }
0x195: {  	v63 =	vperm.xlane v17, v1;
	v5 =	vsel vm0, v5, v26;
	v26 =	vadd.f32 v54, v30  }
0x196: {  	v28 =	vadd.f32 v56, v28;
	v54 =	vperm.xlane v20, v0;
	v56 =	vperm.xlane v43, v0  }
0x197: {  	v62 =	vperm.xlane v16, v1;
	v58 =	vperm.xlane v5, v2;
	v13 =	vsel vm2, v13, v53  }
0x198: {  	v4 =	vadd.f32 v57, v4;
	v11 =	vsel vm2, v14, v11;
	v17 =	vadd.f32 v63, v17  }
0x199: {  	v26 =	vsel vm1, v26, v28;
	v20 =	vadd.f32 v54, v20;
	v60 =	vadd.f32 v56, v43  }
0x19a: {  	v25 =	vperm.xlane v13, v1;
	v27 =	vperm.xlane v11, v1;
	v5 =	vadd.f32 v58, v5  }
0x19b: {  	v16 =	vadd.f32 v62, v16;
	v32 =	vperm.xlane v26, v3;
	v58 =	vperm.xlane v48, v0  }
0x19c: {  	v18 =	vsel vm2, v20, v18;
	v4 =	vsel vm2, v60, v4;
	v5 =	vsel vm1, v24, v5  }
0x19d: {  	v34 =	vadd.f32 v32, v26;
	v26 =	vld [tilespmem:$0x1FFF0];
	v61 =	vadd.f32 v58, v48;
	v33 =	vperm.xlane v5, v3  }
0x19e: {  	v13 =	vadd.f32 v25, v13;
	v24 =	vperm.xlane v15, v1;
	v28 =	vperm.xlane v18, v1  }
0x19f: {  	v29 =	vperm.xlane v4, v1;
	v12 =	vsel vm2, v61, v12;
	v5 =	vadd.f32 v33, v5  }
0x1a0: {  	v11 =	vadd.f32 v27, v11;
	v14 =	vadd.f32 v24, v15;
	v30 =	vperm.xlane v12, v1  }
0x1a1: {  	v31 =	vadd.f32 v28, v18;
	v4 =	vadd.f32 v29, v4;
	v5 =	vsel vm3, v34, v5  }
0x1a2: {  	v16 =	vsel vm0, v16, v17;
	v12 =	vadd.f32 v30, v12;
	v5 =	vadd.f32 v5, v26  }
0x1a3: {  	v33 =	vperm.xlane v16, v2;
	v13 =	vsel vm0, v14, v13;
	v11 =	vsel vm0, v11, v31  }
0x1a4: {  	v14 =	vperm.xlane v13, v2;
	v4 =	vsel vm0, v4, v12;
	v32 =	vperm.xlane v5, v0  }
0x1a5: {  	v35 =	vperm.xlane v11, v2;
	v36 =	vperm.xlane v4, v2  }
0x1a6: {  	v12 =	vadd.f32 v33, v16;
	v13 =	vadd.f32 v14, v13;
	v34 =	vmax.f32 v5, v32  }
0x1a7: {  	v11 =	vadd.f32 v35, v11;
	v4 =	vadd.f32 v36, v4;
	v37 =	vperm.xlane v34, v1  }
0x1a8: {  	v12 =	vsel vm1, v12, v13  }
0x1a9: {  	v4 =	vsel vm1, v11, v4;
	v11 =	vperm.xlane v12, v3;
	v38 =	vmax.f32 v34, v37  }
0x1aa: {  	v39 =	vperm.xlane v4, v3;
	v15 =	vperm.xlane v38, v2;
	_ =	sdelay $0x1  }
0x1ab: {  	v11 =	vadd.f32 v11, v12;
	v4 =	vadd.f32 v39, v4;
	v14 =	vmax.f32 v38, v15  }
0x1ac: {  	v40 =	vperm.xlane v14, v3  }
0x1ad: {  	v4 =	vsel vm3, v11, v4  }
0x1ae: {  	v4 =	vadd.f32 v4, v26;
	v11 =	vmax.f32 v14, v40  }
0x1af: {  	v41 =	vlaneseq.u32;
	vm4 =	veq.f32 v5, v11  }
0x1b0: {  	v43 =	vperm.xlane v4, v0;
	v42 =	vnsel vm4, $0x10, v41  }
0x1b1: {  	v44 =	vperm.xlane v42, v0  }
0x1b2: {  	v13 =	vmax.f32 v4, v43  }
0x1b3: {  	v45 =	vperm.xlane v13, v1;
	vm4 =	vlt.s32 v42, v44  }
0x1b4: {  	v12 =	vsel vm4, v42, v44  }
0x1b5: {  	v13 =	vmax.f32 v13, v45;
	v14 =	vperm.xlane v12, v1  }
0x1b6: {  	v15 =	vperm.xlane v13, v2  }
0x1b7: {  	vm4 =	vlt.s32 v12, v14  }
0x1b8: {  	v13 =	vmax.f32 v13, v15;
	v12 =	vsel vm4, v12, v14  }
0x1b9: {  	v15 =	vperm.xlane v13, v3;
	v14 =	vperm.xlane v12, v2;
	_ =	sdelay $0x1  }
0x1ba: {  	v13 =	vmax.f32 v13, v15;
	vm4 =	vlt.s32 v12, v14  }
0x1bb: {  	v12 =	vsel vm4, v12, v14;
	vm4 =	veq.f32 v4, v13  }
0x1bc: {  	v14 =	vperm.xlane v12, v3;
	v46 =	vnsel vm4, $0x10, v41  }
0x1bd: {  	v47 =	vperm.xlane v46, v0  }
0x1be: {  	vm4 =	vlt.s32 v12, v14  }
0x1bf: {  	v12 =	vsel vm4, v12, v14;
	vm4 =	vlt.s32 v46, v47  }
0x1c0: {  	vm5 =	veq.s32 v12, v41;
	v48 =	vsel vm4, v46, v47  }
0x1c1: {  	v5 =	vsel vm5, $0xFF800000, v5;
	v15 =	vperm.xlane v48, v1  }
0x1c2: {  	v49 =	vperm.xlane v5, v0  }
0x1c3: {  	vm4 =	vlt.s32 v48, v15  }
0x1c4: {  	v16 =	vmax.f32 v5, v49;
	v14 =	vsel vm4, v48, v15  }
0x1c5: {  	v50 =	vperm.xlane v16, v1;
	v51 =	vperm.xlane v14, v2;
	_ =	sdelay $0x1  }
0x1c6: {  	v15 =	vmax.f32 v16, v50;
	vm4 =	vlt.s32 v14, v51  }
0x1c7: {  	v16 =	vperm.xlane v15, v2;
	v14 =	vsel vm4, v14, v51  }
0x1c8: {  	v17 =	vperm.xlane v14, v3  }
0x1c9: {  	v15 =	vmax.f32 v15, v16  }
0x1ca: {  	v16 =	vperm.xlane v15, v3;
	vm4 =	vlt.s32 v14, v17  }
0x1cb: {  	v14 =	vsel vm4, v14, v17  }
0x1cc: {  	v15 =	vmax.f32 v15, v16;
	vm4 =	veq.s32 v14, v41  }
0x1cd: {  	v11 =	vsub.f32 v15, v11;
	v4 =	vsel vm4, $0xFF800000, v4  }
0x1ce: {  	v52 =	vperm.xlane v4, v0  }
0x1cf: {  	v11 =	vmul.f32 $1.442695020e+00, v11  }
0x1d0: {  	v16 =	vmax.f32 v4, v52  }
0x1d1: {  	(erf) = vpow2.f32 v11;
	v11 =	vperm.xlane v16, v1;
	_ =	sdelay $0x1  }
0x1d2: {  	v11 =	vmax.f32 v16, v11  }
0x1d3: {  	v16 =	vperm.xlane v11, v2;
	_ =	sdelay $0x1  }
0x1d4: {  	v11 =	vmax.f32 v11, v16  }
0x1d5: {  	v16 =	vperm.xlane v11, v3;
	_ =	sdelay $0x1  }
0x1d6: {  	v11 =	vmax.f32 v11, v16  }
0x1d7: {  	v53 =	vpop (erf);
	v13 =	vsub.f32 v11, v13  }
0x1d8: {  	v54 =	vadd.f32 $1.000000000e+00, v53  }
0x1d9: {  	v13 =	vmul.f32 $1.442695020e+00, v13  }
0x1da: {  	(erf) = vrcp.f32 v54  }
0x1db: {  	(erf) = vpow2.f32 v13  }
0x1dc: {  	vm4 =	veq.f32 v5, v15  }
0x1dd: {  	v5 =	vnsel vm4, $0x10, v41  }
0x1de: {  	v55 =	vperm.xlane v5, v0;
	_ =	sdelay $0x1  }
0x1df: {  	vm4 =	vlt.s32 v5, v55  }
0x1e0: {  	v5 =	vsel vm4, v5, v55;
	vm4 =	veq.f32 v4, v11  }
0x1e1: {  	v4 =	vperm.xlane v5, v1;
	v11 =	vnsel vm4, $0x10, v41  }
0x1e2: {  	v57 =	vperm.xlane v11, v0;
	v56 =	vpop (erf)  }
0x1e3: {  	vm4 =	vlt.s32 v5, v4;
	v58 =	vpop (erf)  }
0x1e4: {  	v4 =	vsel vm4, v5, v4;
	vm4 =	vlt.s32 v11, v57;
	v5 =	vadd.f32 $1.000000000e+00, v58  }
0x1e5: {  	v11 =	vsel vm4, v11, v57  }
0x1e6: {  	v15 =	vperm.xlane v11, v1;
	(erf) = vrcp.f32 v5  }
0x1e7: {  	v59 =	vperm.xlane v4, v2  }
0x1e8: {  	vm5 =	vlt.s32 v11, v15  }
0x1e9: {  	vm4 =	vlt.s32 v4, v59;
	v5 =	vsel vm5, v11, v15  }
0x1ea: {  	v4 =	vsel vm4, v4, v59;
	v15 =	vperm.xlane v5, v2  }
0x1eb: {  	s30 =	sshll.u32 s21, $0x1;
	s31 =	sshllo.u32 s21, $0x1;
	v11 =	vperm.xlane v4, v3  }
0x1ec: {  	s21 =	sadd.s32 $0x1, s21;
	v62 =	vmov s31;
	v60 =	vmov s30;
	vm5 =	vlt.s32 v5, v15  }
0x1ed: {  	p0 =	sne.s32 s21, $0x8;
	v16 =	vmul.f32 v56, v53;
	vm4 =	vlt.s32 v4, v11;
	v5 =	vsel vm5, v5, v15  }
.Ltmp4:
0x1ee: {  	vm6 =	veq.s32 v60, v41;
	v4 =	vsel vm4, v4, v11;
	v11 =	vperm.xlane v5, v3;
	(pc) =	sbr.rel @p0 .LBB2_8-.Ltmp4, $4  }
0x1ef: {  	v8 =	vsel vm6, v12, v8;
	v10 =	vsel vm6, v56, v10;
	v9 =	vsel vm6, v16, v9;
	v61 =	vpop (erf)  }
0x1f0: {  	vm5 =	veq.s32 v62, v41;
	vm4 =	vlt.s32 v5, v11;
	v63 =	vmul.f32 v61, v58  }
0x1f1: {  	v4 =	vsel vm6, v4, v7;
	v8 =	vsel vm5, v14, v8;
	v5 =	vsel vm4, v5, v11  }
0x1f2: {  	v7 =	vsel vm5, v5, v4;
	v10 =	vsel vm5, v61, v10;
	v9 =	vsel vm5, v63, v9  }
0x1f3: {  	[tilespmem:$0x10010] =	vst v10  }
0x1f4: {  	[tilespmem:$0x10090] =	vst v9  }
0x1f5: {  	[tilespmem:$0x10110] =	vst v8  }
0x1f6: {  	[tilespmem:$0x10190] =	vst v7  }
0x1f7: {  	[hbm4b:s7+s4] =	stream.linear.scatter [tilespmem:s15], [sflag:$0x1], $0x20, $0x38;
	[tilespmem:$0x10280] =	vst v63  }
0x1f8: {  	_ =	swait.ge [sflag:s12], $0x20  }
0x1f9: {  	[sflag:s12] =	ssyncset.done $0x0  }
0x1fa: {  	[sflag:s12] =	ssyncadd.s32 $0xFFFFFFE0  }
0x1fb: {  	[hbm4b:s8+s4] =	stream.linear.scatter [tilespmem:s16], [sflag:$0x1], $0x20, $0x38;
	[tilespmem:$0x10280] =	vst v63  }
0x1fc: {  	_ =	swait.ge [sflag:s12], $0x20  }
0x1fd: {  	[sflag:s12] =	ssyncset.done $0x0  }
0x1fe: {  	[sflag:s12] =	ssyncadd.s32 $0xFFFFFFE0  }
0x1ff: {  	[hbm4b:s9+s4] =	stream.linear.scatter [tilespmem:s17], [sflag:$0x1], $0x20, $0x38;
	[tilespmem:$0x10280] =	vst v63  }
0x200: {  	s19 =	sadd.s32 $0x1, s19;
	_ =	swait.ge [sflag:s12], $0x20  }
0x201: {  	p0 =	sne.s32 s19, s11;
	[sflag:s12] =	ssyncset.done $0x0  }
.Ltmp5:
0x202: {  	[sflag:s12] =	ssyncadd.s32 $0xFFFFFFE0;
	(pc) =	sbr.rel @p0 .LBB2_1-.Ltmp5, $4  }
0x203: {  	[hbm4b:s10+s4] =	stream.linear.scatter [tilespmem:s18], [sflag:$0x1], $0x20, $0x38;
	[tilespmem:$0x10280] =	vst v63  }
0x204: {  	_ =	swait.ge [sflag:s12], $0x20  }
0x205: {  	[sflag:s12] =	ssyncset.done $0x0  }
0x206: {  	[sflag:s12] =	ssyncadd.s32 $0xFFFFFFE0  }
0x207: {  	_ =	sfence.sel $0x180000  }
0x208: {  	[bflag:$0x0] =	sbarrier.arrive $0xFFFF  }
0x209: {  	p0 =	sne.s32 s3, $0x0;
	_ =	strace $0x90000047  }
0x20a: {  	s0 =	sadd.s32 @!p0 $0x100000, s2;
	[bflag:$0x2] =	sbarrier.arrive $0xFFFF  }
0x20b: {  	[sflag:s0] =	ssyncadd.tile.s32 @!p0 $0x1;
	_ =	shalt  }
.Lfunc_end2:
_tile_overlayer_lowered:
.L_overlay_start_2:
0x20c: {  	(tag) =	ssettag $0x2  }
0x20d: {  	s0 =	rddreg [dreg:$0x0];
	s2 =	stileid.u32  }
0x20e: {  	s1 =	rddreg [dreg:$0x1];
	p0 =	sne.s32 s2, $0x0  }
0x20f: {  	s3 =	rddreg [dreg:$0x2];
	[bflag:$0x3] =	sbarrier.arrive $0xFFFF;
	s2 =	simm.s32 @!p0 $0x1C01  }
0x210: {  	[timem:s3], [sflag:s2] =	dma.local @!p0 [hbm:s0], s1  }
0x211: {  	s0 =	simm.s32 @!p0 $0x1  }
0x212: {  	_ =	swait.ge @!p0 [sflag:s0], s1  }
0x213: {  	s1 =	ssub.s32 @!p0 $0x0, s1;
	[sflag:s0] =	ssyncset.done @!p0 $0x0  }
0x214: {  	[sflag:s0] =	ssyncadd.s32 @!p0 s1  }
0x215: {  	[bflag:$0x3] =	sbarrier.arrive $0xFFFF  }
0x216: {  	_ =	shalt  }

</sc_bundles>
